<compile_context>
chip_gen: v7x
topology: tpu7x:2x2x1
jax: 0.10.2.dev20260603
libtpu: 0.0.44.dev20260713+nightly
codegen_flags: <defaults>
</compile_context>

<pallas_src>
import functools

import jax
import jax.numpy as jnp
from jax import lax
from jax.experimental import pallas as pl
from jax.experimental.pallas import tpu as pltpu
from jax.experimental.pallas import tpu_sc as plsc

N = 10000
E = 320000
D = 128
H = 128
C = 16
G = 128

NB = 79
NP = NB * 128
NC, NS = 2, 16
NW = NC * NS
ACH = 128
EW = E // NW
NCH = EW // ACH
TAIL = EW - NCH * ACH
DCH = 128
ES = E // NS
DCF = ES // DCH
DTAIL = ES - DCF * DCH
STRIPE = NP // NS

_f32 = jnp.float32



def _deg_body(edge_hbm, z1_hbm, ones_hbm, deg_hbm, deg_sh, onesv, zv,
              didx0, didx1, didxt, dsem0, dsem1, dsemt, zsem):
    c = lax.axis_index("c")
    s = lax.axis_index("s")

    @pl.when(c == 0)
    def _():
        base = E + s * ES
        pltpu.sync_copy(z1_hbm, zv)
        pltpu.async_copy(zv, deg_sh.at[pl.ds(s * STRIPE, STRIPE)], zsem)
        pltpu.sync_copy(ones_hbm, onesv)
        pltpu.async_copy(edge_hbm.at[pl.ds(base, DCH)], didx0, dsem0)
        pltpu.async_copy(edge_hbm.at[pl.ds(base + DCH, DCH)], didx1, dsem1)
        pltpu.async_copy(edge_hbm.at[pl.ds(base + DCF * DCH, DTAIL)],
                         didxt, dsemt)
        pltpu.make_async_copy(zv, deg_sh.at[pl.ds(s * STRIPE, STRIPE)],
                              zsem).wait()
        plsc.subcore_barrier()

        def chunk(ci, didx, dsem):
            pltpu.make_async_copy(edge_hbm.at[pl.ds(base, DCH)],
                                  didx, dsem).wait()
            pltpu.sync_copy(onesv, deg_sh.at[didx], add=True)

            @pl.when(ci + 2 < DCF)
            def _():
                pltpu.async_copy(
                    edge_hbm.at[pl.ds(base + (ci + 2) * DCH, DCH)],
                    didx, dsem)

        def step(g, carry):
            chunk(2 * g, didx0, dsem0)
            chunk(2 * g + 1, didx1, dsem1)
            return carry

        lax.fori_loop(0, DCF // 2, step, 0)
        pltpu.make_async_copy(edge_hbm.at[pl.ds(base, DTAIL)],
                              didxt, dsemt).wait()
        pltpu.sync_copy(onesv.at[pl.ds(0, DTAIL)], deg_sh.at[didxt], add=True)
        plsc.subcore_barrier()
        pltpu.sync_copy(deg_sh.at[pl.ds(s * STRIPE, STRIPE)], zv)
        pltpu.sync_copy(zv, deg_hbm.at[pl.ds(s * STRIPE, STRIPE)])


_deg_call = functools.partial(
    pl.kernel,
    out_type=jax.ShapeDtypeStruct((NP,), _f32),
    mesh=plsc.VectorSubcoreMesh(core_axis_name="c", subcore_axis_name="s"),
    scratch_types=[
        pltpu.VMEM_SHARED((NP,), _f32),
        pltpu.VMEM((DCH,), _f32),
        pltpu.VMEM((STRIPE,), _f32),
        pltpu.VMEM((DCH,), jnp.int32),
        pltpu.VMEM((DCH,), jnp.int32),
        pltpu.VMEM((DTAIL,), jnp.int32),
        pltpu.SemaphoreType.DMA,
        pltpu.SemaphoreType.DMA,
        pltpu.SemaphoreType.DMA,
        pltpu.SemaphoreType.DMA,
    ],
)(_deg_body)



def _agg_body(hp_hbm, edge_hbm, z2_hbm, out_hbm,
              agg_sh, srcv, didx0, didx1, didxt, buf0, buf1, buft,
              sem0, sem1, semt, dsem0, dsem1, dsemt, zsem):
    c = lax.axis_index("c")
    s = lax.axis_index("s")
    w = c * NS + s
    base = w * EW
    pltpu.async_copy(z2_hbm, agg_sh.at[pl.ds(s * STRIPE, STRIPE)], zsem)
    pltpu.sync_copy(edge_hbm.at[pl.ds(base, EW)], srcv)
    pltpu.async_copy(hp_hbm.at[srcv.at[pl.ds(0, ACH)]], buf0, sem0)
    pltpu.async_copy(hp_hbm.at[srcv.at[pl.ds(ACH, ACH)]], buf1, sem1)
    pltpu.async_copy(hp_hbm.at[srcv.at[pl.ds(NCH * ACH, TAIL)]], buft, semt)
    pltpu.async_copy(edge_hbm.at[pl.ds(E + base, ACH)], didx0, dsem0)
    pltpu.async_copy(edge_hbm.at[pl.ds(E + base + ACH, ACH)], didx1, dsem1)
    pltpu.async_copy(edge_hbm.at[pl.ds(E + base + NCH * ACH, TAIL)],
                     didxt, dsemt)
    pltpu.make_async_copy(z2_hbm, agg_sh.at[pl.ds(s * STRIPE, STRIPE)],
                          zsem).wait()
    plsc.subcore_barrier()

    def chunk(ci, buf, sem, didx, dsem):
        pltpu.make_async_copy(hp_hbm.at[srcv.at[pl.ds(0, ACH)]],
                              buf, sem).wait()
        pltpu.make_async_copy(edge_hbm.at[pl.ds(E + base, ACH)],
                              didx, dsem).wait()
        pltpu.sync_copy(buf, agg_sh.at[didx], add=True)

        @pl.when(ci + 2 < NCH)
        def _():
            pltpu.async_copy(
                hp_hbm.at[srcv.at[pl.ds((ci + 2) * ACH, ACH)]], buf, sem)
            pltpu.async_copy(
                edge_hbm.at[pl.ds(E + base + (ci + 2) * ACH, ACH)],
                didx, dsem)

    def step(g, carry):
        chunk(2 * g, buf0, sem0, didx0, dsem0)
        chunk(2 * g + 1, buf1, sem1, didx1, dsem1)
        return carry

    lax.fori_loop(0, NCH // 2, step, 0)
    pltpu.make_async_copy(hp_hbm.at[srcv.at[pl.ds(0, TAIL)]],
                          buft, semt).wait()
    pltpu.make_async_copy(edge_hbm.at[pl.ds(E + base, TAIL)],
                          didxt, dsemt).wait()
    pltpu.sync_copy(buft, agg_sh.at[didxt], add=True)
    plsc.subcore_barrier()
    pltpu.sync_copy(agg_sh.at[pl.ds(s * STRIPE, STRIPE)],
                    out_hbm.at[c, pl.ds(s * STRIPE, STRIPE)])


_agg_call = functools.partial(
    pl.kernel,
    out_type=jax.ShapeDtypeStruct((NC, NP, H), _f32),
    mesh=plsc.VectorSubcoreMesh(core_axis_name="c", subcore_axis_name="s"),
    scratch_types=[
        pltpu.VMEM_SHARED((NP, H), _f32),
        pltpu.VMEM((EW,), jnp.int32),
        pltpu.VMEM((ACH,), jnp.int32),
        pltpu.VMEM((ACH,), jnp.int32),
        pltpu.VMEM((TAIL,), jnp.int32),
        pltpu.VMEM((ACH, H), _f32),
        pltpu.VMEM((ACH, H), _f32),
        pltpu.VMEM((TAIL, H), _f32),
        pltpu.SemaphoreType.DMA,
        pltpu.SemaphoreType.DMA,
        pltpu.SemaphoreType.DMA,
        pltpu.SemaphoreType.DMA,
        pltpu.SemaphoreType.DMA,
        pltpu.SemaphoreType.DMA,
        pltpu.SemaphoreType.DMA,
    ],
)(_agg_body)



NBLK = 4
RB = NP // NBLK


def _mm1_body(x_ref, w_ref, deg_ref, hp_ref, dinv_ref):
    dinv = lax.rsqrt(deg_ref[...] + 1.0)
    dinv_ref[...] = dinv
    hp_ref[...] = jnp.dot(x_ref[...], w_ref[...],
                          preferred_element_type=_f32) * dinv


_mm1_call = pl.pallas_call(
    _mm1_body,
    grid=(NBLK,),
    in_specs=[
        pl.BlockSpec((RB, D), lambda i: (i, 0)),
        pl.BlockSpec((D, H), lambda i: (0, 0)),
        pl.BlockSpec((RB, 1), lambda i: (i, 0)),
    ],
    out_specs=[
        pl.BlockSpec((RB, H), lambda i: (i, 0)),
        pl.BlockSpec((RB, 1), lambda i: (i, 0)),
    ],
    out_shape=[
        jax.ShapeDtypeStruct((NP, H), _f32),
        jax.ShapeDtypeStruct((NP, 1), _f32),
    ],
)



def _mm2_body(a_ref, hp_ref, dinv_ref, b_ref, w_ref, hpn_ref):
    agg = a_ref[0] + a_ref[1] + hp_ref[...]
    h = jnp.maximum(agg * dinv_ref[...] + b_ref[...], 0.0)
    hpn_ref[...] = jnp.dot(h, w_ref[...],
                           preferred_element_type=_f32) * dinv_ref[...]


_mm2_call = pl.pallas_call(
    _mm2_body,
    grid=(NBLK,),
    in_specs=[
        pl.BlockSpec((2, RB, H), lambda i: (0, i, 0)),
        pl.BlockSpec((RB, H), lambda i: (i, 0)),
        pl.BlockSpec((RB, 1), lambda i: (i, 0)),
        pl.BlockSpec((1, H), lambda i: (0, 0)),
        pl.BlockSpec((H, H), lambda i: (0, 0)),
    ],
    out_specs=pl.BlockSpec((RB, H), lambda i: (i, 0)),
    out_shape=jax.ShapeDtypeStruct((NP, H), _f32),
)



def _final_body(a_ref, hp_ref, dinv_ref, b_ref, batch_ref, wl_ref, bl_ref,
                out_ref, psum_ref, cnt_ref):
    i = pl.program_id(0)

    @pl.when(i == 0)
    def _():
        psum_ref[...] = jnp.zeros((G, H), _f32)
        cnt_ref[...] = jnp.zeros((G, 1), _f32)

    h3 = (a_ref[0] + a_ref[1] + hp_ref[...]) * dinv_ref[...] + b_ref[...]
    ohT = (lax.broadcasted_iota(jnp.int32, (RB, G), 1)
           == batch_ref[...]).astype(_f32)
    dims = (((0,), (0,)), ((), ()))
    psum_ref[...] += lax.dot_general(ohT, h3, dims,
                                     preferred_element_type=_f32)
    cnt_ref[...] += lax.dot_general(ohT, jnp.ones((RB, 1), _f32), dims,
                                    preferred_element_type=_f32)

    @pl.when(i == NBLK - 1)
    def _():
        pooled = psum_ref[...] / jnp.maximum(cnt_ref[...], 1.0)
        out_ref[...] = jnp.dot(pooled, wl_ref[...],
                               preferred_element_type=_f32) + bl_ref[...]


_final_call = pl.pallas_call(
    _final_body,
    grid=(NBLK,),
    in_specs=[
        pl.BlockSpec((2, RB, H), lambda i: (0, i, 0)),
        pl.BlockSpec((RB, H), lambda i: (i, 0)),
        pl.BlockSpec((RB, 1), lambda i: (i, 0)),
        pl.BlockSpec((1, H), lambda i: (0, 0)),
        pl.BlockSpec((RB, 1), lambda i: (i, 0)),
        pl.BlockSpec((H, C), lambda i: (0, 0)),
        pl.BlockSpec((1, C), lambda i: (0, 0)),
    ],
    out_specs=pl.BlockSpec((G, C), lambda i: (0, 0)),
    out_shape=jax.ShapeDtypeStruct((G, C), _f32),
    scratch_shapes=[
        pltpu.VMEM((G, H), _f32),
        pltpu.VMEM((G, 1), _f32),
    ],
)


def kernel(x, edge_index, batch, W1, b1, W2, b2, W3, b3, Wl, bl):
    eflat = edge_index.reshape(2 * E)
    xp = jnp.pad(x, ((0, NP - N), (0, 0)))
    batchp = jnp.concatenate(
        [batch, jnp.full((NP - N,), G, jnp.int32)]).reshape(NP, 1)
    z1 = jnp.zeros((STRIPE,), _f32)
    z2 = jnp.zeros((STRIPE, 128), _f32)
    ones1 = jnp.ones((DCH,), _f32)

    deg = _deg_call(eflat, z1, ones1)
    hp1, dinv = _mm1_call(xp, W1, deg.reshape(NP, 1))
    a1 = _agg_call(hp1, eflat, z2)
    hp2 = _mm2_call(a1, hp1, dinv, b1.reshape(1, H), W2)
    a2 = _agg_call(hp2, eflat, z2)
    hp3 = _mm2_call(a2, hp2, dinv, b2.reshape(1, H), W3)
    a3 = _agg_call(hp3, eflat, z2)
    return _final_call(a3, hp3, dinv, b3.reshape(1, H), batchp,
                       Wl, bl.reshape(1, C))

# --- scband reference (transcript-rebuilt; emitter-appended) ---
"""Pipeline reference for scband-gcnmodel-20040317403818 (READ-ONLY COPY).

The authoritative reference and input builder live on the scoring server;
editing this copy changes nothing except your own understanding.
"""

import jax, jax.numpy as jnp
import numpy as np

N = 10000   # nodes
E = 320000  # edges
D = 128     # num_features
H = 128     # hidden_channels
C = 16      # num_classes
G = 128     # graphs in batch


def setup_inputs(seed: int = 0) -> dict:
    key = jax.random.key(seed)
    ks = jax.random.split(key, 12)
    x = jax.random.normal(ks[0], (N, D), dtype=jnp.float32)
    edge_index = jax.random.randint(ks[1], (2, E), 0, N, dtype=jnp.int32)
    batch = jnp.sort(jax.random.randint(ks[2], (N,), 0, G, dtype=jnp.int32))
    def glorot(k, fan_in, fan_out):
        lim = jnp.sqrt(6.0 / (fan_in + fan_out))
        return jax.random.uniform(k, (fan_in, fan_out), dtype=jnp.float32, minval=-lim, maxval=lim)
    W1 = glorot(ks[3], D, H)
    b1 = jnp.zeros((H,), jnp.float32)
    W2 = glorot(ks[4], H, H)
    b2 = jnp.zeros((H,), jnp.float32)
    W3 = glorot(ks[5], H, H)
    b3 = jnp.zeros((H,), jnp.float32)
    Wl = glorot(ks[6], H, C)
    bl = jnp.zeros((C,), jnp.float32)
    return {"x": x, "edge_index": edge_index, "batch": batch,
            "W1": W1, "b1": b1, "W2": W2, "b2": b2, "W3": W3, "b3": b3,
            "Wl": Wl, "bl": bl}


def _gcn_conv(x, edge_index, W, b):
    # GCNConv with symmetric normalization and self-loops (PyG default)
    src = edge_index[0]
    dst = edge_index[1]
    loop = jnp.arange(N, dtype=src.dtype)
    src = jnp.concatenate([src, loop])
    dst = jnp.concatenate([dst, loop])
    deg = jnp.zeros((N,), x.dtype).at[dst].add(1.0)
    dinv = jnp.where(deg > 0, jax.lax.rsqrt(jnp.maximum(deg, 1e-12)), 0.0)
    norm = dinv[src] * dinv[dst]
    h = x @ W
    msg = h[src] * norm[:, None]
    out = jnp.zeros((N, W.shape[1]), x.dtype).at[dst].add(msg)
    return out + b


def reference(x, edge_index, batch, W1, b1, W2, b2, W3, b3, Wl, bl):
    h = jax.nn.relu(_gcn_conv(x, edge_index, W1, b1))
    h = jax.nn.relu(_gcn_conv(h, edge_index, W2, b2))
    h = _gcn_conv(h, edge_index, W3, b3)
    # global_mean_pool over graph ids
    s = jax.ops.segment_sum(h, batch, num_segments=G)
    cnt = jax.ops.segment_sum(jnp.ones((N, 1), h.dtype), batch, num_segments=G)
    pooled = s / jnp.maximum(cnt, 1.0)
    # dropout p=0.25 is identity in eval mode
    return pooled @ Wl + bl

if __name__ == "__main__":
    import jax
    _d = setup_inputs()
    print(jax.jit(kernel)(*tuple(_d.values())))

</pallas_src>

<mosaic_0001>
#map = affine_map<(d0, d1) -> (0, 0)>
#map1 = affine_map<(d0, d1) -> (0)>
#map2 = affine_map<(d0, d1) -> (0, 0, 0)>
module attributes {stable_mosaic.version = 14 : i64} {
  func.func @_agg_body(%arg0: i32, %arg1: i32, %arg2: memref<10112x128xf32, #tpu.memory_space<hbm>>, %arg3: memref<640000xi32, #tpu.memory_space<hbm>>, %arg4: memref<632x128xf32, #tpu.memory_space<hbm>>, %arg5: memref<2x10112x128xf32, #tpu.memory_space<hbm>>, %arg6: memref<10112x128xf32, #tpu.memory_space<vmem_shared>>, %arg7: memref<10000xi32, #tpu.memory_space<vmem>>, %arg8: memref<128xi32, #tpu.memory_space<vmem>>, %arg9: memref<128xi32, #tpu.memory_space<vmem>>, %arg10: memref<16xi32, #tpu.memory_space<vmem>>, %arg11: memref<128x128xf32, #tpu.memory_space<vmem>>, %arg12: memref<128x128xf32, #tpu.memory_space<vmem>>, %arg13: memref<16x128xf32, #tpu.memory_space<vmem>>, %arg14: memref<!tpu.dma_semaphore, #tpu.memory_space<semaphore_mem>>, %arg15: memref<!tpu.dma_semaphore, #tpu.memory_space<semaphore_mem>>, %arg16: memref<!tpu.dma_semaphore, #tpu.memory_space<semaphore_mem>>, %arg17: memref<!tpu.dma_semaphore, #tpu.memory_space<semaphore_mem>>, %arg18: memref<!tpu.dma_semaphore, #tpu.memory_space<semaphore_mem>>, %arg19: memref<!tpu.dma_semaphore, #tpu.memory_space<semaphore_mem>>, %arg20: memref<!tpu.dma_semaphore, #tpu.memory_space<semaphore_mem>>) attributes {dimension_semantics = [#tpu.dimension_semantics<core_parallel>, #tpu.dimension_semantics<subcore_parallel>], iteration_bounds = array<i64: 2, 16>, scalar_prefetch = 0 : i64, scratch_operands = 15 : i64, tpu.core_type = #tpu.core_type<sc_vector_subcore>, window_params = [{transform_indices = #map}, {transform_indices = #map1}, {transform_indices = #map}, {transform_indices = #map2}]} {
    %mul3A = arith.constant 16 : i32
    %mul3A_0 = arith.muli %arg0, %mul3A : i32
    %add3A = arith.addi %mul3A_0, %arg1 : i32
    %mul3A_1 = arith.constant 10000 : i32
    %mul3A_2 = arith.muli %add3A, %mul3A_1 : i32
    %mul3A_3 = arith.constant 632 : i32
    %mul3A_4 = arith.muli %arg1, %mul3A_3 : i32
    %dma_start3A = arith.constant 0 : i32
    %dma_start3A_5 = tpu.memref_slice %arg6[%mul3A_4, %dma_start3A] : memref<10112x128xf32, #tpu.memory_space<vmem_shared>> -> memref<632x128xf32, #tpu.memory_space<vmem_shared>>
    tpu.enqueue_dma source(%arg4 : memref<632x128xf32, #tpu.memory_space<hbm>>) target(%dma_start3A_5 : memref<632x128xf32, #tpu.memory_space<vmem_shared>>) target_semaphore(%arg20 : memref<!tpu.dma_semaphore, #tpu.memory_space<semaphore_mem>>)
    "tpu.region"() ({
      %run_scoped3A = tpu.sem_alloc : memref<!tpu.dma_semaphore, #tpu.memory_space<semaphore_mem>>
      %dma_start3A_59 = tpu.memref_slice %arg3[%mul3A_2] : memref<640000xi32, #tpu.memory_space<hbm>> -> memref<10000xi32, #tpu.memory_space<hbm>>
      %dma_start3A_60 = tpu.memref_slice %arg3[%mul3A_2] : memref<640000xi32, #tpu.memory_space<hbm>> -> memref<10000xi32, #tpu.memory_space<hbm>>
      tpu.enqueue_dma source(%dma_start3A_60 : memref<10000xi32, #tpu.memory_space<hbm>>) target(%arg7 : memref<10000xi32, #tpu.memory_space<vmem>>) target_semaphore(%run_scoped3A : memref<!tpu.dma_semaphore, #tpu.memory_space<semaphore_mem>>)
      %dma_wait3A_61 = tpu.memref_slice %arg3[%mul3A_2] : memref<640000xi32, #tpu.memory_space<hbm>> -> memref<10000xi32, #tpu.memory_space<hbm>>
      %dma_wait3A_62 = tpu.memref_slice %arg3[%mul3A_2] : memref<640000xi32, #tpu.memory_space<hbm>> -> memref<10000xi32, #tpu.memory_space<hbm>>
      tpu.wait_dma2 semaphore(%run_scoped3A : memref<!tpu.dma_semaphore, #tpu.memory_space<semaphore_mem>>) src(%dma_wait3A_62 : memref<10000xi32, #tpu.memory_space<hbm>>) dst(%arg7 : memref<10000xi32, #tpu.memory_space<vmem>>)
      tpu.yield
    }) : () -> ()
    %dma_start3A_6 = arith.constant 0 : i32
    %dma_start3A_7 = tpu.memref_slice %arg7[%dma_start3A_6] : memref<10000xi32, #tpu.memory_space<vmem>> -> memref<128xi32, #tpu.memory_space<vmem>>
    %dma_start3A_8 = arith.constant 0 : i32
    %dma_start3A_9 = arith.constant 0 : i32
    %dma_start3A_10 = tpu.memref_slice %arg2[%dma_start3A_8, %dma_start3A_9] : memref<10112x128xf32, #tpu.memory_space<hbm>> -> memref<10112x128xf32, #tpu.memory_space<hbm>>
    tpu.enqueue_indirect_dma source(%dma_start3A_10 : memref<10112x128xf32, #tpu.memory_space<hbm>>) target(%arg11 : memref<128x128xf32, #tpu.memory_space<vmem>>) offsets(%dma_start3A_7 : memref<128xi32, #tpu.memory_space<vmem>>) semaphore(%arg14 : memref<!tpu.dma_semaphore, #tpu.memory_space<semaphore_mem>>)
    %dma_start3A_11 = arith.constant 128 : i32
    %dma_start3A_12 = tpu.memref_slice %arg7[%dma_start3A_11] : memref<10000xi32, #tpu.memory_space<vmem>> -> memref<128xi32, #tpu.memory_space<vmem>>
    %dma_start3A_13 = arith.constant 0 : i32
    %dma_start3A_14 = arith.constant 0 : i32
    %dma_start3A_15 = tpu.memref_slice %arg2[%dma_start3A_13, %dma_start3A_14] : memref<10112x128xf32, #tpu.memory_space<hbm>> -> memref<10112x128xf32, #tpu.memory_space<hbm>>
    tpu.enqueue_indirect_dma source(%dma_start3A_15 : memref<10112x128xf32, #tpu.memory_space<hbm>>) target(%arg12 : memref<128x128xf32, #tpu.memory_space<vmem>>) offsets(%dma_start3A_12 : memref<128xi32, #tpu.memory_space<vmem>>) semaphore(%arg15 : memref<!tpu.dma_semaphore, #tpu.memory_space<semaphore_mem>>)
    %dma_start3A_16 = arith.constant 9984 : i32
    %dma_start3A_17 = tpu.memref_slice %arg7[%dma_start3A_16] : memref<10000xi32, #tpu.memory_space<vmem>> -> memref<16xi32, #tpu.memory_space<vmem>>
    %dma_start3A_18 = arith.constant 0 : i32
    %dma_start3A_19 = arith.constant 0 : i32
    %dma_start3A_20 = tpu.memref_slice %arg2[%dma_start3A_18, %dma_start3A_19] : memref<10112x128xf32, #tpu.memory_space<hbm>> -> memref<10112x128xf32, #tpu.memory_space<hbm>>
    tpu.enqueue_indirect_dma source(%dma_start3A_20 : memref<10112x128xf32, #tpu.memory_space<hbm>>) target(%arg13 : memref<16x128xf32, #tpu.memory_space<vmem>>) offsets(%dma_start3A_17 : memref<16xi32, #tpu.memory_space<vmem>>) semaphore(%arg16 : memref<!tpu.dma_semaphore, #tpu.memory_space<semaphore_mem>>)
    %add3A_21 = arith.constant 320000 : i32
    %add3A_22 = arith.addi %add3A_21, %mul3A_2 : i32
    %dma_start3A_23 = tpu.memref_slice %arg3[%add3A_22] : memref<640000xi32, #tpu.memory_space<hbm>> -> memref<128xi32, #tpu.memory_space<hbm>>
    %dma_start3A_24 = tpu.memref_slice %arg3[%add3A_22] : memref<640000xi32, #tpu.memory_space<hbm>> -> memref<128xi32, #tpu.memory_space<hbm>>
    tpu.enqueue_dma source(%dma_start3A_24 : memref<128xi32, #tpu.memory_space<hbm>>) target(%arg8 : memref<128xi32, #tpu.memory_space<vmem>>) target_semaphore(%arg17 : memref<!tpu.dma_semaphore, #tpu.memory_space<semaphore_mem>>)
    %add3A_25 = arith.constant 320000 : i32
    %add3A_26 = arith.addi %add3A_25, %mul3A_2 : i32
    %add3A_27 = arith.constant 128 : i32
    %add3A_28 = arith.addi %add3A_26, %add3A_27 : i32
    %dma_start3A_29 = tpu.memref_slice %arg3[%add3A_28] : memref<640000xi32, #tpu.memory_space<hbm>> -> memref<128xi32, #tpu.memory_space<hbm>>
    %dma_start3A_30 = tpu.memref_slice %arg3[%add3A_28] : memref<640000xi32, #tpu.memory_space<hbm>> -> memref<128xi32, #tpu.memory_space<hbm>>
    tpu.enqueue_dma source(%dma_start3A_30 : memref<128xi32, #tpu.memory_space<hbm>>) target(%arg9 : memref<128xi32, #tpu.memory_space<vmem>>) target_semaphore(%arg18 : memref<!tpu.dma_semaphore, #tpu.memory_space<semaphore_mem>>)
    %add3A_31 = arith.constant 320000 : i32
    %add3A_32 = arith.addi %add3A_31, %mul3A_2 : i32
    %add3A_33 = arith.constant 9984 : i32
    %add3A_34 = arith.addi %add3A_32, %add3A_33 : i32
    %dma_start3A_35 = tpu.memref_slice %arg3[%add3A_34] : memref<640000xi32, #tpu.memory_space<hbm>> -> memref<16xi32, #tpu.memory_space<hbm>>
    %dma_start3A_36 = tpu.memref_slice %arg3[%add3A_34] : memref<640000xi32, #tpu.memory_space<hbm>> -> memref<16xi32, #tpu.memory_space<hbm>>
    tpu.enqueue_dma source(%dma_start3A_36 : memref<16xi32, #tpu.memory_space<hbm>>) target(%arg10 : memref<16xi32, #tpu.memory_space<vmem>>) target_semaphore(%arg19 : memref<!tpu.dma_semaphore, #tpu.memory_space<semaphore_mem>>)
    %mul3A_37 = arith.constant 632 : i32
    %mul3A_38 = arith.muli %arg1, %mul3A_37 : i32
    %dma_wait3A = arith.constant 0 : i32
    %dma_wait3A_39 = tpu.memref_slice %arg6[%mul3A_38, %dma_wait3A] : memref<10112x128xf32, #tpu.memory_space<vmem_shared>> -> memref<632x128xf32, #tpu.memory_space<vmem_shared>>
    tpu.wait_dma2 semaphore(%arg20 : memref<!tpu.dma_semaphore, #tpu.memory_space<semaphore_mem>>) src(%arg4 : memref<632x128xf32, #tpu.memory_space<hbm>>) dst(%dma_wait3A_39 : memref<632x128xf32, #tpu.memory_space<vmem_shared>>)
    %barrier3A = arith.constant 0 : index
    tpu.barrier barrier_id(%barrier3A)
    %scan3A = arith.constant 0 : i32
    %scan3A_40 = arith.constant 0 : i32
    %scan3A_41 = arith.constant 39 : i32
    %scan3A_42 = arith.addi %scan3A_40, %scan3A_41 : i32
    %scan3A_43 = arith.constant 1 : i32
    scf.for %scan3A_59 = %scan3A_40 to %scan3A_42 step %scan3A_43  : i32 {
      %mul3A_60 = arith.constant 2 : i32
      %mul3A_61 = arith.muli %mul3A_60, %scan3A_59 : i32
      %dma_wait3A_62 = arith.constant 0 : i32
      %dma_wait3A_63 = tpu.memref_slice %arg7[%dma_wait3A_62] : memref<10000xi32, #tpu.memory_space<vmem>> -> memref<128xi32, #tpu.memory_space<vmem>>
      %dma_wait3A_64 = arith.constant 0 : i32
      %dma_wait3A_65 = arith.constant 0 : i32
      %dma_wait3A_66 = tpu.memref_slice %arg2[%dma_wait3A_64, %dma_wait3A_65] : memref<10112x128xf32, #tpu.memory_space<hbm>> -> memref<10112x128xf32, #tpu.memory_space<hbm>>
      tpu.wait_indirect_dma semaphore(%arg14 : memref<!tpu.dma_semaphore, #tpu.memory_space<semaphore_mem>>) src(%dma_wait3A_66 : memref<10112x128xf32, #tpu.memory_space<hbm>>) dst(%arg11 : memref<128x128xf32, #tpu.memory_space<vmem>>)
      %add3A_67 = arith.constant 320000 : i32
      %add3A_68 = arith.addi %add3A_67, %mul3A_2 : i32
      %dma_wait3A_69 = tpu.memref_slice %arg3[%add3A_68] : memref<640000xi32, #tpu.memory_space<hbm>> -> memref<128xi32, #tpu.memory_space<hbm>>
      %dma_wait3A_70 = tpu.memref_slice %arg3[%add3A_68] : memref<640000xi32, #tpu.memory_space<hbm>> -> memref<128xi32, #tpu.memory_space<hbm>>
      tpu.wait_dma2 semaphore(%arg17 : memref<!tpu.dma_semaphore, #tpu.memory_space<semaphore_mem>>) src(%dma_wait3A_70 : memref<128xi32, #tpu.memory_space<hbm>>) dst(%arg8 : memref<128xi32, #tpu.memory_space<vmem>>)
      "tpu.region"() ({
        %run_scoped3A = tpu.sem_alloc : memref<!tpu.dma_semaphore, #tpu.memory_space<semaphore_mem>>
        %dma_start3A_95 = arith.constant 0 : i32
        %dma_start3A_96 = arith.constant 0 : i32
        %dma_start3A_97 = tpu.memref_slice %arg6[%dma_start3A_95, %dma_start3A_96] : memref<10112x128xf32, #tpu.memory_space<vmem_shared>> -> memref<10112x128xf32, #tpu.memory_space<vmem_shared>>
        tpu.enqueue_indirect_dma source(%arg11 : memref<128x128xf32, #tpu.memory_space<vmem>>) target(%dma_start3A_97 : memref<10112x128xf32, #tpu.memory_space<vmem_shared>>) offsets(%arg8 : memref<128xi32, #tpu.memory_space<vmem>>) semaphore(%run_scoped3A : memref<!tpu.dma_semaphore, #tpu.memory_space<semaphore_mem>>) {add = true}
        %dma_wait3A_98 = arith.constant 0 : i32
        %dma_wait3A_99 = arith.constant 0 : i32
        %dma_wait3A_100 = tpu.memref_slice %arg6[%dma_wait3A_98, %dma_wait3A_99] : memref<10112x128xf32, #tpu.memory_space<vmem_shared>> -> memref<10112x128xf32, #tpu.memory_space<vmem_shared>>
        tpu.wait_indirect_dma semaphore(%run_scoped3A : memref<!tpu.dma_semaphore, #tpu.memory_space<semaphore_mem>>) src(%arg11 : memref<128x128xf32, #tpu.memory_space<vmem>>) dst(%dma_wait3A_100 : memref<10112x128xf32, #tpu.memory_space<vmem_shared>>)
        tpu.yield
      }) : () -> ()
      %add3A_71 = arith.constant 2 : i32
      %add3A_72 = arith.addi %mul3A_61, %add3A_71 : i32
      %lt3A = arith.constant 78 : i32
      %lt3A_73 = arith.cmpi slt, %add3A_72, %lt3A : i32
      %convert_element_type3A = arith.extui %lt3A_73 : i1 to i32
      %cond3A = arith.constant 0 : i32
      %cond3A_74 = arith.cmpi ne, %convert_element_type3A, %cond3A : i32
      scf.if %cond3A_74 {
        %add3A_95 = arith.constant 2 : i32
        %add3A_96 = arith.addi %mul3A_61, %add3A_95 : i32
        %mul3A_97 = arith.constant 128 : i32
        %mul3A_98 = arith.muli %add3A_96, %mul3A_97 : i32
        %dma_start3A_99 = tpu.memref_slice %arg7[%mul3A_98] : memref<10000xi32, #tpu.memory_space<vmem>> -> memref<128xi32, #tpu.memory_space<vmem>>
        %dma_start3A_100 = arith.constant 0 : i32
        %dma_start3A_101 = arith.constant 0 : i32
        %dma_start3A_102 = tpu.memref_slice %arg2[%dma_start3A_100, %dma_start3A_101] : memref<10112x128xf32, #tpu.memory_space<hbm>> -> memref<10112x128xf32, #tpu.memory_space<hbm>>
        tpu.enqueue_indirect_dma source(%dma_start3A_102 : memref<10112x128xf32, #tpu.memory_space<hbm>>) target(%arg11 : memref<128x128xf32, #tpu.memory_space<vmem>>) offsets(%dma_start3A_99 : memref<128xi32, #tpu.memory_space<vmem>>) semaphore(%arg14 : memref<!tpu.dma_semaphore, #tpu.memory_space<semaphore_mem>>)
        %add3A_103 = arith.constant 320000 : i32
        %add3A_104 = arith.addi %add3A_103, %mul3A_2 : i32
        %add3A_105 = arith.constant 2 : i32
        %add3A_106 = arith.addi %mul3A_61, %add3A_105 : i32
        %mul3A_107 = arith.constant 128 : i32
        %mul3A_108 = arith.muli %add3A_106, %mul3A_107 : i32
        %add3A_109 = arith.addi %add3A_104, %mul3A_108 : i32
        %dma_start3A_110 = tpu.memref_slice %arg3[%add3A_109] : memref<640000xi32, #tpu.memory_space<hbm>> -> memref<128xi32, #tpu.memory_space<hbm>>
        %dma_start3A_111 = tpu.memref_slice %arg3[%add3A_109] : memref<640000xi32, #tpu.memory_space<hbm>> -> memref<128xi32, #tpu.memory_space<hbm>>
        tpu.enqueue_dma source(%dma_start3A_111 : memref<128xi32, #tpu.memory_space<hbm>>) target(%arg8 : memref<128xi32, #tpu.memory_space<vmem>>) target_semaphore(%arg17 : memref<!tpu.dma_semaphore, #tpu.memory_space<semaphore_mem>>)
      } else {
      }
      %mul3A_75 = arith.constant 2 : i32
      %mul3A_76 = arith.muli %mul3A_75, %scan3A_59 : i32
      %add3A_77 = arith.constant 1 : i32
      %add3A_78 = arith.addi %mul3A_76, %add3A_77 : i32
      %dma_wait3A_79 = arith.constant 0 : i32
      %dma_wait3A_80 = tpu.memref_slice %arg7[%dma_wait3A_79] : memref<10000xi32, #tpu.memory_space<vmem>> -> memref<128xi32, #tpu.memory_space<vmem>>
      %dma_wait3A_81 = arith.constant 0 : i32
      %dma_wait3A_82 = arith.constant 0 : i32
      %dma_wait3A_83 = tpu.memref_slice %arg2[%dma_wait3A_81, %dma_wait3A_82] : memref<10112x128xf32, #tpu.memory_space<hbm>> -> memref<10112x128xf32, #tpu.memory_space<hbm>>
      tpu.wait_indirect_dma semaphore(%arg15 : memref<!tpu.dma_semaphore, #tpu.memory_space<semaphore_mem>>) src(%dma_wait3A_83 : memref<10112x128xf32, #tpu.memory_space<hbm>>) dst(%arg12 : memref<128x128xf32, #tpu.memory_space<vmem>>)
      %add3A_84 = arith.constant 320000 : i32
      %add3A_85 = arith.addi %add3A_84, %mul3A_2 : i32
      %dma_wait3A_86 = tpu.memref_slice %arg3[%add3A_85] : memref<640000xi32, #tpu.memory_space<hbm>> -> memref<128xi32, #tpu.memory_space<hbm>>
      %dma_wait3A_87 = tpu.memref_slice %arg3[%add3A_85] : memref<640000xi32, #tpu.memory_space<hbm>> -> memref<128xi32, #tpu.memory_space<hbm>>
      tpu.wait_dma2 semaphore(%arg18 : memref<!tpu.dma_semaphore, #tpu.memory_space<semaphore_mem>>) src(%dma_wait3A_87 : memref<128xi32, #tpu.memory_space<hbm>>) dst(%arg9 : memref<128xi32, #tpu.memory_space<vmem>>)
      "tpu.region"() ({
        %run_scoped3A = tpu.sem_alloc : memref<!tpu.dma_semaphore, #tpu.memory_space<semaphore_mem>>
        %dma_start3A_95 = arith.constant 0 : i32
        %dma_start3A_96 = arith.constant 0 : i32
        %dma_start3A_97 = tpu.memref_slice %arg6[%dma_start3A_95, %dma_start3A_96] : memref<10112x128xf32, #tpu.memory_space<vmem_shared>> -> memref<10112x128xf32, #tpu.memory_space<vmem_shared>>
        tpu.enqueue_indirect_dma source(%arg12 : memref<128x128xf32, #tpu.memory_space<vmem>>) target(%dma_start3A_97 : memref<10112x128xf32, #tpu.memory_space<vmem_shared>>) offsets(%arg9 : memref<128xi32, #tpu.memory_space<vmem>>) semaphore(%run_scoped3A : memref<!tpu.dma_semaphore, #tpu.memory_space<semaphore_mem>>) {add = true}
        %dma_wait3A_98 = arith.constant 0 : i32
        %dma_wait3A_99 = arith.constant 0 : i32
        %dma_wait3A_100 = tpu.memref_slice %arg6[%dma_wait3A_98, %dma_wait3A_99] : memref<10112x128xf32, #tpu.memory_space<vmem_shared>> -> memref<10112x128xf32, #tpu.memory_space<vmem_shared>>
        tpu.wait_indirect_dma semaphore(%run_scoped3A : memref<!tpu.dma_semaphore, #tpu.memory_space<semaphore_mem>>) src(%arg12 : memref<128x128xf32, #tpu.memory_space<vmem>>) dst(%dma_wait3A_100 : memref<10112x128xf32, #tpu.memory_space<vmem_shared>>)
        tpu.yield
      }) : () -> ()
      %add3A_88 = arith.constant 2 : i32
      %add3A_89 = arith.addi %add3A_78, %add3A_88 : i32
      %lt3A_90 = arith.constant 78 : i32
      %lt3A_91 = arith.cmpi slt, %add3A_89, %lt3A_90 : i32
      %convert_element_type3A_92 = arith.extui %lt3A_91 : i1 to i32
      %cond3A_93 = arith.constant 0 : i32
      %cond3A_94 = arith.cmpi ne, %convert_element_type3A_92, %cond3A_93 : i32
      scf.if %cond3A_94 {
        %add3A_95 = arith.constant 2 : i32
        %add3A_96 = arith.addi %add3A_78, %add3A_95 : i32
        %mul3A_97 = arith.constant 128 : i32
        %mul3A_98 = arith.muli %add3A_96, %mul3A_97 : i32
        %dma_start3A_99 = tpu.memref_slice %arg7[%mul3A_98] : memref<10000xi32, #tpu.memory_space<vmem>> -> memref<128xi32, #tpu.memory_space<vmem>>
        %dma_start3A_100 = arith.constant 0 : i32
        %dma_start3A_101 = arith.constant 0 : i32
        %dma_start3A_102 = tpu.memref_slice %arg2[%dma_start3A_100, %dma_start3A_101] : memref<10112x128xf32, #tpu.memory_space<hbm>> -> memref<10112x128xf32, #tpu.memory_space<hbm>>
        tpu.enqueue_indirect_dma source(%dma_start3A_102 : memref<10112x128xf32, #tpu.memory_space<hbm>>) target(%arg12 : memref<128x128xf32, #tpu.memory_space<vmem>>) offsets(%dma_start3A_99 : memref<128xi32, #tpu.memory_space<vmem>>) semaphore(%arg15 : memref<!tpu.dma_semaphore, #tpu.memory_space<semaphore_mem>>)
        %add3A_103 = arith.constant 320000 : i32
        %add3A_104 = arith.addi %add3A_103, %mul3A_2 : i32
        %add3A_105 = arith.constant 2 : i32
        %add3A_106 = arith.addi %add3A_78, %add3A_105 : i32
        %mul3A_107 = arith.constant 128 : i32
        %mul3A_108 = arith.muli %add3A_106, %mul3A_107 : i32
        %add3A_109 = arith.addi %add3A_104, %mul3A_108 : i32
        %dma_start3A_110 = tpu.memref_slice %arg3[%add3A_109] : memref<640000xi32, #tpu.memory_space<hbm>> -> memref<128xi32, #tpu.memory_space<hbm>>
        %dma_start3A_111 = tpu.memref_slice %arg3[%add3A_109] : memref<640000xi32, #tpu.memory_space<hbm>> -> memref<128xi32, #tpu.memory_space<hbm>>
        tpu.enqueue_dma source(%dma_start3A_111 : memref<128xi32, #tpu.memory_space<hbm>>) target(%arg9 : memref<128xi32, #tpu.memory_space<vmem>>) target_semaphore(%arg18 : memref<!tpu.dma_semaphore, #tpu.memory_space<semaphore_mem>>)
      } else {
      }
    }
    %scan3A_44 = arith.constant 39 : i32
    %dma_wait3A_45 = arith.constant 0 : i32
    %dma_wait3A_46 = tpu.memref_slice %arg7[%dma_wait3A_45] : memref<10000xi32, #tpu.memory_space<vmem>> -> memref<16xi32, #tpu.memory_space<vmem>>
    %dma_wait3A_47 = arith.constant 0 : i32
    %dma_wait3A_48 = arith.constant 0 : i32
    %dma_wait3A_49 = tpu.memref_slice %arg2[%dma_wait3A_47, %dma_wait3A_48] : memref<10112x128xf32, #tpu.memory_space<hbm>> -> memref<10112x128xf32, #tpu.memory_space<hbm>>
    tpu.wait_indirect_dma semaphore(%arg16 : memref<!tpu.dma_semaphore, #tpu.memory_space<semaphore_mem>>) src(%dma_wait3A_49 : memref<10112x128xf32, #tpu.memory_space<hbm>>) dst(%arg13 : memref<16x128xf32, #tpu.memory_space<vmem>>)
    %add3A_50 = arith.constant 320000 : i32
    %add3A_51 = arith.addi %add3A_50, %mul3A_2 : i32
    %dma_wait3A_52 = tpu.memref_slice %arg3[%add3A_51] : memref<640000xi32, #tpu.memory_space<hbm>> -> memref<16xi32, #tpu.memory_space<hbm>>
    %dma_wait3A_53 = tpu.memref_slice %arg3[%add3A_51] : memref<640000xi32, #tpu.memory_space<hbm>> -> memref<16xi32, #tpu.memory_space<hbm>>
    tpu.wait_dma2 semaphore(%arg19 : memref<!tpu.dma_semaphore, #tpu.memory_space<semaphore_mem>>) src(%dma_wait3A_53 : memref<16xi32, #tpu.memory_space<hbm>>) dst(%arg10 : memref<16xi32, #tpu.memory_space<vmem>>)
    "tpu.region"() ({
      %run_scoped3A = tpu.sem_alloc : memref<!tpu.dma_semaphore, #tpu.memory_space<semaphore_mem>>
      %dma_start3A_59 = arith.constant 0 : i32
      %dma_start3A_60 = arith.constant 0 : i32
      %dma_start3A_61 = tpu.memref_slice %arg6[%dma_start3A_59, %dma_start3A_60] : memref<10112x128xf32, #tpu.memory_space<vmem_shared>> -> memref<10112x128xf32, #tpu.memory_space<vmem_shared>>
      tpu.enqueue_indirect_dma source(%arg13 : memref<16x128xf32, #tpu.memory_space<vmem>>) target(%dma_start3A_61 : memref<10112x128xf32, #tpu.memory_space<vmem_shared>>) offsets(%arg10 : memref<16xi32, #tpu.memory_space<vmem>>) semaphore(%run_scoped3A : memref<!tpu.dma_semaphore, #tpu.memory_space<semaphore_mem>>) {add = true}
      %dma_wait3A_62 = arith.constant 0 : i32
      %dma_wait3A_63 = arith.constant 0 : i32
      %dma_wait3A_64 = tpu.memref_slice %arg6[%dma_wait3A_62, %dma_wait3A_63] : memref<10112x128xf32, #tpu.memory_space<vmem_shared>> -> memref<10112x128xf32, #tpu.memory_space<vmem_shared>>
      tpu.wait_indirect_dma semaphore(%run_scoped3A : memref<!tpu.dma_semaphore, #tpu.memory_space<semaphore_mem>>) src(%arg13 : memref<16x128xf32, #tpu.memory_space<vmem>>) dst(%dma_wait3A_64 : memref<10112x128xf32, #tpu.memory_space<vmem_shared>>)
      tpu.yield
    }) : () -> ()
    %barrier3A_54 = arith.constant 0 : index
    tpu.barrier barrier_id(%barrier3A_54)
    %mul3A_55 = arith.constant 632 : i32
    %mul3A_56 = arith.muli %arg1, %mul3A_55 : i32
    %mul3A_57 = arith.constant 632 : i32
    %mul3A_58 = arith.muli %arg1, %mul3A_57 : i32
    "tpu.region"() ({
      %run_scoped3A = tpu.sem_alloc : memref<!tpu.dma_semaphore, #tpu.memory_space<semaphore_mem>>
      %dma_start3A_59 = arith.constant 0 : i32
      %dma_start3A_60 = tpu.memref_slice %arg5[%arg0, %mul3A_58, %dma_start3A_59] : memref<2x10112x128xf32, #tpu.memory_space<hbm>> -> memref<1x632x128xf32, #tpu.memory_space<hbm>>
      %dma_start3A_61 = tpu.memref_squeeze %dma_start3A_60 : memref<1x632x128xf32, #tpu.memory_space<hbm>> -> memref<632x128xf32, #tpu.memory_space<hbm>>
      %dma_start3A_62 = arith.constant 0 : i32
      %dma_start3A_63 = tpu.memref_slice %arg6[%mul3A_56, %dma_start3A_62] : memref<10112x128xf32, #tpu.memory_space<vmem_shared>> -> memref<632x128xf32, #tpu.memory_space<vmem_shared>>
      tpu.enqueue_dma source(%dma_start3A_63 : memref<632x128xf32, #tpu.memory_space<vmem_shared>>) target(%dma_start3A_61 : memref<632x128xf32, #tpu.memory_space<hbm>>) target_semaphore(%run_scoped3A : memref<!tpu.dma_semaphore, #tpu.memory_space<semaphore_mem>>)
      %dma_wait3A_64 = arith.constant 0 : i32
      %dma_wait3A_65 = tpu.memref_slice %arg5[%arg0, %mul3A_58, %dma_wait3A_64] : memref<2x10112x128xf32, #tpu.memory_space<hbm>> -> memref<1x632x128xf32, #tpu.memory_space<hbm>>
      %dma_wait3A_66 = tpu.memref_squeeze %dma_wait3A_65 : memref<1x632x128xf32, #tpu.memory_space<hbm>> -> memref<632x128xf32, #tpu.memory_space<hbm>>
      %dma_wait3A_67 = arith.constant 0 : i32
      %dma_wait3A_68 = tpu.memref_slice %arg6[%mul3A_56, %dma_wait3A_67] : memref<10112x128xf32, #tpu.memory_space<vmem_shared>> -> memref<632x128xf32, #tpu.memory_space<vmem_shared>>
      tpu.wait_dma2 semaphore(%run_scoped3A : memref<!tpu.dma_semaphore, #tpu.memory_space<semaphore_mem>>) src(%dma_wait3A_68 : memref<632x128xf32, #tpu.memory_space<vmem_shared>>) dst(%dma_wait3A_66 : memref<632x128xf32, #tpu.memory_space<hbm>>)
      tpu.yield
    }) : () -> ()
    return
  }
}

#map = affine_map<(d0, d1) -> (0)>
module attributes {stable_mosaic.version = 14 : i64} {
  func.func @_deg_body(%arg0: i32, %arg1: i32, %arg2: memref<640000xi32, #tpu.memory_space<hbm>>, %arg3: memref<632xf32, #tpu.memory_space<hbm>>, %arg4: memref<128xf32, #tpu.memory_space<hbm>>, %arg5: memref<10112xf32, #tpu.memory_space<hbm>>, %arg6: memref<10112xf32, #tpu.memory_space<vmem_shared>>, %arg7: memref<128xf32, #tpu.memory_space<vmem>>, %arg8: memref<632xf32, #tpu.memory_space<vmem>>, %arg9: memref<128xi32, #tpu.memory_space<vmem>>, %arg10: memref<128xi32, #tpu.memory_space<vmem>>, %arg11: memref<32xi32, #tpu.memory_space<vmem>>, %arg12: memref<!tpu.dma_semaphore, #tpu.memory_space<semaphore_mem>>, %arg13: memref<!tpu.dma_semaphore, #tpu.memory_space<semaphore_mem>>, %arg14: memref<!tpu.dma_semaphore, #tpu.memory_space<semaphore_mem>>, %arg15: memref<!tpu.dma_semaphore, #tpu.memory_space<semaphore_mem>>) attributes {dimension_semantics = [#tpu.dimension_semantics<core_parallel>, #tpu.dimension_semantics<subcore_parallel>], iteration_bounds = array<i64: 2, 16>, scalar_prefetch = 0 : i64, scratch_operands = 10 : i64, tpu.core_type = #tpu.core_type<sc_vector_subcore>, window_params = [{transform_indices = #map}, {transform_indices = #map}, {transform_indices = #map}, {transform_indices = #map}]} {
    %eq3A = arith.constant 0 : i32
    %eq3A_0 = arith.cmpi eq, %arg0, %eq3A : i32
    %convert_element_type3A = arith.extui %eq3A_0 : i1 to i32
    %cond3A = arith.constant 0 : i32
    %cond3A_1 = arith.cmpi ne, %convert_element_type3A, %cond3A : i32
    scf.if %cond3A_1 {
      %mul3A = arith.constant 20000 : i32
      %mul3A_2 = arith.muli %arg1, %mul3A : i32
      %add3A = arith.constant 320000 : i32
      %add3A_3 = arith.addi %add3A, %mul3A_2 : i32
      "tpu.region"() ({
        %run_scoped3A = tpu.sem_alloc : memref<!tpu.dma_semaphore, #tpu.memory_space<semaphore_mem>>
        tpu.enqueue_dma source(%arg3 : memref<632xf32, #tpu.memory_space<hbm>>) target(%arg8 : memref<632xf32, #tpu.memory_space<vmem>>) target_semaphore(%run_scoped3A : memref<!tpu.dma_semaphore, #tpu.memory_space<semaphore_mem>>)
        tpu.wait_dma2 semaphore(%run_scoped3A : memref<!tpu.dma_semaphore, #tpu.memory_space<semaphore_mem>>) src(%arg3 : memref<632xf32, #tpu.memory_space<hbm>>) dst(%arg8 : memref<632xf32, #tpu.memory_space<vmem>>)
        tpu.yield
      }) : () -> ()
      %mul3A_4 = arith.constant 632 : i32
      %mul3A_5 = arith.muli %arg1, %mul3A_4 : i32
      %dma_start3A = tpu.memref_slice %arg6[%mul3A_5] : memref<10112xf32, #tpu.memory_space<vmem_shared>> -> memref<632xf32, #tpu.memory_space<vmem_shared>>
      %dma_start3A_6 = tpu.memref_slice %arg6[%mul3A_5] : memref<10112xf32, #tpu.memory_space<vmem_shared>> -> memref<632xf32, #tpu.memory_space<vmem_shared>>
      tpu.enqueue_dma source(%arg8 : memref<632xf32, #tpu.memory_space<vmem>>) target(%dma_start3A_6 : memref<632xf32, #tpu.memory_space<vmem_shared>>) target_semaphore(%arg15 : memref<!tpu.dma_semaphore, #tpu.memory_space<semaphore_mem>>)
      "tpu.region"() ({
        %run_scoped3A = tpu.sem_alloc : memref<!tpu.dma_semaphore, #tpu.memory_space<semaphore_mem>>
        tpu.enqueue_dma source(%arg4 : memref<128xf32, #tpu.memory_space<hbm>>) target(%arg7 : memref<128xf32, #tpu.memory_space<vmem>>) target_semaphore(%run_scoped3A : memref<!tpu.dma_semaphore, #tpu.memory_space<semaphore_mem>>)
        tpu.wait_dma2 semaphore(%run_scoped3A : memref<!tpu.dma_semaphore, #tpu.memory_space<semaphore_mem>>) src(%arg4 : memref<128xf32, #tpu.memory_space<hbm>>) dst(%arg7 : memref<128xf32, #tpu.memory_space<vmem>>)
        tpu.yield
      }) : () -> ()
      %dma_start3A_7 = tpu.memref_slice %arg2[%add3A_3] : memref<640000xi32, #tpu.memory_space<hbm>> -> memref<128xi32, #tpu.memory_space<hbm>>
      %dma_start3A_8 = tpu.memref_slice %arg2[%add3A_3] : memref<640000xi32, #tpu.memory_space<hbm>> -> memref<128xi32, #tpu.memory_space<hbm>>
      tpu.enqueue_dma source(%dma_start3A_8 : memref<128xi32, #tpu.memory_space<hbm>>) target(%arg9 : memref<128xi32, #tpu.memory_space<vmem>>) target_semaphore(%arg12 : memref<!tpu.dma_semaphore, #tpu.memory_space<semaphore_mem>>)
      %add3A_9 = arith.constant 128 : i32
      %add3A_10 = arith.addi %add3A_3, %add3A_9 : i32
      %dma_start3A_11 = tpu.memref_slice %arg2[%add3A_10] : memref<640000xi32, #tpu.memory_space<hbm>> -> memref<128xi32, #tpu.memory_space<hbm>>
      %dma_start3A_12 = tpu.memref_slice %arg2[%add3A_10] : memref<640000xi32, #tpu.memory_space<hbm>> -> memref<128xi32, #tpu.memory_space<hbm>>
      tpu.enqueue_dma source(%dma_start3A_12 : memref<128xi32, #tpu.memory_space<hbm>>) target(%arg10 : memref<128xi32, #tpu.memory_space<vmem>>) target_semaphore(%arg13 : memref<!tpu.dma_semaphore, #tpu.memory_space<semaphore_mem>>)
      %add3A_13 = arith.constant 19968 : i32
      %add3A_14 = arith.addi %add3A_3, %add3A_13 : i32
      %dma_start3A_15 = tpu.memref_slice %arg2[%add3A_14] : memref<640000xi32, #tpu.memory_space<hbm>> -> memref<32xi32, #tpu.memory_space<hbm>>
      %dma_start3A_16 = tpu.memref_slice %arg2[%add3A_14] : memref<640000xi32, #tpu.memory_space<hbm>> -> memref<32xi32, #tpu.memory_space<hbm>>
      tpu.enqueue_dma source(%dma_start3A_16 : memref<32xi32, #tpu.memory_space<hbm>>) target(%arg11 : memref<32xi32, #tpu.memory_space<vmem>>) target_semaphore(%arg14 : memref<!tpu.dma_semaphore, #tpu.memory_space<semaphore_mem>>)
      %mul3A_17 = arith.constant 632 : i32
      %mul3A_18 = arith.muli %arg1, %mul3A_17 : i32
      %dma_wait3A = tpu.memref_slice %arg6[%mul3A_18] : memref<10112xf32, #tpu.memory_space<vmem_shared>> -> memref<632xf32, #tpu.memory_space<vmem_shared>>
      %dma_wait3A_19 = tpu.memref_slice %arg6[%mul3A_18] : memref<10112xf32, #tpu.memory_space<vmem_shared>> -> memref<632xf32, #tpu.memory_space<vmem_shared>>
      tpu.wait_dma2 semaphore(%arg15 : memref<!tpu.dma_semaphore, #tpu.memory_space<semaphore_mem>>) src(%arg8 : memref<632xf32, #tpu.memory_space<vmem>>) dst(%dma_wait3A_19 : memref<632xf32, #tpu.memory_space<vmem_shared>>)
      %barrier3A = arith.constant 0 : index
      tpu.barrier barrier_id(%barrier3A)
      %scan3A = arith.constant 0 : i32
      %scan3A_20 = arith.constant 0 : i32
      %scan3A_21 = arith.constant 78 : i32
      %scan3A_22 = arith.addi %scan3A_20, %scan3A_21 : i32
      %scan3A_23 = arith.constant 1 : i32
      scf.for %scan3A_32 = %scan3A_20 to %scan3A_22 step %scan3A_23  : i32 {
        %mul3A_33 = arith.constant 2 : i32
        %mul3A_34 = arith.muli %mul3A_33, %scan3A_32 : i32
        %dma_wait3A_35 = tpu.memref_slice %arg2[%add3A_3] : memref<640000xi32, #tpu.memory_space<hbm>> -> memref<128xi32, #tpu.memory_space<hbm>>
        %dma_wait3A_36 = tpu.memref_slice %arg2[%add3A_3] : memref<640000xi32, #tpu.memory_space<hbm>> -> memref<128xi32, #tpu.memory_space<hbm>>
        tpu.wait_dma2 semaphore(%arg12 : memref<!tpu.dma_semaphore, #tpu.memory_space<semaphore_mem>>) src(%dma_wait3A_36 : memref<128xi32, #tpu.memory_space<hbm>>) dst(%arg9 : memref<128xi32, #tpu.memory_space<vmem>>)
        "tpu.region"() ({
          %run_scoped3A = tpu.sem_alloc : memref<!tpu.dma_semaphore, #tpu.memory_space<semaphore_mem>>
          %dma_start3A_56 = arith.constant 0 : i32
          %dma_start3A_57 = tpu.memref_slice %arg6[%dma_start3A_56] : memref<10112xf32, #tpu.memory_space<vmem_shared>> -> memref<10112xf32, #tpu.memory_space<vmem_shared>>
          tpu.enqueue_indirect_dma source(%arg7 : memref<128xf32, #tpu.memory_space<vmem>>) target(%dma_start3A_57 : memref<10112xf32, #tpu.memory_space<vmem_shared>>) offsets(%arg9 : memref<128xi32, #tpu.memory_space<vmem>>) semaphore(%run_scoped3A : memref<!tpu.dma_semaphore, #tpu.memory_space<semaphore_mem>>) {add = true}
          %dma_wait3A_58 = arith.constant 0 : i32
          %dma_wait3A_59 = tpu.memref_slice %arg6[%dma_wait3A_58] : memref<10112xf32, #tpu.memory_space<vmem_shared>> -> memref<10112xf32, #tpu.memory_space<vmem_shared>>
          tpu.wait_indirect_dma semaphore(%run_scoped3A : memref<!tpu.dma_semaphore, #tpu.memory_space<semaphore_mem>>) src(%arg7 : memref<128xf32, #tpu.memory_space<vmem>>) dst(%dma_wait3A_59 : memref<10112xf32, #tpu.memory_space<vmem_shared>>)
          tpu.yield
        }) : () -> ()
        %add3A_37 = arith.constant 2 : i32
        %add3A_38 = arith.addi %mul3A_34, %add3A_37 : i32
        %lt3A = arith.constant 156 : i32
        %lt3A_39 = arith.cmpi slt, %add3A_38, %lt3A : i32
        %convert_element_type3A_40 = arith.extui %lt3A_39 : i1 to i32
        %cond3A_41 = arith.constant 0 : i32
        %cond3A_42 = arith.cmpi ne, %convert_element_type3A_40, %cond3A_41 : i32
        scf.if %cond3A_42 {
          %add3A_56 = arith.constant 2 : i32
          %add3A_57 = arith.addi %mul3A_34, %add3A_56 : i32
          %mul3A_58 = arith.constant 128 : i32
          %mul3A_59 = arith.muli %add3A_57, %mul3A_58 : i32
          %add3A_60 = arith.addi %add3A_3, %mul3A_59 : i32
          %dma_start3A_61 = tpu.memref_slice %arg2[%add3A_60] : memref<640000xi32, #tpu.memory_space<hbm>> -> memref<128xi32, #tpu.memory_space<hbm>>
          %dma_start3A_62 = tpu.memref_slice %arg2[%add3A_60] : memref<640000xi32, #tpu.memory_space<hbm>> -> memref<128xi32, #tpu.memory_space<hbm>>
          tpu.enqueue_dma source(%dma_start3A_62 : memref<128xi32, #tpu.memory_space<hbm>>) target(%arg9 : memref<128xi32, #tpu.memory_space<vmem>>) target_semaphore(%arg12 : memref<!tpu.dma_semaphore, #tpu.memory_space<semaphore_mem>>)
        } else {
        }
        %mul3A_43 = arith.constant 2 : i32
        %mul3A_44 = arith.muli %mul3A_43, %scan3A_32 : i32
        %add3A_45 = arith.constant 1 : i32
        %add3A_46 = arith.addi %mul3A_44, %add3A_45 : i32
        %dma_wait3A_47 = tpu.memref_slice %arg2[%add3A_3] : memref<640000xi32, #tpu.memory_space<hbm>> -> memref<128xi32, #tpu.memory_space<hbm>>
        %dma_wait3A_48 = tpu.memref_slice %arg2[%add3A_3] : memref<640000xi32, #tpu.memory_space<hbm>> -> memref<128xi32, #tpu.memory_space<hbm>>
        tpu.wait_dma2 semaphore(%arg13 : memref<!tpu.dma_semaphore, #tpu.memory_space<semaphore_mem>>) src(%dma_wait3A_48 : memref<128xi32, #tpu.memory_space<hbm>>) dst(%arg10 : memref<128xi32, #tpu.memory_space<vmem>>)
        "tpu.region"() ({
          %run_scoped3A = tpu.sem_alloc : memref<!tpu.dma_semaphore, #tpu.memory_space<semaphore_mem>>
          %dma_start3A_56 = arith.constant 0 : i32
          %dma_start3A_57 = tpu.memref_slice %arg6[%dma_start3A_56] : memref<10112xf32, #tpu.memory_space<vmem_shared>> -> memref<10112xf32, #tpu.memory_space<vmem_shared>>
          tpu.enqueue_indirect_dma source(%arg7 : memref<128xf32, #tpu.memory_space<vmem>>) target(%dma_start3A_57 : memref<10112xf32, #tpu.memory_space<vmem_shared>>) offsets(%arg10 : memref<128xi32, #tpu.memory_space<vmem>>) semaphore(%run_scoped3A : memref<!tpu.dma_semaphore, #tpu.memory_space<semaphore_mem>>) {add = true}
          %dma_wait3A_58 = arith.constant 0 : i32
          %dma_wait3A_59 = tpu.memref_slice %arg6[%dma_wait3A_58] : memref<10112xf32, #tpu.memory_space<vmem_shared>> -> memref<10112xf32, #tpu.memory_space<vmem_shared>>
          tpu.wait_indirect_dma semaphore(%run_scoped3A : memref<!tpu.dma_semaphore, #tpu.memory_space<semaphore_mem>>) src(%arg7 : memref<128xf32, #tpu.memory_space<vmem>>) dst(%dma_wait3A_59 : memref<10112xf32, #tpu.memory_space<vmem_shared>>)
          tpu.yield
        }) : () -> ()
        %add3A_49 = arith.constant 2 : i32
        %add3A_50 = arith.addi %add3A_46, %add3A_49 : i32
        %lt3A_51 = arith.constant 156 : i32
        %lt3A_52 = arith.cmpi slt, %add3A_50, %lt3A_51 : i32
        %convert_element_type3A_53 = arith.extui %lt3A_52 : i1 to i32
        %cond3A_54 = arith.constant 0 : i32
        %cond3A_55 = arith.cmpi ne, %convert_element_type3A_53, %cond3A_54 : i32
        scf.if %cond3A_55 {
          %add3A_56 = arith.constant 2 : i32
          %add3A_57 = arith.addi %add3A_46, %add3A_56 : i32
          %mul3A_58 = arith.constant 128 : i32
          %mul3A_59 = arith.muli %add3A_57, %mul3A_58 : i32
          %add3A_60 = arith.addi %add3A_3, %mul3A_59 : i32
          %dma_start3A_61 = tpu.memref_slice %arg2[%add3A_60] : memref<640000xi32, #tpu.memory_space<hbm>> -> memref<128xi32, #tpu.memory_space<hbm>>
          %dma_start3A_62 = tpu.memref_slice %arg2[%add3A_60] : memref<640000xi32, #tpu.memory_space<hbm>> -> memref<128xi32, #tpu.memory_space<hbm>>
          tpu.enqueue_dma source(%dma_start3A_62 : memref<128xi32, #tpu.memory_space<hbm>>) target(%arg10 : memref<128xi32, #tpu.memory_space<vmem>>) target_semaphore(%arg13 : memref<!tpu.dma_semaphore, #tpu.memory_space<semaphore_mem>>)
        } else {
        }
      }
      %scan3A_24 = arith.constant 78 : i32
      %dma_wait3A_25 = tpu.memref_slice %arg2[%add3A_3] : memref<640000xi32, #tpu.memory_space<hbm>> -> memref<32xi32, #tpu.memory_space<hbm>>
      %dma_wait3A_26 = tpu.memref_slice %arg2[%add3A_3] : memref<640000xi32, #tpu.memory_space<hbm>> -> memref<32xi32, #tpu.memory_space<hbm>>
      tpu.wait_dma2 semaphore(%arg14 : memref<!tpu.dma_semaphore, #tpu.memory_space<semaphore_mem>>) src(%dma_wait3A_26 : memref<32xi32, #tpu.memory_space<hbm>>) dst(%arg11 : memref<32xi32, #tpu.memory_space<vmem>>)
      "tpu.region"() ({
        %run_scoped3A = tpu.sem_alloc : memref<!tpu.dma_semaphore, #tpu.memory_space<semaphore_mem>>
        %dma_start3A_32 = arith.constant 0 : i32
        %dma_start3A_33 = tpu.memref_slice %arg7[%dma_start3A_32] : memref<128xf32, #tpu.memory_space<vmem>> -> memref<32xf32, #tpu.memory_space<vmem>>
        %dma_start3A_34 = arith.constant 0 : i32
        %dma_start3A_35 = tpu.memref_slice %arg6[%dma_start3A_34] : memref<10112xf32, #tpu.memory_space<vmem_shared>> -> memref<10112xf32, #tpu.memory_space<vmem_shared>>
        tpu.enqueue_indirect_dma source(%dma_start3A_33 : memref<32xf32, #tpu.memory_space<vmem>>) target(%dma_start3A_35 : memref<10112xf32, #tpu.memory_space<vmem_shared>>) offsets(%arg11 : memref<32xi32, #tpu.memory_space<vmem>>) semaphore(%run_scoped3A : memref<!tpu.dma_semaphore, #tpu.memory_space<semaphore_mem>>) {add = true}
        %dma_wait3A_36 = arith.constant 0 : i32
        %dma_wait3A_37 = tpu.memref_slice %arg7[%dma_wait3A_36] : memref<128xf32, #tpu.memory_space<vmem>> -> memref<32xf32, #tpu.memory_space<vmem>>
        %dma_wait3A_38 = arith.constant 0 : i32
        %dma_wait3A_39 = tpu.memref_slice %arg6[%dma_wait3A_38] : memref<10112xf32, #tpu.memory_space<vmem_shared>> -> memref<10112xf32, #tpu.memory_space<vmem_shared>>
        tpu.wait_indirect_dma semaphore(%run_scoped3A : memref<!tpu.dma_semaphore, #tpu.memory_space<semaphore_mem>>) src(%dma_wait3A_37 : memref<32xf32, #tpu.memory_space<vmem>>) dst(%dma_wait3A_39 : memref<10112xf32, #tpu.memory_space<vmem_shared>>)
        tpu.yield
      }) : () -> ()
      %barrier3A_27 = arith.constant 0 : index
      tpu.barrier barrier_id(%barrier3A_27)
      %mul3A_28 = arith.constant 632 : i32
      %mul3A_29 = arith.muli %arg1, %mul3A_28 : i32
      "tpu.region"() ({
        %run_scoped3A = tpu.sem_alloc : memref<!tpu.dma_semaphore, #tpu.memory_space<semaphore_mem>>
        %dma_start3A_32 = tpu.memref_slice %arg6[%mul3A_29] : memref<10112xf32, #tpu.memory_space<vmem_shared>> -> memref<632xf32, #tpu.memory_space<vmem_shared>>
        %dma_start3A_33 = tpu.memref_slice %arg6[%mul3A_29] : memref<10112xf32, #tpu.memory_space<vmem_shared>> -> memref<632xf32, #tpu.memory_space<vmem_shared>>
        tpu.enqueue_dma source(%dma_start3A_33 : memref<632xf32, #tpu.memory_space<vmem_shared>>) target(%arg8 : memref<632xf32, #tpu.memory_space<vmem>>) target_semaphore(%run_scoped3A : memref<!tpu.dma_semaphore, #tpu.memory_space<semaphore_mem>>)
        %dma_wait3A_34 = tpu.memref_slice %arg6[%mul3A_29] : memref<10112xf32, #tpu.memory_space<vmem_shared>> -> memref<632xf32, #tpu.memory_space<vmem_shared>>
        %dma_wait3A_35 = tpu.memref_slice %arg6[%mul3A_29] : memref<10112xf32, #tpu.memory_space<vmem_shared>> -> memref<632xf32, #tpu.memory_space<vmem_shared>>
        tpu.wait_dma2 semaphore(%run_scoped3A : memref<!tpu.dma_semaphore, #tpu.memory_space<semaphore_mem>>) src(%dma_wait3A_35 : memref<632xf32, #tpu.memory_space<vmem_shared>>) dst(%arg8 : memref<632xf32, #tpu.memory_space<vmem>>)
        tpu.yield
      }) : () -> ()
      %mul3A_30 = arith.constant 632 : i32
      %mul3A_31 = arith.muli %arg1, %mul3A_30 : i32
      "tpu.region"() ({
        %run_scoped3A = tpu.sem_alloc : memref<!tpu.dma_semaphore, #tpu.memory_space<semaphore_mem>>
        %dma_start3A_32 = tpu.memref_slice %arg5[%mul3A_31] : memref<10112xf32, #tpu.memory_space<hbm>> -> memref<632xf32, #tpu.memory_space<hbm>>
        %dma_start3A_33 = tpu.memref_slice %arg5[%mul3A_31] : memref<10112xf32, #tpu.memory_space<hbm>> -> memref<632xf32, #tpu.memory_space<hbm>>
        tpu.enqueue_dma source(%arg8 : memref<632xf32, #tpu.memory_space<vmem>>) target(%dma_start3A_33 : memref<632xf32, #tpu.memory_space<hbm>>) target_semaphore(%run_scoped3A : memref<!tpu.dma_semaphore, #tpu.memory_space<semaphore_mem>>)
        %dma_wait3A_34 = tpu.memref_slice %arg5[%mul3A_31] : memref<10112xf32, #tpu.memory_space<hbm>> -> memref<632xf32, #tpu.memory_space<hbm>>
        %dma_wait3A_35 = tpu.memref_slice %arg5[%mul3A_31] : memref<10112xf32, #tpu.memory_space<hbm>> -> memref<632xf32, #tpu.memory_space<hbm>>
        tpu.wait_dma2 semaphore(%run_scoped3A : memref<!tpu.dma_semaphore, #tpu.memory_space<semaphore_mem>>) src(%arg8 : memref<632xf32, #tpu.memory_space<vmem>>) dst(%dma_wait3A_35 : memref<632xf32, #tpu.memory_space<hbm>>)
        tpu.yield
      }) : () -> ()
    } else {
    }
    return
  }
}

#map = affine_map<(d0, d1) -> (0, 0)>
#map1 = affine_map<(d0, d1) -> (0)>
#map2 = affine_map<(d0, d1) -> (0, 0, 0)>
module attributes {stable_mosaic.version = 14 : i64} {
  func.func @_agg_body(%arg0: i32, %arg1: i32, %arg2: memref<10112x128xf32, #tpu.memory_space<hbm>>, %arg3: memref<640000xi32, #tpu.memory_space<hbm>>, %arg4: memref<632x128xf32, #tpu.memory_space<hbm>>, %arg5: memref<2x10112x128xf32, #tpu.memory_space<hbm>>, %arg6: memref<10112x128xf32, #tpu.memory_space<vmem_shared>>, %arg7: memref<10000xi32, #tpu.memory_space<vmem>>, %arg8: memref<128xi32, #tpu.memory_space<vmem>>, %arg9: memref<128xi32, #tpu.memory_space<vmem>>, %arg10: memref<16xi32, #tpu.memory_space<vmem>>, %arg11: memref<128x128xf32, #tpu.memory_space<vmem>>, %arg12: memref<128x128xf32, #tpu.memory_space<vmem>>, %arg13: memref<16x128xf32, #tpu.memory_space<vmem>>, %arg14: memref<!tpu.dma_semaphore, #tpu.memory_space<semaphore_mem>>, %arg15: memref<!tpu.dma_semaphore, #tpu.memory_space<semaphore_mem>>, %arg16: memref<!tpu.dma_semaphore, #tpu.memory_space<semaphore_mem>>, %arg17: memref<!tpu.dma_semaphore, #tpu.memory_space<semaphore_mem>>, %arg18: memref<!tpu.dma_semaphore, #tpu.memory_space<semaphore_mem>>, %arg19: memref<!tpu.dma_semaphore, #tpu.memory_space<semaphore_mem>>, %arg20: memref<!tpu.dma_semaphore, #tpu.memory_space<semaphore_mem>>) attributes {dimension_semantics = [#tpu.dimension_semantics<core_parallel>, #tpu.dimension_semantics<subcore_parallel>], iteration_bounds = array<i64: 2, 16>, scalar_prefetch = 0 : i64, scratch_operands = 15 : i64, tpu.core_type = #tpu.core_type<sc_vector_subcore>, window_params = [{transform_indices = #map}, {transform_indices = #map1}, {transform_indices = #map}, {transform_indices = #map2}]} {
    %mul3A = arith.constant 16 : i32
    %mul3A_0 = arith.muli %arg0, %mul3A : i32
    %add3A = arith.addi %mul3A_0, %arg1 : i32
    %mul3A_1 = arith.constant 10000 : i32
    %mul3A_2 = arith.muli %add3A, %mul3A_1 : i32
    %mul3A_3 = arith.constant 632 : i32
    %mul3A_4 = arith.muli %arg1, %mul3A_3 : i32
    %dma_start3A = arith.constant 0 : i32
    %dma_start3A_5 = tpu.memref_slice %arg6[%mul3A_4, %dma_start3A] : memref<10112x128xf32, #tpu.memory_space<vmem_shared>> -> memref<632x128xf32, #tpu.memory_space<vmem_shared>>
    tpu.enqueue_dma source(%arg4 : memref<632x128xf32, #tpu.memory_space<hbm>>) target(%dma_start3A_5 : memref<632x128xf32, #tpu.memory_space<vmem_shared>>) target_semaphore(%arg20 : memref<!tpu.dma_semaphore, #tpu.memory_space<semaphore_mem>>)
    "tpu.region"() ({
      %run_scoped3A = tpu.sem_alloc : memref<!tpu.dma_semaphore, #tpu.memory_space<semaphore_mem>>
      %dma_start3A_59 = tpu.memref_slice %arg3[%mul3A_2] : memref<640000xi32, #tpu.memory_space<hbm>> -> memref<10000xi32, #tpu.memory_space<hbm>>
      %dma_start3A_60 = tpu.memref_slice %arg3[%mul3A_2] : memref<640000xi32, #tpu.memory_space<hbm>> -> memref<10000xi32, #tpu.memory_space<hbm>>
      tpu.enqueue_dma source(%dma_start3A_60 : memref<10000xi32, #tpu.memory_space<hbm>>) target(%arg7 : memref<10000xi32, #tpu.memory_space<vmem>>) target_semaphore(%run_scoped3A : memref<!tpu.dma_semaphore, #tpu.memory_space<semaphore_mem>>)
      %dma_wait3A_61 = tpu.memref_slice %arg3[%mul3A_2] : memref<640000xi32, #tpu.memory_space<hbm>> -> memref<10000xi32, #tpu.memory_space<hbm>>
      %dma_wait3A_62 = tpu.memref_slice %arg3[%mul3A_2] : memref<640000xi32, #tpu.memory_space<hbm>> -> memref<10000xi32, #tpu.memory_space<hbm>>
      tpu.wait_dma2 semaphore(%run_scoped3A : memref<!tpu.dma_semaphore, #tpu.memory_space<semaphore_mem>>) src(%dma_wait3A_62 : memref<10000xi32, #tpu.memory_space<hbm>>) dst(%arg7 : memref<10000xi32, #tpu.memory_space<vmem>>)
      tpu.yield
    }) : () -> ()
    %dma_start3A_6 = arith.constant 0 : i32
    %dma_start3A_7 = tpu.memref_slice %arg7[%dma_start3A_6] : memref<10000xi32, #tpu.memory_space<vmem>> -> memref<128xi32, #tpu.memory_space<vmem>>
    %dma_start3A_8 = arith.constant 0 : i32
    %dma_start3A_9 = arith.constant 0 : i32
    %dma_start3A_10 = tpu.memref_slice %arg2[%dma_start3A_8, %dma_start3A_9] : memref<10112x128xf32, #tpu.memory_space<hbm>> -> memref<10112x128xf32, #tpu.memory_space<hbm>>
    tpu.enqueue_indirect_dma source(%dma_start3A_10 : memref<10112x128xf32, #tpu.memory_space<hbm>>) target(%arg11 : memref<128x128xf32, #tpu.memory_space<vmem>>) offsets(%dma_start3A_7 : memref<128xi32, #tpu.memory_space<vmem>>) semaphore(%arg14 : memref<!tpu.dma_semaphore, #tpu.memory_space<semaphore_mem>>)
    %dma_start3A_11 = arith.constant 128 : i32
    %dma_start3A_12 = tpu.memref_slice %arg7[%dma_start3A_11] : memref<10000xi32, #tpu.memory_space<vmem>> -> memref<128xi32, #tpu.memory_space<vmem>>
    %dma_start3A_13 = arith.constant 0 : i32
    %dma_start3A_14 = arith.constant 0 : i32
    %dma_start3A_15 = tpu.memref_slice %arg2[%dma_start3A_13, %dma_start3A_14] : memref<10112x128xf32, #tpu.memory_space<hbm>> -> memref<10112x128xf32, #tpu.memory_space<hbm>>
    tpu.enqueue_indirect_dma source(%dma_start3A_15 : memref<10112x128xf32, #tpu.memory_space<hbm>>) target(%arg12 : memref<128x128xf32, #tpu.memory_space<vmem>>) offsets(%dma_start3A_12 : memref<128xi32, #tpu.memory_space<vmem>>) semaphore(%arg15 : memref<!tpu.dma_semaphore, #tpu.memory_space<semaphore_mem>>)
    %dma_start3A_16 = arith.constant 9984 : i32
    %dma_start3A_17 = tpu.memref_slice %arg7[%dma_start3A_16] : memref<10000xi32, #tpu.memory_space<vmem>> -> memref<16xi32, #tpu.memory_space<vmem>>
    %dma_start3A_18 = arith.constant 0 : i32
    %dma_start3A_19 = arith.constant 0 : i32
    %dma_start3A_20 = tpu.memref_slice %arg2[%dma_start3A_18, %dma_start3A_19] : memref<10112x128xf32, #tpu.memory_space<hbm>> -> memref<10112x128xf32, #tpu.memory_space<hbm>>
    tpu.enqueue_indirect_dma source(%dma_start3A_20 : memref<10112x128xf32, #tpu.memory_space<hbm>>) target(%arg13 : memref<16x128xf32, #tpu.memory_space<vmem>>) offsets(%dma_start3A_17 : memref<16xi32, #tpu.memory_space<vmem>>) semaphore(%arg16 : memref<!tpu.dma_semaphore, #tpu.memory_space<semaphore_mem>>)
    %add3A_21 = arith.constant 320000 : i32
    %add3A_22 = arith.addi %add3A_21, %mul3A_2 : i32
    %dma_start3A_23 = tpu.memref_slice %arg3[%add3A_22] : memref<640000xi32, #tpu.memory_space<hbm>> -> memref<128xi32, #tpu.memory_space<hbm>>
    %dma_start3A_24 = tpu.memref_slice %arg3[%add3A_22] : memref<640000xi32, #tpu.memory_space<hbm>> -> memref<128xi32, #tpu.memory_space<hbm>>
    tpu.enqueue_dma source(%dma_start3A_24 : memref<128xi32, #tpu.memory_space<hbm>>) target(%arg8 : memref<128xi32, #tpu.memory_space<vmem>>) target_semaphore(%arg17 : memref<!tpu.dma_semaphore, #tpu.memory_space<semaphore_mem>>)
    %add3A_25 = arith.constant 320000 : i32
    %add3A_26 = arith.addi %add3A_25, %mul3A_2 : i32
    %add3A_27 = arith.constant 128 : i32
    %add3A_28 = arith.addi %add3A_26, %add3A_27 : i32
    %dma_start3A_29 = tpu.memref_slice %arg3[%add3A_28] : memref<640000xi32, #tpu.memory_space<hbm>> -> memref<128xi32, #tpu.memory_space<hbm>>
    %dma_start3A_30 = tpu.memref_slice %arg3[%add3A_28] : memref<640000xi32, #tpu.memory_space<hbm>> -> memref<128xi32, #tpu.memory_space<hbm>>
    tpu.enqueue_dma source(%dma_start3A_30 : memref<128xi32, #tpu.memory_space<hbm>>) target(%arg9 : memref<128xi32, #tpu.memory_space<vmem>>) target_semaphore(%arg18 : memref<!tpu.dma_semaphore, #tpu.memory_space<semaphore_mem>>)
    %add3A_31 = arith.constant 320000 : i32
    %add3A_32 = arith.addi %add3A_31, %mul3A_2 : i32
    %add3A_33 = arith.constant 9984 : i32
    %add3A_34 = arith.addi %add3A_32, %add3A_33 : i32
    %dma_start3A_35 = tpu.memref_slice %arg3[%add3A_34] : memref<640000xi32, #tpu.memory_space<hbm>> -> memref<16xi32, #tpu.memory_space<hbm>>
    %dma_start3A_36 = tpu.memref_slice %arg3[%add3A_34] : memref<640000xi32, #tpu.memory_space<hbm>> -> memref<16xi32, #tpu.memory_space<hbm>>
    tpu.enqueue_dma source(%dma_start3A_36 : memref<16xi32, #tpu.memory_space<hbm>>) target(%arg10 : memref<16xi32, #tpu.memory_space<vmem>>) target_semaphore(%arg19 : memref<!tpu.dma_semaphore, #tpu.memory_space<semaphore_mem>>)
    %mul3A_37 = arith.constant 632 : i32
    %mul3A_38 = arith.muli %arg1, %mul3A_37 : i32
    %dma_wait3A = arith.constant 0 : i32
    %dma_wait3A_39 = tpu.memref_slice %arg6[%mul3A_38, %dma_wait3A] : memref<10112x128xf32, #tpu.memory_space<vmem_shared>> -> memref<632x128xf32, #tpu.memory_space<vmem_shared>>
    tpu.wait_dma2 semaphore(%arg20 : memref<!tpu.dma_semaphore, #tpu.memory_space<semaphore_mem>>) src(%arg4 : memref<632x128xf32, #tpu.memory_space<hbm>>) dst(%dma_wait3A_39 : memref<632x128xf32, #tpu.memory_space<vmem_shared>>)
    %barrier3A = arith.constant 0 : index
    tpu.barrier barrier_id(%barrier3A)
    %scan3A = arith.constant 0 : i32
    %scan3A_40 = arith.constant 0 : i32
    %scan3A_41 = arith.constant 39 : i32
    %scan3A_42 = arith.addi %scan3A_40, %scan3A_41 : i32
    %scan3A_43 = arith.constant 1 : i32
    scf.for %scan3A_59 = %scan3A_40 to %scan3A_42 step %scan3A_43  : i32 {
      %mul3A_60 = arith.constant 2 : i32
      %mul3A_61 = arith.muli %mul3A_60, %scan3A_59 : i32
      %dma_wait3A_62 = arith.constant 0 : i32
      %dma_wait3A_63 = tpu.memref_slice %arg7[%dma_wait3A_62] : memref<10000xi32, #tpu.memory_space<vmem>> -> memref<128xi32, #tpu.memory_space<vmem>>
      %dma_wait3A_64 = arith.constant 0 : i32
      %dma_wait3A_65 = arith.constant 0 : i32
      %dma_wait3A_66 = tpu.memref_slice %arg2[%dma_wait3A_64, %dma_wait3A_65] : memref<10112x128xf32, #tpu.memory_space<hbm>> -> memref<10112x128xf32, #tpu.memory_space<hbm>>
      tpu.wait_indirect_dma semaphore(%arg14 : memref<!tpu.dma_semaphore, #tpu.memory_space<semaphore_mem>>) src(%dma_wait3A_66 : memref<10112x128xf32, #tpu.memory_space<hbm>>) dst(%arg11 : memref<128x128xf32, #tpu.memory_space<vmem>>)
      %add3A_67 = arith.constant 320000 : i32
      %add3A_68 = arith.addi %add3A_67, %mul3A_2 : i32
      %dma_wait3A_69 = tpu.memref_slice %arg3[%add3A_68] : memref<640000xi32, #tpu.memory_space<hbm>> -> memref<128xi32, #tpu.memory_space<hbm>>
      %dma_wait3A_70 = tpu.memref_slice %arg3[%add3A_68] : memref<640000xi32, #tpu.memory_space<hbm>> -> memref<128xi32, #tpu.memory_space<hbm>>
      tpu.wait_dma2 semaphore(%arg17 : memref<!tpu.dma_semaphore, #tpu.memory_space<semaphore_mem>>) src(%dma_wait3A_70 : memref<128xi32, #tpu.memory_space<hbm>>) dst(%arg8 : memref<128xi32, #tpu.memory_space<vmem>>)
      "tpu.region"() ({
        %run_scoped3A = tpu.sem_alloc : memref<!tpu.dma_semaphore, #tpu.memory_space<semaphore_mem>>
        %dma_start3A_95 = arith.constant 0 : i32
        %dma_start3A_96 = arith.constant 0 : i32
        %dma_start3A_97 = tpu.memref_slice %arg6[%dma_start3A_95, %dma_start3A_96] : memref<10112x128xf32, #tpu.memory_space<vmem_shared>> -> memref<10112x128xf32, #tpu.memory_space<vmem_shared>>
        tpu.enqueue_indirect_dma source(%arg11 : memref<128x128xf32, #tpu.memory_space<vmem>>) target(%dma_start3A_97 : memref<10112x128xf32, #tpu.memory_space<vmem_shared>>) offsets(%arg8 : memref<128xi32, #tpu.memory_space<vmem>>) semaphore(%run_scoped3A : memref<!tpu.dma_semaphore, #tpu.memory_space<semaphore_mem>>) {add = true}
        %dma_wait3A_98 = arith.constant 0 : i32
        %dma_wait3A_99 = arith.constant 0 : i32
        %dma_wait3A_100 = tpu.memref_slice %arg6[%dma_wait3A_98, %dma_wait3A_99] : memref<10112x128xf32, #tpu.memory_space<vmem_shared>> -> memref<10112x128xf32, #tpu.memory_space<vmem_shared>>
        tpu.wait_indirect_dma semaphore(%run_scoped3A : memref<!tpu.dma_semaphore, #tpu.memory_space<semaphore_mem>>) src(%arg11 : memref<128x128xf32, #tpu.memory_space<vmem>>) dst(%dma_wait3A_100 : memref<10112x128xf32, #tpu.memory_space<vmem_shared>>)
        tpu.yield
      }) : () -> ()
      %add3A_71 = arith.constant 2 : i32
      %add3A_72 = arith.addi %mul3A_61, %add3A_71 : i32
      %lt3A = arith.constant 78 : i32
      %lt3A_73 = arith.cmpi slt, %add3A_72, %lt3A : i32
      %convert_element_type3A = arith.extui %lt3A_73 : i1 to i32
      %cond3A = arith.constant 0 : i32
      %cond3A_74 = arith.cmpi ne, %convert_element_type3A, %cond3A : i32
      scf.if %cond3A_74 {
        %add3A_95 = arith.constant 2 : i32
        %add3A_96 = arith.addi %mul3A_61, %add3A_95 : i32
        %mul3A_97 = arith.constant 128 : i32
        %mul3A_98 = arith.muli %add3A_96, %mul3A_97 : i32
        %dma_start3A_99 = tpu.memref_slice %arg7[%mul3A_98] : memref<10000xi32, #tpu.memory_space<vmem>> -> memref<128xi32, #tpu.memory_space<vmem>>
        %dma_start3A_100 = arith.constant 0 : i32
        %dma_start3A_101 = arith.constant 0 : i32
        %dma_start3A_102 = tpu.memref_slice %arg2[%dma_start3A_100, %dma_start3A_101] : memref<10112x128xf32, #tpu.memory_space<hbm>> -> memref<10112x128xf32, #tpu.memory_space<hbm>>
        tpu.enqueue_indirect_dma source(%dma_start3A_102 : memref<10112x128xf32, #tpu.memory_space<hbm>>) target(%arg11 : memref<128x128xf32, #tpu.memory_space<vmem>>) offsets(%dma_start3A_99 : memref<128xi32, #tpu.memory_space<vmem>>) semaphore(%arg14 : memref<!tpu.dma_semaphore, #tpu.memory_space<semaphore_mem>>)
        %add3A_103 = arith.constant 320000 : i32
        %add3A_104 = arith.addi %add3A_103, %mul3A_2 : i32
        %add3A_105 = arith.constant 2 : i32
        %add3A_106 = arith.addi %mul3A_61, %add3A_105 : i32
        %mul3A_107 = arith.constant 128 : i32
        %mul3A_108 = arith.muli %add3A_106, %mul3A_107 : i32
        %add3A_109 = arith.addi %add3A_104, %mul3A_108 : i32
        %dma_start3A_110 = tpu.memref_slice %arg3[%add3A_109] : memref<640000xi32, #tpu.memory_space<hbm>> -> memref<128xi32, #tpu.memory_space<hbm>>
        %dma_start3A_111 = tpu.memref_slice %arg3[%add3A_109] : memref<640000xi32, #tpu.memory_space<hbm>> -> memref<128xi32, #tpu.memory_space<hbm>>
        tpu.enqueue_dma source(%dma_start3A_111 : memref<128xi32, #tpu.memory_space<hbm>>) target(%arg8 : memref<128xi32, #tpu.memory_space<vmem>>) target_semaphore(%arg17 : memref<!tpu.dma_semaphore, #tpu.memory_space<semaphore_mem>>)
      } else {
      }
      %mul3A_75 = arith.constant 2 : i32
      %mul3A_76 = arith.muli %mul3A_75, %scan3A_59 : i32
      %add3A_77 = arith.constant 1 : i32
      %add3A_78 = arith.addi %mul3A_76, %add3A_77 : i32
      %dma_wait3A_79 = arith.constant 0 : i32
      %dma_wait3A_80 = tpu.memref_slice %arg7[%dma_wait3A_79] : memref<10000xi32, #tpu.memory_space<vmem>> -> memref<128xi32, #tpu.memory_space<vmem>>
      %dma_wait3A_81 = arith.constant 0 : i32
      %dma_wait3A_82 = arith.constant 0 : i32
      %dma_wait3A_83 = tpu.memref_slice %arg2[%dma_wait3A_81, %dma_wait3A_82] : memref<10112x128xf32, #tpu.memory_space<hbm>> -> memref<10112x128xf32, #tpu.memory_space<hbm>>
      tpu.wait_indirect_dma semaphore(%arg15 : memref<!tpu.dma_semaphore, #tpu.memory_space<semaphore_mem>>) src(%dma_wait3A_83 : memref<10112x128xf32, #tpu.memory_space<hbm>>) dst(%arg12 : memref<128x128xf32, #tpu.memory_space<vmem>>)
      %add3A_84 = arith.constant 320000 : i32
      %add3A_85 = arith.addi %add3A_84, %mul3A_2 : i32
      %dma_wait3A_86 = tpu.memref_slice %arg3[%add3A_85] : memref<640000xi32, #tpu.memory_space<hbm>> -> memref<128xi32, #tpu.memory_space<hbm>>
      %dma_wait3A_87 = tpu.memref_slice %arg3[%add3A_85] : memref<640000xi32, #tpu.memory_space<hbm>> -> memref<128xi32, #tpu.memory_space<hbm>>
      tpu.wait_dma2 semaphore(%arg18 : memref<!tpu.dma_semaphore, #tpu.memory_space<semaphore_mem>>) src(%dma_wait3A_87 : memref<128xi32, #tpu.memory_space<hbm>>) dst(%arg9 : memref<128xi32, #tpu.memory_space<vmem>>)
      "tpu.region"() ({
        %run_scoped3A = tpu.sem_alloc : memref<!tpu.dma_semaphore, #tpu.memory_space<semaphore_mem>>
        %dma_start3A_95 = arith.constant 0 : i32
        %dma_start3A_96 = arith.constant 0 : i32
        %dma_start3A_97 = tpu.memref_slice %arg6[%dma_start3A_95, %dma_start3A_96] : memref<10112x128xf32, #tpu.memory_space<vmem_shared>> -> memref<10112x128xf32, #tpu.memory_space<vmem_shared>>
        tpu.enqueue_indirect_dma source(%arg12 : memref<128x128xf32, #tpu.memory_space<vmem>>) target(%dma_start3A_97 : memref<10112x128xf32, #tpu.memory_space<vmem_shared>>) offsets(%arg9 : memref<128xi32, #tpu.memory_space<vmem>>) semaphore(%run_scoped3A : memref<!tpu.dma_semaphore, #tpu.memory_space<semaphore_mem>>) {add = true}
        %dma_wait3A_98 = arith.constant 0 : i32
        %dma_wait3A_99 = arith.constant 0 : i32
        %dma_wait3A_100 = tpu.memref_slice %arg6[%dma_wait3A_98, %dma_wait3A_99] : memref<10112x128xf32, #tpu.memory_space<vmem_shared>> -> memref<10112x128xf32, #tpu.memory_space<vmem_shared>>
        tpu.wait_indirect_dma semaphore(%run_scoped3A : memref<!tpu.dma_semaphore, #tpu.memory_space<semaphore_mem>>) src(%arg12 : memref<128x128xf32, #tpu.memory_space<vmem>>) dst(%dma_wait3A_100 : memref<10112x128xf32, #tpu.memory_space<vmem_shared>>)
        tpu.yield
      }) : () -> ()
      %add3A_88 = arith.constant 2 : i32
      %add3A_89 = arith.addi %add3A_78, %add3A_88 : i32
      %lt3A_90 = arith.constant 78 : i32
      %lt3A_91 = arith.cmpi slt, %add3A_89, %lt3A_90 : i32
      %convert_element_type3A_92 = arith.extui %lt3A_91 : i1 to i32
      %cond3A_93 = arith.constant 0 : i32
      %cond3A_94 = arith.cmpi ne, %convert_element_type3A_92, %cond3A_93 : i32
      scf.if %cond3A_94 {
        %add3A_95 = arith.constant 2 : i32
        %add3A_96 = arith.addi %add3A_78, %add3A_95 : i32
        %mul3A_97 = arith.constant 128 : i32
        %mul3A_98 = arith.muli %add3A_96, %mul3A_97 : i32
        %dma_start3A_99 = tpu.memref_slice %arg7[%mul3A_98] : memref<10000xi32, #tpu.memory_space<vmem>> -> memref<128xi32, #tpu.memory_space<vmem>>
        %dma_start3A_100 = arith.constant 0 : i32
        %dma_start3A_101 = arith.constant 0 : i32
        %dma_start3A_102 = tpu.memref_slice %arg2[%dma_start3A_100, %dma_start3A_101] : memref<10112x128xf32, #tpu.memory_space<hbm>> -> memref<10112x128xf32, #tpu.memory_space<hbm>>
        tpu.enqueue_indirect_dma source(%dma_start3A_102 : memref<10112x128xf32, #tpu.memory_space<hbm>>) target(%arg12 : memref<128x128xf32, #tpu.memory_space<vmem>>) offsets(%dma_start3A_99 : memref<128xi32, #tpu.memory_space<vmem>>) semaphore(%arg15 : memref<!tpu.dma_semaphore, #tpu.memory_space<semaphore_mem>>)
        %add3A_103 = arith.constant 320000 : i32
        %add3A_104 = arith.addi %add3A_103, %mul3A_2 : i32
        %add3A_105 = arith.constant 2 : i32
        %add3A_106 = arith.addi %add3A_78, %add3A_105 : i32
        %mul3A_107 = arith.constant 128 : i32
        %mul3A_108 = arith.muli %add3A_106, %mul3A_107 : i32
        %add3A_109 = arith.addi %add3A_104, %mul3A_108 : i32
        %dma_start3A_110 = tpu.memref_slice %arg3[%add3A_109] : memref<640000xi32, #tpu.memory_space<hbm>> -> memref<128xi32, #tpu.memory_space<hbm>>
        %dma_start3A_111 = tpu.memref_slice %arg3[%add3A_109] : memref<640000xi32, #tpu.memory_space<hbm>> -> memref<128xi32, #tpu.memory_space<hbm>>
        tpu.enqueue_dma source(%dma_start3A_111 : memref<128xi32, #tpu.memory_space<hbm>>) target(%arg9 : memref<128xi32, #tpu.memory_space<vmem>>) target_semaphore(%arg18 : memref<!tpu.dma_semaphore, #tpu.memory_space<semaphore_mem>>)
      } else {
      }
    }
    %scan3A_44 = arith.constant 39 : i32
    %dma_wait3A_45 = arith.constant 0 : i32
    %dma_wait3A_46 = tpu.memref_slice %arg7[%dma_wait3A_45] : memref<10000xi32, #tpu.memory_space<vmem>> -> memref<16xi32, #tpu.memory_space<vmem>>
    %dma_wait3A_47 = arith.constant 0 : i32
    %dma_wait3A_48 = arith.constant 0 : i32
    %dma_wait3A_49 = tpu.memref_slice %arg2[%dma_wait3A_47, %dma_wait3A_48] : memref<10112x128xf32, #tpu.memory_space<hbm>> -> memref<10112x128xf32, #tpu.memory_space<hbm>>
    tpu.wait_indirect_dma semaphore(%arg16 : memref<!tpu.dma_semaphore, #tpu.memory_space<semaphore_mem>>) src(%dma_wait3A_49 : memref<10112x128xf32, #tpu.memory_space<hbm>>) dst(%arg13 : memref<16x128xf32, #tpu.memory_space<vmem>>)
    %add3A_50 = arith.constant 320000 : i32
    %add3A_51 = arith.addi %add3A_50, %mul3A_2 : i32
    %dma_wait3A_52 = tpu.memref_slice %arg3[%add3A_51] : memref<640000xi32, #tpu.memory_space<hbm>> -> memref<16xi32, #tpu.memory_space<hbm>>
    %dma_wait3A_53 = tpu.memref_slice %arg3[%add3A_51] : memref<640000xi32, #tpu.memory_space<hbm>> -> memref<16xi32, #tpu.memory_space<hbm>>
    tpu.wait_dma2 semaphore(%arg19 : memref<!tpu.dma_semaphore, #tpu.memory_space<semaphore_mem>>) src(%dma_wait3A_53 : memref<16xi32, #tpu.memory_space<hbm>>) dst(%arg10 : memref<16xi32, #tpu.memory_space<vmem>>)
    "tpu.region"() ({
      %run_scoped3A = tpu.sem_alloc : memref<!tpu.dma_semaphore, #tpu.memory_space<semaphore_mem>>
      %dma_start3A_59 = arith.constant 0 : i32
      %dma_start3A_60 = arith.constant 0 : i32
      %dma_start3A_61 = tpu.memref_slice %arg6[%dma_start3A_59, %dma_start3A_60] : memref<10112x128xf32, #tpu.memory_space<vmem_shared>> -> memref<10112x128xf32, #tpu.memory_space<vmem_shared>>
      tpu.enqueue_indirect_dma source(%arg13 : memref<16x128xf32, #tpu.memory_space<vmem>>) target(%dma_start3A_61 : memref<10112x128xf32, #tpu.memory_space<vmem_shared>>) offsets(%arg10 : memref<16xi32, #tpu.memory_space<vmem>>) semaphore(%run_scoped3A : memref<!tpu.dma_semaphore, #tpu.memory_space<semaphore_mem>>) {add = true}
      %dma_wait3A_62 = arith.constant 0 : i32
      %dma_wait3A_63 = arith.constant 0 : i32
      %dma_wait3A_64 = tpu.memref_slice %arg6[%dma_wait3A_62, %dma_wait3A_63] : memref<10112x128xf32, #tpu.memory_space<vmem_shared>> -> memref<10112x128xf32, #tpu.memory_space<vmem_shared>>
      tpu.wait_indirect_dma semaphore(%run_scoped3A : memref<!tpu.dma_semaphore, #tpu.memory_space<semaphore_mem>>) src(%arg13 : memref<16x128xf32, #tpu.memory_space<vmem>>) dst(%dma_wait3A_64 : memref<10112x128xf32, #tpu.memory_space<vmem_shared>>)
      tpu.yield
    }) : () -> ()
    %barrier3A_54 = arith.constant 0 : index
    tpu.barrier barrier_id(%barrier3A_54)
    %mul3A_55 = arith.constant 632 : i32
    %mul3A_56 = arith.muli %arg1, %mul3A_55 : i32
    %mul3A_57 = arith.constant 632 : i32
    %mul3A_58 = arith.muli %arg1, %mul3A_57 : i32
    "tpu.region"() ({
      %run_scoped3A = tpu.sem_alloc : memref<!tpu.dma_semaphore, #tpu.memory_space<semaphore_mem>>
      %dma_start3A_59 = arith.constant 0 : i32
      %dma_start3A_60 = tpu.memref_slice %arg5[%arg0, %mul3A_58, %dma_start3A_59] : memref<2x10112x128xf32, #tpu.memory_space<hbm>> -> memref<1x632x128xf32, #tpu.memory_space<hbm>>
      %dma_start3A_61 = tpu.memref_squeeze %dma_start3A_60 : memref<1x632x128xf32, #tpu.memory_space<hbm>> -> memref<632x128xf32, #tpu.memory_space<hbm>>
      %dma_start3A_62 = arith.constant 0 : i32
      %dma_start3A_63 = tpu.memref_slice %arg6[%mul3A_56, %dma_start3A_62] : memref<10112x128xf32, #tpu.memory_space<vmem_shared>> -> memref<632x128xf32, #tpu.memory_space<vmem_shared>>
      tpu.enqueue_dma source(%dma_start3A_63 : memref<632x128xf32, #tpu.memory_space<vmem_shared>>) target(%dma_start3A_61 : memref<632x128xf32, #tpu.memory_space<hbm>>) target_semaphore(%run_scoped3A : memref<!tpu.dma_semaphore, #tpu.memory_space<semaphore_mem>>)
      %dma_wait3A_64 = arith.constant 0 : i32
      %dma_wait3A_65 = tpu.memref_slice %arg5[%arg0, %mul3A_58, %dma_wait3A_64] : memref<2x10112x128xf32, #tpu.memory_space<hbm>> -> memref<1x632x128xf32, #tpu.memory_space<hbm>>
      %dma_wait3A_66 = tpu.memref_squeeze %dma_wait3A_65 : memref<1x632x128xf32, #tpu.memory_space<hbm>> -> memref<632x128xf32, #tpu.memory_space<hbm>>
      %dma_wait3A_67 = arith.constant 0 : i32
      %dma_wait3A_68 = tpu.memref_slice %arg6[%mul3A_56, %dma_wait3A_67] : memref<10112x128xf32, #tpu.memory_space<vmem_shared>> -> memref<632x128xf32, #tpu.memory_space<vmem_shared>>
      tpu.wait_dma2 semaphore(%run_scoped3A : memref<!tpu.dma_semaphore, #tpu.memory_space<semaphore_mem>>) src(%dma_wait3A_68 : memref<632x128xf32, #tpu.memory_space<vmem_shared>>) dst(%dma_wait3A_66 : memref<632x128xf32, #tpu.memory_space<hbm>>)
      tpu.yield
    }) : () -> ()
    return
  }
}

#map = affine_map<(d0, d1) -> (0, 0)>
#map1 = affine_map<(d0, d1) -> (0)>
#map2 = affine_map<(d0, d1) -> (0, 0, 0)>
module attributes {stable_mosaic.version = 14 : i64} {
  func.func @_agg_body(%arg0: i32, %arg1: i32, %arg2: memref<10112x128xf32, #tpu.memory_space<hbm>>, %arg3: memref<640000xi32, #tpu.memory_space<hbm>>, %arg4: memref<632x128xf32, #tpu.memory_space<hbm>>, %arg5: memref<2x10112x128xf32, #tpu.memory_space<hbm>>, %arg6: memref<10112x128xf32, #tpu.memory_space<vmem_shared>>, %arg7: memref<10000xi32, #tpu.memory_space<vmem>>, %arg8: memref<128xi32, #tpu.memory_space<vmem>>, %arg9: memref<128xi32, #tpu.memory_space<vmem>>, %arg10: memref<16xi32, #tpu.memory_space<vmem>>, %arg11: memref<128x128xf32, #tpu.memory_space<vmem>>, %arg12: memref<128x128xf32, #tpu.memory_space<vmem>>, %arg13: memref<16x128xf32, #tpu.memory_space<vmem>>, %arg14: memref<!tpu.dma_semaphore, #tpu.memory_space<semaphore_mem>>, %arg15: memref<!tpu.dma_semaphore, #tpu.memory_space<semaphore_mem>>, %arg16: memref<!tpu.dma_semaphore, #tpu.memory_space<semaphore_mem>>, %arg17: memref<!tpu.dma_semaphore, #tpu.memory_space<semaphore_mem>>, %arg18: memref<!tpu.dma_semaphore, #tpu.memory_space<semaphore_mem>>, %arg19: memref<!tpu.dma_semaphore, #tpu.memory_space<semaphore_mem>>, %arg20: memref<!tpu.dma_semaphore, #tpu.memory_space<semaphore_mem>>) attributes {dimension_semantics = [#tpu.dimension_semantics<core_parallel>, #tpu.dimension_semantics<subcore_parallel>], iteration_bounds = array<i64: 2, 16>, scalar_prefetch = 0 : i64, scratch_operands = 15 : i64, tpu.core_type = #tpu.core_type<sc_vector_subcore>, window_params = [{transform_indices = #map}, {transform_indices = #map1}, {transform_indices = #map}, {transform_indices = #map2}]} {
    %mul3A = arith.constant 16 : i32
    %mul3A_0 = arith.muli %arg0, %mul3A : i32
    %add3A = arith.addi %mul3A_0, %arg1 : i32
    %mul3A_1 = arith.constant 10000 : i32
    %mul3A_2 = arith.muli %add3A, %mul3A_1 : i32
    %mul3A_3 = arith.constant 632 : i32
    %mul3A_4 = arith.muli %arg1, %mul3A_3 : i32
    %dma_start3A = arith.constant 0 : i32
    %dma_start3A_5 = tpu.memref_slice %arg6[%mul3A_4, %dma_start3A] : memref<10112x128xf32, #tpu.memory_space<vmem_shared>> -> memref<632x128xf32, #tpu.memory_space<vmem_shared>>
    tpu.enqueue_dma source(%arg4 : memref<632x128xf32, #tpu.memory_space<hbm>>) target(%dma_start3A_5 : memref<632x128xf32, #tpu.memory_space<vmem_shared>>) target_semaphore(%arg20 : memref<!tpu.dma_semaphore, #tpu.memory_space<semaphore_mem>>)
    "tpu.region"() ({
      %run_scoped3A = tpu.sem_alloc : memref<!tpu.dma_semaphore, #tpu.memory_space<semaphore_mem>>
      %dma_start3A_59 = tpu.memref_slice %arg3[%mul3A_2] : memref<640000xi32, #tpu.memory_space<hbm>> -> memref<10000xi32, #tpu.memory_space<hbm>>
      %dma_start3A_60 = tpu.memref_slice %arg3[%mul3A_2] : memref<640000xi32, #tpu.memory_space<hbm>> -> memref<10000xi32, #tpu.memory_space<hbm>>
      tpu.enqueue_dma source(%dma_start3A_60 : memref<10000xi32, #tpu.memory_space<hbm>>) target(%arg7 : memref<10000xi32, #tpu.memory_space<vmem>>) target_semaphore(%run_scoped3A : memref<!tpu.dma_semaphore, #tpu.memory_space<semaphore_mem>>)
      %dma_wait3A_61 = tpu.memref_slice %arg3[%mul3A_2] : memref<640000xi32, #tpu.memory_space<hbm>> -> memref<10000xi32, #tpu.memory_space<hbm>>
      %dma_wait3A_62 = tpu.memref_slice %arg3[%mul3A_2] : memref<640000xi32, #tpu.memory_space<hbm>> -> memref<10000xi32, #tpu.memory_space<hbm>>
      tpu.wait_dma2 semaphore(%run_scoped3A : memref<!tpu.dma_semaphore, #tpu.memory_space<semaphore_mem>>) src(%dma_wait3A_62 : memref<10000xi32, #tpu.memory_space<hbm>>) dst(%arg7 : memref<10000xi32, #tpu.memory_space<vmem>>)
      tpu.yield
    }) : () -> ()
    %dma_start3A_6 = arith.constant 0 : i32
    %dma_start3A_7 = tpu.memref_slice %arg7[%dma_start3A_6] : memref<10000xi32, #tpu.memory_space<vmem>> -> memref<128xi32, #tpu.memory_space<vmem>>
    %dma_start3A_8 = arith.constant 0 : i32
    %dma_start3A_9 = arith.constant 0 : i32
    %dma_start3A_10 = tpu.memref_slice %arg2[%dma_start3A_8, %dma_start3A_9] : memref<10112x128xf32, #tpu.memory_space<hbm>> -> memref<10112x128xf32, #tpu.memory_space<hbm>>
    tpu.enqueue_indirect_dma source(%dma_start3A_10 : memref<10112x128xf32, #tpu.memory_space<hbm>>) target(%arg11 : memref<128x128xf32, #tpu.memory_space<vmem>>) offsets(%dma_start3A_7 : memref<128xi32, #tpu.memory_space<vmem>>) semaphore(%arg14 : memref<!tpu.dma_semaphore, #tpu.memory_space<semaphore_mem>>)
    %dma_start3A_11 = arith.constant 128 : i32
    %dma_start3A_12 = tpu.memref_slice %arg7[%dma_start3A_11] : memref<10000xi32, #tpu.memory_space<vmem>> -> memref<128xi32, #tpu.memory_space<vmem>>
    %dma_start3A_13 = arith.constant 0 : i32
    %dma_start3A_14 = arith.constant 0 : i32
    %dma_start3A_15 = tpu.memref_slice %arg2[%dma_start3A_13, %dma_start3A_14] : memref<10112x128xf32, #tpu.memory_space<hbm>> -> memref<10112x128xf32, #tpu.memory_space<hbm>>
    tpu.enqueue_indirect_dma source(%dma_start3A_15 : memref<10112x128xf32, #tpu.memory_space<hbm>>) target(%arg12 : memref<128x128xf32, #tpu.memory_space<vmem>>) offsets(%dma_start3A_12 : memref<128xi32, #tpu.memory_space<vmem>>) semaphore(%arg15 : memref<!tpu.dma_semaphore, #tpu.memory_space<semaphore_mem>>)
    %dma_start3A_16 = arith.constant 9984 : i32
    %dma_start3A_17 = tpu.memref_slice %arg7[%dma_start3A_16] : memref<10000xi32, #tpu.memory_space<vmem>> -> memref<16xi32, #tpu.memory_space<vmem>>
    %dma_start3A_18 = arith.constant 0 : i32
    %dma_start3A_19 = arith.constant 0 : i32
    %dma_start3A_20 = tpu.memref_slice %arg2[%dma_start3A_18, %dma_start3A_19] : memref<10112x128xf32, #tpu.memory_space<hbm>> -> memref<10112x128xf32, #tpu.memory_space<hbm>>
    tpu.enqueue_indirect_dma source(%dma_start3A_20 : memref<10112x128xf32, #tpu.memory_space<hbm>>) target(%arg13 : memref<16x128xf32, #tpu.memory_space<vmem>>) offsets(%dma_start3A_17 : memref<16xi32, #tpu.memory_space<vmem>>) semaphore(%arg16 : memref<!tpu.dma_semaphore, #tpu.memory_space<semaphore_mem>>)
    %add3A_21 = arith.constant 320000 : i32
    %add3A_22 = arith.addi %add3A_21, %mul3A_2 : i32
    %dma_start3A_23 = tpu.memref_slice %arg3[%add3A_22] : memref<640000xi32, #tpu.memory_space<hbm>> -> memref<128xi32, #tpu.memory_space<hbm>>
    %dma_start3A_24 = tpu.memref_slice %arg3[%add3A_22] : memref<640000xi32, #tpu.memory_space<hbm>> -> memref<128xi32, #tpu.memory_space<hbm>>
    tpu.enqueue_dma source(%dma_start3A_24 : memref<128xi32, #tpu.memory_space<hbm>>) target(%arg8 : memref<128xi32, #tpu.memory_space<vmem>>) target_semaphore(%arg17 : memref<!tpu.dma_semaphore, #tpu.memory_space<semaphore_mem>>)
    %add3A_25 = arith.constant 320000 : i32
    %add3A_26 = arith.addi %add3A_25, %mul3A_2 : i32
    %add3A_27 = arith.constant 128 : i32
    %add3A_28 = arith.addi %add3A_26, %add3A_27 : i32
    %dma_start3A_29 = tpu.memref_slice %arg3[%add3A_28] : memref<640000xi32, #tpu.memory_space<hbm>> -> memref<128xi32, #tpu.memory_space<hbm>>
    %dma_start3A_30 = tpu.memref_slice %arg3[%add3A_28] : memref<640000xi32, #tpu.memory_space<hbm>> -> memref<128xi32, #tpu.memory_space<hbm>>
    tpu.enqueue_dma source(%dma_start3A_30 : memref<128xi32, #tpu.memory_space<hbm>>) target(%arg9 : memref<128xi32, #tpu.memory_space<vmem>>) target_semaphore(%arg18 : memref<!tpu.dma_semaphore, #tpu.memory_space<semaphore_mem>>)
    %add3A_31 = arith.constant 320000 : i32
    %add3A_32 = arith.addi %add3A_31, %mul3A_2 : i32
    %add3A_33 = arith.constant 9984 : i32
    %add3A_34 = arith.addi %add3A_32, %add3A_33 : i32
    %dma_start3A_35 = tpu.memref_slice %arg3[%add3A_34] : memref<640000xi32, #tpu.memory_space<hbm>> -> memref<16xi32, #tpu.memory_space<hbm>>
    %dma_start3A_36 = tpu.memref_slice %arg3[%add3A_34] : memref<640000xi32, #tpu.memory_space<hbm>> -> memref<16xi32, #tpu.memory_space<hbm>>
    tpu.enqueue_dma source(%dma_start3A_36 : memref<16xi32, #tpu.memory_space<hbm>>) target(%arg10 : memref<16xi32, #tpu.memory_space<vmem>>) target_semaphore(%arg19 : memref<!tpu.dma_semaphore, #tpu.memory_space<semaphore_mem>>)
    %mul3A_37 = arith.constant 632 : i32
    %mul3A_38 = arith.muli %arg1, %mul3A_37 : i32
    %dma_wait3A = arith.constant 0 : i32
    %dma_wait3A_39 = tpu.memref_slice %arg6[%mul3A_38, %dma_wait3A] : memref<10112x128xf32, #tpu.memory_space<vmem_shared>> -> memref<632x128xf32, #tpu.memory_space<vmem_shared>>
    tpu.wait_dma2 semaphore(%arg20 : memref<!tpu.dma_semaphore, #tpu.memory_space<semaphore_mem>>) src(%arg4 : memref<632x128xf32, #tpu.memory_space<hbm>>) dst(%dma_wait3A_39 : memref<632x128xf32, #tpu.memory_space<vmem_shared>>)
    %barrier3A = arith.constant 0 : index
    tpu.barrier barrier_id(%barrier3A)
    %scan3A = arith.constant 0 : i32
    %scan3A_40 = arith.constant 0 : i32
    %scan3A_41 = arith.constant 39 : i32
    %scan3A_42 = arith.addi %scan3A_40, %scan3A_41 : i32
    %scan3A_43 = arith.constant 1 : i32
    scf.for %scan3A_59 = %scan3A_40 to %scan3A_42 step %scan3A_43  : i32 {
      %mul3A_60 = arith.constant 2 : i32
      %mul3A_61 = arith.muli %mul3A_60, %scan3A_59 : i32
      %dma_wait3A_62 = arith.constant 0 : i32
      %dma_wait3A_63 = tpu.memref_slice %arg7[%dma_wait3A_62] : memref<10000xi32, #tpu.memory_space<vmem>> -> memref<128xi32, #tpu.memory_space<vmem>>
      %dma_wait3A_64 = arith.constant 0 : i32
      %dma_wait3A_65 = arith.constant 0 : i32
      %dma_wait3A_66 = tpu.memref_slice %arg2[%dma_wait3A_64, %dma_wait3A_65] : memref<10112x128xf32, #tpu.memory_space<hbm>> -> memref<10112x128xf32, #tpu.memory_space<hbm>>
      tpu.wait_indirect_dma semaphore(%arg14 : memref<!tpu.dma_semaphore, #tpu.memory_space<semaphore_mem>>) src(%dma_wait3A_66 : memref<10112x128xf32, #tpu.memory_space<hbm>>) dst(%arg11 : memref<128x128xf32, #tpu.memory_space<vmem>>)
      %add3A_67 = arith.constant 320000 : i32
      %add3A_68 = arith.addi %add3A_67, %mul3A_2 : i32
      %dma_wait3A_69 = tpu.memref_slice %arg3[%add3A_68] : memref<640000xi32, #tpu.memory_space<hbm>> -> memref<128xi32, #tpu.memory_space<hbm>>
      %dma_wait3A_70 = tpu.memref_slice %arg3[%add3A_68] : memref<640000xi32, #tpu.memory_space<hbm>> -> memref<128xi32, #tpu.memory_space<hbm>>
      tpu.wait_dma2 semaphore(%arg17 : memref<!tpu.dma_semaphore, #tpu.memory_space<semaphore_mem>>) src(%dma_wait3A_70 : memref<128xi32, #tpu.memory_space<hbm>>) dst(%arg8 : memref<128xi32, #tpu.memory_space<vmem>>)
      "tpu.region"() ({
        %run_scoped3A = tpu.sem_alloc : memref<!tpu.dma_semaphore, #tpu.memory_space<semaphore_mem>>
        %dma_start3A_95 = arith.constant 0 : i32
        %dma_start3A_96 = arith.constant 0 : i32
        %dma_start3A_97 = tpu.memref_slice %arg6[%dma_start3A_95, %dma_start3A_96] : memref<10112x128xf32, #tpu.memory_space<vmem_shared>> -> memref<10112x128xf32, #tpu.memory_space<vmem_shared>>
        tpu.enqueue_indirect_dma source(%arg11 : memref<128x128xf32, #tpu.memory_space<vmem>>) target(%dma_start3A_97 : memref<10112x128xf32, #tpu.memory_space<vmem_shared>>) offsets(%arg8 : memref<128xi32, #tpu.memory_space<vmem>>) semaphore(%run_scoped3A : memref<!tpu.dma_semaphore, #tpu.memory_space<semaphore_mem>>) {add = true}
        %dma_wait3A_98 = arith.constant 0 : i32
        %dma_wait3A_99 = arith.constant 0 : i32
        %dma_wait3A_100 = tpu.memref_slice %arg6[%dma_wait3A_98, %dma_wait3A_99] : memref<10112x128xf32, #tpu.memory_space<vmem_shared>> -> memref<10112x128xf32, #tpu.memory_space<vmem_shared>>
        tpu.wait_indirect_dma semaphore(%run_scoped3A : memref<!tpu.dma_semaphore, #tpu.memory_space<semaphore_mem>>) src(%arg11 : memref<128x128xf32, #tpu.memory_space<vmem>>) dst(%dma_wait3A_100 : memref<10112x128xf32, #tpu.memory_space<vmem_shared>>)
        tpu.yield
      }) : () -> ()
      %add3A_71 = arith.constant 2 : i32
      %add3A_72 = arith.addi %mul3A_61, %add3A_71 : i32
      %lt3A = arith.constant 78 : i32
      %lt3A_73 = arith.cmpi slt, %add3A_72, %lt3A : i32
      %convert_element_type3A = arith.extui %lt3A_73 : i1 to i32
      %cond3A = arith.constant 0 : i32
      %cond3A_74 = arith.cmpi ne, %convert_element_type3A, %cond3A : i32
      scf.if %cond3A_74 {
        %add3A_95 = arith.constant 2 : i32
        %add3A_96 = arith.addi %mul3A_61, %add3A_95 : i32
        %mul3A_97 = arith.constant 128 : i32
        %mul3A_98 = arith.muli %add3A_96, %mul3A_97 : i32
        %dma_start3A_99 = tpu.memref_slice %arg7[%mul3A_98] : memref<10000xi32, #tpu.memory_space<vmem>> -> memref<128xi32, #tpu.memory_space<vmem>>
        %dma_start3A_100 = arith.constant 0 : i32
        %dma_start3A_101 = arith.constant 0 : i32
        %dma_start3A_102 = tpu.memref_slice %arg2[%dma_start3A_100, %dma_start3A_101] : memref<10112x128xf32, #tpu.memory_space<hbm>> -> memref<10112x128xf32, #tpu.memory_space<hbm>>
        tpu.enqueue_indirect_dma source(%dma_start3A_102 : memref<10112x128xf32, #tpu.memory_space<hbm>>) target(%arg11 : memref<128x128xf32, #tpu.memory_space<vmem>>) offsets(%dma_start3A_99 : memref<128xi32, #tpu.memory_space<vmem>>) semaphore(%arg14 : memref<!tpu.dma_semaphore, #tpu.memory_space<semaphore_mem>>)
        %add3A_103 = arith.constant 320000 : i32
        %add3A_104 = arith.addi %add3A_103, %mul3A_2 : i32
        %add3A_105 = arith.constant 2 : i32
        %add3A_106 = arith.addi %mul3A_61, %add3A_105 : i32
        %mul3A_107 = arith.constant 128 : i32
        %mul3A_108 = arith.muli %add3A_106, %mul3A_107 : i32
        %add3A_109 = arith.addi %add3A_104, %mul3A_108 : i32
        %dma_start3A_110 = tpu.memref_slice %arg3[%add3A_109] : memref<640000xi32, #tpu.memory_space<hbm>> -> memref<128xi32, #tpu.memory_space<hbm>>
        %dma_start3A_111 = tpu.memref_slice %arg3[%add3A_109] : memref<640000xi32, #tpu.memory_space<hbm>> -> memref<128xi32, #tpu.memory_space<hbm>>
        tpu.enqueue_dma source(%dma_start3A_111 : memref<128xi32, #tpu.memory_space<hbm>>) target(%arg8 : memref<128xi32, #tpu.memory_space<vmem>>) target_semaphore(%arg17 : memref<!tpu.dma_semaphore, #tpu.memory_space<semaphore_mem>>)
      } else {
      }
      %mul3A_75 = arith.constant 2 : i32
      %mul3A_76 = arith.muli %mul3A_75, %scan3A_59 : i32
      %add3A_77 = arith.constant 1 : i32
      %add3A_78 = arith.addi %mul3A_76, %add3A_77 : i32
      %dma_wait3A_79 = arith.constant 0 : i32
      %dma_wait3A_80 = tpu.memref_slice %arg7[%dma_wait3A_79] : memref<10000xi32, #tpu.memory_space<vmem>> -> memref<128xi32, #tpu.memory_space<vmem>>
      %dma_wait3A_81 = arith.constant 0 : i32
      %dma_wait3A_82 = arith.constant 0 : i32
      %dma_wait3A_83 = tpu.memref_slice %arg2[%dma_wait3A_81, %dma_wait3A_82] : memref<10112x128xf32, #tpu.memory_space<hbm>> -> memref<10112x128xf32, #tpu.memory_space<hbm>>
      tpu.wait_indirect_dma semaphore(%arg15 : memref<!tpu.dma_semaphore, #tpu.memory_space<semaphore_mem>>) src(%dma_wait3A_83 : memref<10112x128xf32, #tpu.memory_space<hbm>>) dst(%arg12 : memref<128x128xf32, #tpu.memory_space<vmem>>)
      %add3A_84 = arith.constant 320000 : i32
      %add3A_85 = arith.addi %add3A_84, %mul3A_2 : i32
      %dma_wait3A_86 = tpu.memref_slice %arg3[%add3A_85] : memref<640000xi32, #tpu.memory_space<hbm>> -> memref<128xi32, #tpu.memory_space<hbm>>
      %dma_wait3A_87 = tpu.memref_slice %arg3[%add3A_85] : memref<640000xi32, #tpu.memory_space<hbm>> -> memref<128xi32, #tpu.memory_space<hbm>>
      tpu.wait_dma2 semaphore(%arg18 : memref<!tpu.dma_semaphore, #tpu.memory_space<semaphore_mem>>) src(%dma_wait3A_87 : memref<128xi32, #tpu.memory_space<hbm>>) dst(%arg9 : memref<128xi32, #tpu.memory_space<vmem>>)
      "tpu.region"() ({
        %run_scoped3A = tpu.sem_alloc : memref<!tpu.dma_semaphore, #tpu.memory_space<semaphore_mem>>
        %dma_start3A_95 = arith.constant 0 : i32
        %dma_start3A_96 = arith.constant 0 : i32
        %dma_start3A_97 = tpu.memref_slice %arg6[%dma_start3A_95, %dma_start3A_96] : memref<10112x128xf32, #tpu.memory_space<vmem_shared>> -> memref<10112x128xf32, #tpu.memory_space<vmem_shared>>
        tpu.enqueue_indirect_dma source(%arg12 : memref<128x128xf32, #tpu.memory_space<vmem>>) target(%dma_start3A_97 : memref<10112x128xf32, #tpu.memory_space<vmem_shared>>) offsets(%arg9 : memref<128xi32, #tpu.memory_space<vmem>>) semaphore(%run_scoped3A : memref<!tpu.dma_semaphore, #tpu.memory_space<semaphore_mem>>) {add = true}
        %dma_wait3A_98 = arith.constant 0 : i32
        %dma_wait3A_99 = arith.constant 0 : i32
        %dma_wait3A_100 = tpu.memref_slice %arg6[%dma_wait3A_98, %dma_wait3A_99] : memref<10112x128xf32, #tpu.memory_space<vmem_shared>> -> memref<10112x128xf32, #tpu.memory_space<vmem_shared>>
        tpu.wait_indirect_dma semaphore(%run_scoped3A : memref<!tpu.dma_semaphore, #tpu.memory_space<semaphore_mem>>) src(%arg12 : memref<128x128xf32, #tpu.memory_space<vmem>>) dst(%dma_wait3A_100 : memref<10112x128xf32, #tpu.memory_space<vmem_shared>>)
        tpu.yield
      }) : () -> ()
      %add3A_88 = arith.constant 2 : i32
      %add3A_89 = arith.addi %add3A_78, %add3A_88 : i32
      %lt3A_90 = arith.constant 78 : i32
      %lt3A_91 = arith.cmpi slt, %add3A_89, %lt3A_90 : i32
      %convert_element_type3A_92 = arith.extui %lt3A_91 : i1 to i32
      %cond3A_93 = arith.constant 0 : i32
      %cond3A_94 = arith.cmpi ne, %convert_element_type3A_92, %cond3A_93 : i32
      scf.if %cond3A_94 {
        %add3A_95 = arith.constant 2 : i32
        %add3A_96 = arith.addi %add3A_78, %add3A_95 : i32
        %mul3A_97 = arith.constant 128 : i32
        %mul3A_98 = arith.muli %add3A_96, %mul3A_97 : i32
        %dma_start3A_99 = tpu.memref_slice %arg7[%mul3A_98] : memref<10000xi32, #tpu.memory_space<vmem>> -> memref<128xi32, #tpu.memory_space<vmem>>
        %dma_start3A_100 = arith.constant 0 : i32
        %dma_start3A_101 = arith.constant 0 : i32
        %dma_start3A_102 = tpu.memref_slice %arg2[%dma_start3A_100, %dma_start3A_101] : memref<10112x128xf32, #tpu.memory_space<hbm>> -> memref<10112x128xf32, #tpu.memory_space<hbm>>
        tpu.enqueue_indirect_dma source(%dma_start3A_102 : memref<10112x128xf32, #tpu.memory_space<hbm>>) target(%arg12 : memref<128x128xf32, #tpu.memory_space<vmem>>) offsets(%dma_start3A_99 : memref<128xi32, #tpu.memory_space<vmem>>) semaphore(%arg15 : memref<!tpu.dma_semaphore, #tpu.memory_space<semaphore_mem>>)
        %add3A_103 = arith.constant 320000 : i32
        %add3A_104 = arith.addi %add3A_103, %mul3A_2 : i32
        %add3A_105 = arith.constant 2 : i32
        %add3A_106 = arith.addi %add3A_78, %add3A_105 : i32
        %mul3A_107 = arith.constant 128 : i32
        %mul3A_108 = arith.muli %add3A_106, %mul3A_107 : i32
        %add3A_109 = arith.addi %add3A_104, %mul3A_108 : i32
        %dma_start3A_110 = tpu.memref_slice %arg3[%add3A_109] : memref<640000xi32, #tpu.memory_space<hbm>> -> memref<128xi32, #tpu.memory_space<hbm>>
        %dma_start3A_111 = tpu.memref_slice %arg3[%add3A_109] : memref<640000xi32, #tpu.memory_space<hbm>> -> memref<128xi32, #tpu.memory_space<hbm>>
        tpu.enqueue_dma source(%dma_start3A_111 : memref<128xi32, #tpu.memory_space<hbm>>) target(%arg9 : memref<128xi32, #tpu.memory_space<vmem>>) target_semaphore(%arg18 : memref<!tpu.dma_semaphore, #tpu.memory_space<semaphore_mem>>)
      } else {
      }
    }
    %scan3A_44 = arith.constant 39 : i32
    %dma_wait3A_45 = arith.constant 0 : i32
    %dma_wait3A_46 = tpu.memref_slice %arg7[%dma_wait3A_45] : memref<10000xi32, #tpu.memory_space<vmem>> -> memref<16xi32, #tpu.memory_space<vmem>>
    %dma_wait3A_47 = arith.constant 0 : i32
    %dma_wait3A_48 = arith.constant 0 : i32
    %dma_wait3A_49 = tpu.memref_slice %arg2[%dma_wait3A_47, %dma_wait3A_48] : memref<10112x128xf32, #tpu.memory_space<hbm>> -> memref<10112x128xf32, #tpu.memory_space<hbm>>
    tpu.wait_indirect_dma semaphore(%arg16 : memref<!tpu.dma_semaphore, #tpu.memory_space<semaphore_mem>>) src(%dma_wait3A_49 : memref<10112x128xf32, #tpu.memory_space<hbm>>) dst(%arg13 : memref<16x128xf32, #tpu.memory_space<vmem>>)
    %add3A_50 = arith.constant 320000 : i32
    %add3A_51 = arith.addi %add3A_50, %mul3A_2 : i32
    %dma_wait3A_52 = tpu.memref_slice %arg3[%add3A_51] : memref<640000xi32, #tpu.memory_space<hbm>> -> memref<16xi32, #tpu.memory_space<hbm>>
    %dma_wait3A_53 = tpu.memref_slice %arg3[%add3A_51] : memref<640000xi32, #tpu.memory_space<hbm>> -> memref<16xi32, #tpu.memory_space<hbm>>
    tpu.wait_dma2 semaphore(%arg19 : memref<!tpu.dma_semaphore, #tpu.memory_space<semaphore_mem>>) src(%dma_wait3A_53 : memref<16xi32, #tpu.memory_space<hbm>>) dst(%arg10 : memref<16xi32, #tpu.memory_space<vmem>>)
    "tpu.region"() ({
      %run_scoped3A = tpu.sem_alloc : memref<!tpu.dma_semaphore, #tpu.memory_space<semaphore_mem>>
      %dma_start3A_59 = arith.constant 0 : i32
      %dma_start3A_60 = arith.constant 0 : i32
      %dma_start3A_61 = tpu.memref_slice %arg6[%dma_start3A_59, %dma_start3A_60] : memref<10112x128xf32, #tpu.memory_space<vmem_shared>> -> memref<10112x128xf32, #tpu.memory_space<vmem_shared>>
      tpu.enqueue_indirect_dma source(%arg13 : memref<16x128xf32, #tpu.memory_space<vmem>>) target(%dma_start3A_61 : memref<10112x128xf32, #tpu.memory_space<vmem_shared>>) offsets(%arg10 : memref<16xi32, #tpu.memory_space<vmem>>) semaphore(%run_scoped3A : memref<!tpu.dma_semaphore, #tpu.memory_space<semaphore_mem>>) {add = true}
      %dma_wait3A_62 = arith.constant 0 : i32
      %dma_wait3A_63 = arith.constant 0 : i32
      %dma_wait3A_64 = tpu.memref_slice %arg6[%dma_wait3A_62, %dma_wait3A_63] : memref<10112x128xf32, #tpu.memory_space<vmem_shared>> -> memref<10112x128xf32, #tpu.memory_space<vmem_shared>>
      tpu.wait_indirect_dma semaphore(%run_scoped3A : memref<!tpu.dma_semaphore, #tpu.memory_space<semaphore_mem>>) src(%arg13 : memref<16x128xf32, #tpu.memory_space<vmem>>) dst(%dma_wait3A_64 : memref<10112x128xf32, #tpu.memory_space<vmem_shared>>)
      tpu.yield
    }) : () -> ()
    %barrier3A_54 = arith.constant 0 : index
    tpu.barrier barrier_id(%barrier3A_54)
    %mul3A_55 = arith.constant 632 : i32
    %mul3A_56 = arith.muli %arg1, %mul3A_55 : i32
    %mul3A_57 = arith.constant 632 : i32
    %mul3A_58 = arith.muli %arg1, %mul3A_57 : i32
    "tpu.region"() ({
      %run_scoped3A = tpu.sem_alloc : memref<!tpu.dma_semaphore, #tpu.memory_space<semaphore_mem>>
      %dma_start3A_59 = arith.constant 0 : i32
      %dma_start3A_60 = tpu.memref_slice %arg5[%arg0, %mul3A_58, %dma_start3A_59] : memref<2x10112x128xf32, #tpu.memory_space<hbm>> -> memref<1x632x128xf32, #tpu.memory_space<hbm>>
      %dma_start3A_61 = tpu.memref_squeeze %dma_start3A_60 : memref<1x632x128xf32, #tpu.memory_space<hbm>> -> memref<632x128xf32, #tpu.memory_space<hbm>>
      %dma_start3A_62 = arith.constant 0 : i32
      %dma_start3A_63 = tpu.memref_slice %arg6[%mul3A_56, %dma_start3A_62] : memref<10112x128xf32, #tpu.memory_space<vmem_shared>> -> memref<632x128xf32, #tpu.memory_space<vmem_shared>>
      tpu.enqueue_dma source(%dma_start3A_63 : memref<632x128xf32, #tpu.memory_space<vmem_shared>>) target(%dma_start3A_61 : memref<632x128xf32, #tpu.memory_space<hbm>>) target_semaphore(%run_scoped3A : memref<!tpu.dma_semaphore, #tpu.memory_space<semaphore_mem>>)
      %dma_wait3A_64 = arith.constant 0 : i32
      %dma_wait3A_65 = tpu.memref_slice %arg5[%arg0, %mul3A_58, %dma_wait3A_64] : memref<2x10112x128xf32, #tpu.memory_space<hbm>> -> memref<1x632x128xf32, #tpu.memory_space<hbm>>
      %dma_wait3A_66 = tpu.memref_squeeze %dma_wait3A_65 : memref<1x632x128xf32, #tpu.memory_space<hbm>> -> memref<632x128xf32, #tpu.memory_space<hbm>>
      %dma_wait3A_67 = arith.constant 0 : i32
      %dma_wait3A_68 = tpu.memref_slice %arg6[%mul3A_56, %dma_wait3A_67] : memref<10112x128xf32, #tpu.memory_space<vmem_shared>> -> memref<632x128xf32, #tpu.memory_space<vmem_shared>>
      tpu.wait_dma2 semaphore(%run_scoped3A : memref<!tpu.dma_semaphore, #tpu.memory_space<semaphore_mem>>) src(%dma_wait3A_68 : memref<632x128xf32, #tpu.memory_space<vmem_shared>>) dst(%dma_wait3A_66 : memref<632x128xf32, #tpu.memory_space<hbm>>)
      tpu.yield
    }) : () -> ()
    return
  }
}

module attributes {stable_mosaic.version = 14 : i64} {
  func.func @_mm1_body(%arg0: i32, %arg1: memref<2528x128xf32, #tpu.memory_space<vmem>>, %arg2: memref<128x128xf32, #tpu.memory_space<vmem>>, %arg3: memref<2528x1xf32, #tpu.memory_space<vmem>>, %arg4: memref<2528x128xf32, #tpu.memory_space<vmem>>, %arg5: memref<2528x1xf32, #tpu.memory_space<vmem>>) attributes {dimension_semantics = [#tpu.dimension_semantics<arbitrary>], iteration_bounds = array<i64: 4>, scalar_prefetch = 0 : i64, scratch_operands = 0 : i64, tpu.core_type = #tpu.core_type<tc>, window_params = [{transform_indices = @transform_0, window_bounds = array<i64: 2528, 128>}, {pipeline_mode = #tpu.pipeline_mode<synchronous>, transform_indices = @transform_1, window_bounds = array<i64: 128, 128>}, {transform_indices = @transform_2, window_bounds = array<i64: 2528, 1>}, {transform_indices = @transform_3, window_bounds = array<i64: 2528, 128>}, {transform_indices = @transform_4, window_bounds = array<i64: 2528, 1>}]} {
    %get3A = arith.constant 0 : index
    %get3A_0 = arith.constant 0 : index
    %get3A_1 = vector.load %arg3[%get3A, %get3A_0] : memref<2528x1xf32, #tpu.memory_space<vmem>>, vector<2528x1xf32>
    %add3A = arith.constant 1.000000e+00 : f32
    %add3A_2 = vector.broadcast %add3A : f32 to vector<2528x1xf32>
    %add3A_3 = arith.addf %get3A_1, %add3A_2 : vector<2528x1xf32>
    %rsqrt3A = math.rsqrt %add3A_3 : vector<2528x1xf32>
    %swap3A = arith.constant 0 : index
    %swap3A_4 = arith.constant 0 : index
    %swap3A_5 = vector.load %arg5[%swap3A, %swap3A_4] : memref<2528x1xf32, #tpu.memory_space<vmem>>, vector<2528x1xf32>
    tpu.vector_store %arg5[%swap3A, %swap3A_4], %rsqrt3A {strides = array<i32>} : memref<2528x1xf32, #tpu.memory_space<vmem>>, vector<2528x1xf32>,
    %get3A_6 = arith.constant 0 : index
    %get3A_7 = arith.constant 0 : index
    %get3A_8 = vector.load %arg1[%get3A_6, %get3A_7] : memref<2528x128xf32, #tpu.memory_space<vmem>>, vector<2528x128xf32>
    %get3A_9 = arith.constant 0 : index
    %get3A_10 = arith.constant 0 : index
    %get3A_11 = vector.load %arg2[%get3A_9, %get3A_10] : memref<128x128xf32, #tpu.memory_space<vmem>>, vector<128x128xf32>
    %dot_general3A = arith.constant dense<0.000000e+00> : vector<2528x128xf32>
    %dot_general3A_12 = tpu.matmul %get3A_8, %get3A_11, %dot_general3A {dimension_numbers = #tpu.dot_dimension_numbers<[1], [0], [0], [1], [0, 0, 1, 1], [], []>, transpose_lhs_hint = false} : vector<2528x128xf32>, vector<128x128xf32>, vector<2528x128xf32> -> vector<2528x128xf32>
    %mul3A = vector.broadcast %rsqrt3A : vector<2528x1xf32> to vector<2528x128xf32>
    %mul3A_13 = arith.mulf %dot_general3A_12, %mul3A : vector<2528x128xf32>
    %swap3A_14 = arith.constant 0 : index
    %swap3A_15 = arith.constant 0 : index
    %swap3A_16 = vector.load %arg4[%swap3A_14, %swap3A_15] : memref<2528x128xf32, #tpu.memory_space<vmem>>, vector<2528x128xf32>
    tpu.vector_store %arg4[%swap3A_14, %swap3A_15], %mul3A_13 {strides = array<i32>} : memref<2528x128xf32, #tpu.memory_space<vmem>>, vector<2528x128xf32>,
    return
  }
  func.func @transform_0(%arg0: i32) -> (i32, i32) {
    %c0_i32 = arith.constant 0 : i32
    %c0_i32_0 = arith.constant 0 : i32
    return %arg0, %c0_i32 : i32, i32
  }
  func.func @transform_1(%arg0: i32) -> (i32, i32) {
    %c0_i32 = arith.constant 0 : i32
    %c0_i32_0 = arith.constant 0 : i32
    %c0_i32_1 = arith.constant 0 : i32
    return %c0_i32, %c0_i32_0 : i32, i32
  }
  func.func @transform_2(%arg0: i32) -> (i32, i32) {
    %c0_i32 = arith.constant 0 : i32
    %c0_i32_0 = arith.constant 0 : i32
    return %arg0, %c0_i32 : i32, i32
  }
  func.func @transform_3(%arg0: i32) -> (i32, i32) {
    %c0_i32 = arith.constant 0 : i32
    %c0_i32_0 = arith.constant 0 : i32
    return %arg0, %c0_i32 : i32, i32
  }
  func.func @transform_4(%arg0: i32) -> (i32, i32) {
    %c0_i32 = arith.constant 0 : i32
    %c0_i32_0 = arith.constant 0 : i32
    return %arg0, %c0_i32 : i32, i32
  }
}

module attributes {stable_mosaic.version = 14 : i64} {
  func.func @_mm2_body(%arg0: i32, %arg1: memref<2x2528x128xf32, #tpu.memory_space<vmem>>, %arg2: memref<2528x128xf32, #tpu.memory_space<vmem>>, %arg3: memref<2528x1xf32, #tpu.memory_space<vmem>>, %arg4: memref<1x128xf32, #tpu.memory_space<vmem>>, %arg5: memref<128x128xf32, #tpu.memory_space<vmem>>, %arg6: memref<2528x128xf32, #tpu.memory_space<vmem>>) attributes {dimension_semantics = [#tpu.dimension_semantics<arbitrary>], iteration_bounds = array<i64: 4>, scalar_prefetch = 0 : i64, scratch_operands = 0 : i64, tpu.core_type = #tpu.core_type<tc>, window_params = [{transform_indices = @transform_0, window_bounds = array<i64: 2, 2528, 128>}, {transform_indices = @transform_1, window_bounds = array<i64: 2528, 128>}, {transform_indices = @transform_2, window_bounds = array<i64: 2528, 1>}, {pipeline_mode = #tpu.pipeline_mode<synchronous>, transform_indices = @transform_3, window_bounds = array<i64: 1, 128>}, {pipeline_mode = #tpu.pipeline_mode<synchronous>, transform_indices = @transform_4, window_bounds = array<i64: 128, 128>}, {transform_indices = @transform_5, window_bounds = array<i64: 2528, 128>}]} {
    %get3A = arith.constant 0 : index
    %get3A_0 = arith.constant 0 : index
    %get3A_1 = arith.constant 0 : index
    %get3A_2 = vector.load %arg1[%get3A, %get3A_0, %get3A_1] : memref<2x2528x128xf32, #tpu.memory_space<vmem>>, vector<1x2528x128xf32>
    %get3A_3 = vector.shape_cast %get3A_2 : vector<1x2528x128xf32> to vector<2528x128xf32>
    %get3A_4 = arith.constant 1 : index
    %get3A_5 = arith.constant 0 : index
    %get3A_6 = arith.constant 0 : index
    %get3A_7 = vector.load %arg1[%get3A_4, %get3A_5, %get3A_6] : memref<2x2528x128xf32, #tpu.memory_space<vmem>>, vector<1x2528x128xf32>
    %get3A_8 = vector.shape_cast %get3A_7 : vector<1x2528x128xf32> to vector<2528x128xf32>
    %add3A = arith.addf %get3A_3, %get3A_8 : vector<2528x128xf32>
    %get3A_9 = arith.constant 0 : index
    %get3A_10 = arith.constant 0 : index
    %get3A_11 = vector.load %arg2[%get3A_9, %get3A_10] : memref<2528x128xf32, #tpu.memory_space<vmem>>, vector<2528x128xf32>
    %add3A_12 = arith.addf %add3A, %get3A_11 : vector<2528x128xf32>
    %get3A_13 = arith.constant 0 : index
    %get3A_14 = arith.constant 0 : index
    %get3A_15 = vector.load %arg3[%get3A_13, %get3A_14] : memref<2528x1xf32, #tpu.memory_space<vmem>>, vector<2528x1xf32>
    %mul3A = vector.broadcast %get3A_15 : vector<2528x1xf32> to vector<2528x128xf32>
    %mul3A_16 = arith.mulf %add3A_12, %mul3A : vector<2528x128xf32>
    %get3A_17 = arith.constant 0 : index
    %get3A_18 = arith.constant 0 : index
    %get3A_19 = vector.load %arg4[%get3A_17, %get3A_18] : memref<1x128xf32, #tpu.memory_space<vmem>>, vector<1x128xf32>
    %add3A_20 = vector.broadcast %get3A_19 : vector<1x128xf32> to vector<2528x128xf32>
    %add3A_21 = arith.addf %mul3A_16, %add3A_20 : vector<2528x128xf32>
    %max3A = arith.constant 0.000000e+00 : f32
    %max3A_22 = vector.broadcast %max3A : f32 to vector<2528x128xf32>
    %max3A_23 = arith.maximumf %add3A_21, %max3A_22 : vector<2528x128xf32>
    %get3A_24 = arith.constant 0 : index
    %get3A_25 = arith.constant 0 : index
    %get3A_26 = vector.load %arg5[%get3A_24, %get3A_25] : memref<128x128xf32, #tpu.memory_space<vmem>>, vector<128x128xf32>
    %dot_general3A = arith.constant dense<0.000000e+00> : vector<2528x128xf32>
    %dot_general3A_27 = tpu.matmul %max3A_23, %get3A_26, %dot_general3A {dimension_numbers = #tpu.dot_dimension_numbers<[1], [0], [0], [1], [0, 0, 1, 1], [], []>, transpose_lhs_hint = false} : vector<2528x128xf32>, vector<128x128xf32>, vector<2528x128xf32> -> vector<2528x128xf32>
    %get3A_28 = arith.constant 0 : index
    %get3A_29 = arith.constant 0 : index
    %get3A_30 = vector.load %arg3[%get3A_28, %get3A_29] : memref<2528x1xf32, #tpu.memory_space<vmem>>, vector<2528x1xf32>
    %mul3A_31 = vector.broadcast %get3A_30 : vector<2528x1xf32> to vector<2528x128xf32>
    %mul3A_32 = arith.mulf %dot_general3A_27, %mul3A_31 : vector<2528x128xf32>
    %swap3A = arith.constant 0 : index
    %swap3A_33 = arith.constant 0 : index
    %swap3A_34 = vector.load %arg6[%swap3A, %swap3A_33] : memref<2528x128xf32, #tpu.memory_space<vmem>>, vector<2528x128xf32>
    tpu.vector_store %arg6[%swap3A, %swap3A_33], %mul3A_32 {strides = array<i32>} : memref<2528x128xf32, #tpu.memory_space<vmem>>, vector<2528x128xf32>,
    return
  }
  func.func @transform_0(%arg0: i32) -> (i32, i32, i32) {
    %c0_i32 = arith.constant 0 : i32
    %c0_i32_0 = arith.constant 0 : i32
    %c0_i32_1 = arith.constant 0 : i32
    return %c0_i32, %arg0, %c0_i32_0 : i32, i32, i32
  }
  func.func @transform_1(%arg0: i32) -> (i32, i32) {
    %c0_i32 = arith.constant 0 : i32
    %c0_i32_0 = arith.constant 0 : i32
    return %arg0, %c0_i32 : i32, i32
  }
  func.func @transform_2(%arg0: i32) -> (i32, i32) {
    %c0_i32 = arith.constant 0 : i32
    %c0_i32_0 = arith.constant 0 : i32
    return %arg0, %c0_i32 : i32, i32
  }
  func.func @transform_3(%arg0: i32) -> (i32, i32) {
    %c0_i32 = arith.constant 0 : i32
    %c0_i32_0 = arith.constant 0 : i32
    %c0_i32_1 = arith.constant 0 : i32
    return %c0_i32, %c0_i32_0 : i32, i32
  }
  func.func @transform_4(%arg0: i32) -> (i32, i32) {
    %c0_i32 = arith.constant 0 : i32
    %c0_i32_0 = arith.constant 0 : i32
    %c0_i32_1 = arith.constant 0 : i32
    return %c0_i32, %c0_i32_0 : i32, i32
  }
  func.func @transform_5(%arg0: i32) -> (i32, i32) {
    %c0_i32 = arith.constant 0 : i32
    %c0_i32_0 = arith.constant 0 : i32
    return %arg0, %c0_i32 : i32, i32
  }
}

module attributes {stable_mosaic.version = 14 : i64} {
  func.func @_final_body(%arg0: i32, %arg1: memref<2x2528x128xf32, #tpu.memory_space<vmem>>, %arg2: memref<2528x128xf32, #tpu.memory_space<vmem>>, %arg3: memref<2528x1xf32, #tpu.memory_space<vmem>>, %arg4: memref<1x128xf32, #tpu.memory_space<vmem>>, %arg5: memref<2528x1xi32, #tpu.memory_space<vmem>>, %arg6: memref<128x16xf32, #tpu.memory_space<vmem>>, %arg7: memref<1x16xf32, #tpu.memory_space<vmem>>, %arg8: memref<128x16xf32, #tpu.memory_space<vmem>>, %arg9: memref<128x128xf32, #tpu.memory_space<vmem>>, %arg10: memref<128x1xf32, #tpu.memory_space<vmem>>) attributes {dimension_semantics = [#tpu.dimension_semantics<arbitrary>], iteration_bounds = array<i64: 4>, scalar_prefetch = 0 : i64, scratch_operands = 2 : i64, tpu.core_type = #tpu.core_type<tc>, window_params = [{transform_indices = @transform_0, window_bounds = array<i64: 2, 2528, 128>}, {transform_indices = @transform_1, window_bounds = array<i64: 2528, 128>}, {transform_indices = @transform_2, window_bounds = array<i64: 2528, 1>}, {pipeline_mode = #tpu.pipeline_mode<synchronous>, transform_indices = @transform_3, window_bounds = array<i64: 1, 128>}, {transform_indices = @transform_4, window_bounds = array<i64: 2528, 1>}, {pipeline_mode = #tpu.pipeline_mode<synchronous>, transform_indices = @transform_5, window_bounds = array<i64: 128, 16>}, {pipeline_mode = #tpu.pipeline_mode<synchronous>, transform_indices = @transform_6, window_bounds = array<i64: 1, 16>}, {pipeline_mode = #tpu.pipeline_mode<synchronous>, transform_indices = @transform_7, window_bounds = array<i64: 128, 16>}]} {
    %eq3A = arith.constant 0 : i32
    %eq3A_0 = arith.cmpi eq, %arg0, %eq3A : i32
    %convert_element_type3A = arith.extui %eq3A_0 : i1 to i32
    %cond3A = arith.constant 0 : i32
    %cond3A_1 = arith.cmpi ne, %convert_element_type3A, %cond3A : i32
    scf.if %cond3A_1 {
      %broadcast_in_dim3A_53 = arith.constant 0.000000e+00 : f32
      %broadcast_in_dim3A_54 = vector.broadcast %broadcast_in_dim3A_53 : f32 to vector<128x128xf32>
      %swap3A_55 = arith.constant 0 : index
      %swap3A_56 = arith.constant 0 : index
      %swap3A_57 = vector.load %arg9[%swap3A_55, %swap3A_56] : memref<128x128xf32, #tpu.memory_space<vmem>>, vector<128x128xf32>
      tpu.vector_store %arg9[%swap3A_55, %swap3A_56], %broadcast_in_dim3A_54 {strides = array<i32>} : memref<128x128xf32, #tpu.memory_space<vmem>>, vector<128x128xf32>,
      %broadcast_in_dim3A_58 = arith.constant 0.000000e+00 : f32
      %broadcast_in_dim3A_59 = vector.broadcast %broadcast_in_dim3A_58 : f32 to vector<128x1xf32>
      %swap3A_60 = arith.constant 0 : index
      %swap3A_61 = arith.constant 0 : index
      %swap3A_62 = vector.load %arg10[%swap3A_60, %swap3A_61] : memref<128x1xf32, #tpu.memory_space<vmem>>, vector<128x1xf32>
      tpu.vector_store %arg10[%swap3A_60, %swap3A_61], %broadcast_in_dim3A_59 {strides = array<i32>} : memref<128x1xf32, #tpu.memory_space<vmem>>, vector<128x1xf32>,
    } else {
    }
    %get3A = arith.constant 0 : index
    %get3A_2 = arith.constant 0 : index
    %get3A_3 = arith.constant 0 : index
    %get3A_4 = vector.load %arg1[%get3A, %get3A_2, %get3A_3] : memref<2x2528x128xf32, #tpu.memory_space<vmem>>, vector<1x2528x128xf32>
    %get3A_5 = vector.shape_cast %get3A_4 : vector<1x2528x128xf32> to vector<2528x128xf32>
    %get3A_6 = arith.constant 1 : index
    %get3A_7 = arith.constant 0 : index
    %get3A_8 = arith.constant 0 : index
    %get3A_9 = vector.load %arg1[%get3A_6, %get3A_7, %get3A_8] : memref<2x2528x128xf32, #tpu.memory_space<vmem>>, vector<1x2528x128xf32>
    %get3A_10 = vector.shape_cast %get3A_9 : vector<1x2528x128xf32> to vector<2528x128xf32>
    %add3A = arith.addf %get3A_5, %get3A_10 : vector<2528x128xf32>
    %get3A_11 = arith.constant 0 : index
    %get3A_12 = arith.constant 0 : index
    %get3A_13 = vector.load %arg2[%get3A_11, %get3A_12] : memref<2528x128xf32, #tpu.memory_space<vmem>>, vector<2528x128xf32>
    %add3A_14 = arith.addf %add3A, %get3A_13 : vector<2528x128xf32>
    %get3A_15 = arith.constant 0 : index
    %get3A_16 = arith.constant 0 : index
    %get3A_17 = vector.load %arg3[%get3A_15, %get3A_16] : memref<2528x1xf32, #tpu.memory_space<vmem>>, vector<2528x1xf32>
    %mul3A = vector.broadcast %get3A_17 : vector<2528x1xf32> to vector<2528x128xf32>
    %mul3A_18 = arith.mulf %add3A_14, %mul3A : vector<2528x128xf32>
    %get3A_19 = arith.constant 0 : index
    %get3A_20 = arith.constant 0 : index
    %get3A_21 = vector.load %arg4[%get3A_19, %get3A_20] : memref<1x128xf32, #tpu.memory_space<vmem>>, vector<1x128xf32>
    %add3A_22 = vector.broadcast %get3A_21 : vector<1x128xf32> to vector<2528x128xf32>
    %add3A_23 = arith.addf %mul3A_18, %add3A_22 : vector<2528x128xf32>
    %iota3A = tpu.iota {dimensions = array<i32: 1>} : vector<2528x128xi32>
    %get3A_24 = arith.constant 0 : index
    %get3A_25 = arith.constant 0 : index
    %get3A_26 = vector.load %arg5[%get3A_24, %get3A_25] : memref<2528x1xi32, #tpu.memory_space<vmem>>, vector<2528x1xi32>
    %eq3A_27 = vector.broadcast %get3A_26 : vector<2528x1xi32> to vector<2528x128xi32>
    %eq3A_28 = arith.cmpi eq, %iota3A, %eq3A_27 : vector<2528x128xi32>
    %convert_element_type3A_29 = arith.extui %eq3A_28 : vector<2528x128xi1> to vector<2528x128xi32>
    %convert_element_type3A_30 = arith.sitofp %convert_element_type3A_29 : vector<2528x128xi32> to vector<2528x128xf32>
    %get3A_31 = arith.constant 0 : index
    %get3A_32 = arith.constant 0 : index
    %get3A_33 = vector.load %arg9[%get3A_31, %get3A_32] : memref<128x128xf32, #tpu.memory_space<vmem>>, vector<128x128xf32>
    %dot_general3A = arith.constant dense<0.000000e+00> : vector<128x128xf32>
    %dot_general3A_34 = tpu.matmul %convert_element_type3A_30, %add3A_23, %dot_general3A {dimension_numbers = #tpu.dot_dimension_numbers<[0], [0], [1], [1], [0, 1, 1, 1], [], []>, transpose_lhs_hint = false} : vector<2528x128xf32>, vector<2528x128xf32>, vector<128x128xf32> -> vector<128x128xf32>
    %add3A_35 = arith.addf %get3A_33, %dot_general3A_34 : vector<128x128xf32>
    %swap3A = arith.constant 0 : index
    %swap3A_36 = arith.constant 0 : index
    %swap3A_37 = vector.load %arg9[%swap3A, %swap3A_36] : memref<128x128xf32, #tpu.memory_space<vmem>>, vector<128x128xf32>
    tpu.vector_store %arg9[%swap3A, %swap3A_36], %add3A_35 {strides = array<i32>} : memref<128x128xf32, #tpu.memory_space<vmem>>, vector<128x128xf32>,
    %get3A_38 = arith.constant 0 : index
    %get3A_39 = arith.constant 0 : index
    %get3A_40 = vector.load %arg10[%get3A_38, %get3A_39] : memref<128x1xf32, #tpu.memory_space<vmem>>, vector<128x1xf32>
    %broadcast_in_dim3A = arith.constant 1.000000e+00 : f32
    %broadcast_in_dim3A_41 = vector.broadcast %broadcast_in_dim3A : f32 to vector<2528x1xf32>
    %dot_general3A_42 = arith.constant dense<0.000000e+00> : vector<128x1xf32>
    %dot_general3A_43 = tpu.matmul %convert_element_type3A_30, %broadcast_in_dim3A_41, %dot_general3A_42 {dimension_numbers = #tpu.dot_dimension_numbers<[0], [0], [1], [1], [0, 1, 1, 1], [], []>, transpose_lhs_hint = false} : vector<2528x128xf32>, vector<2528x1xf32>, vector<128x1xf32> -> vector<128x1xf32>
    %add3A_44 = arith.addf %get3A_40, %dot_general3A_43 : vector<128x1xf32>
    %swap3A_45 = arith.constant 0 : index
    %swap3A_46 = arith.constant 0 : index
    %swap3A_47 = vector.load %arg10[%swap3A_45, %swap3A_46] : memref<128x1xf32, #tpu.memory_space<vmem>>, vector<128x1xf32>
    tpu.vector_store %arg10[%swap3A_45, %swap3A_46], %add3A_44 {strides = array<i32>} : memref<128x1xf32, #tpu.memory_space<vmem>>, vector<128x1xf32>,
    %eq3A_48 = arith.constant 3 : i32
    %eq3A_49 = arith.cmpi eq, %arg0, %eq3A_48 : i32
    %convert_element_type3A_50 = arith.extui %eq3A_49 : i1 to i32
    %cond3A_51 = arith.constant 0 : i32
    %cond3A_52 = arith.cmpi ne, %convert_element_type3A_50, %cond3A_51 : i32
    scf.if %cond3A_52 {
      %get3A_53 = arith.constant 0 : index
      %get3A_54 = arith.constant 0 : index
      %get3A_55 = vector.load %arg9[%get3A_53, %get3A_54] : memref<128x128xf32, #tpu.memory_space<vmem>>, vector<128x128xf32>
      %get3A_56 = arith.constant 0 : index
      %get3A_57 = arith.constant 0 : index
      %get3A_58 = vector.load %arg10[%get3A_56, %get3A_57] : memref<128x1xf32, #tpu.memory_space<vmem>>, vector<128x1xf32>
      %max3A = arith.constant 1.000000e+00 : f32
      %max3A_59 = vector.broadcast %max3A : f32 to vector<128x1xf32>
      %max3A_60 = arith.maximumf %get3A_58, %max3A_59 : vector<128x1xf32>
      %div3A = vector.broadcast %max3A_60 : vector<128x1xf32> to vector<128x128xf32>
      %div3A_61 = arith.divf %get3A_55, %div3A : vector<128x128xf32>
      %get3A_62 = arith.constant 0 : index
      %get3A_63 = arith.constant 0 : index
      %get3A_64 = vector.load %arg6[%get3A_62, %get3A_63] : memref<128x16xf32, #tpu.memory_space<vmem>>, vector<128x16xf32>
      %dot_general3A_65 = arith.constant dense<0.000000e+00> : vector<128x16xf32>
      %dot_general3A_66 = tpu.matmul %div3A_61, %get3A_64, %dot_general3A_65 {dimension_numbers = #tpu.dot_dimension_numbers<[1], [0], [0], [1], [0, 0, 1, 1], [], []>, transpose_lhs_hint = false} : vector<128x128xf32>, vector<128x16xf32>, vector<128x16xf32> -> vector<128x16xf32>
      %get3A_67 = arith.constant 0 : index
      %get3A_68 = arith.constant 0 : index
      %get3A_69 = vector.load %arg7[%get3A_67, %get3A_68] : memref<1x16xf32, #tpu.memory_space<vmem>>, vector<1x16xf32>
      %add3A_70 = vector.broadcast %get3A_69 : vector<1x16xf32> to vector<128x16xf32>
      %add3A_71 = arith.addf %dot_general3A_66, %add3A_70 : vector<128x16xf32>
      %swap3A_72 = arith.constant 0 : index
      %swap3A_73 = arith.constant 0 : index
      %swap3A_74 = vector.load %arg8[%swap3A_72, %swap3A_73] : memref<128x16xf32, #tpu.memory_space<vmem>>, vector<128x16xf32>
      tpu.vector_store %arg8[%swap3A_72, %swap3A_73], %add3A_71 {strides = array<i32>} : memref<128x16xf32, #tpu.memory_space<vmem>>, vector<128x16xf32>,
    } else {
    }
    return
  }
  func.func @transform_0(%arg0: i32) -> (i32, i32, i32) {
    %c0_i32 = arith.constant 0 : i32
    %c0_i32_0 = arith.constant 0 : i32
    %c0_i32_1 = arith.constant 0 : i32
    return %c0_i32, %arg0, %c0_i32_0 : i32, i32, i32
  }
  func.func @transform_1(%arg0: i32) -> (i32, i32) {
    %c0_i32 = arith.constant 0 : i32
    %c0_i32_0 = arith.constant 0 : i32
    return %arg0, %c0_i32 : i32, i32
  }
  func.func @transform_2(%arg0: i32) -> (i32, i32) {
    %c0_i32 = arith.constant 0 : i32
    %c0_i32_0 = arith.constant 0 : i32
    return %arg0, %c0_i32 : i32, i32
  }
  func.func @transform_3(%arg0: i32) -> (i32, i32) {
    %c0_i32 = arith.constant 0 : i32
    %c0_i32_0 = arith.constant 0 : i32
    %c0_i32_1 = arith.constant 0 : i32
    return %c0_i32, %c0_i32_0 : i32, i32
  }
  func.func @transform_4(%arg0: i32) -> (i32, i32) {
    %c0_i32 = arith.constant 0 : i32
    %c0_i32_0 = arith.constant 0 : i32
    return %arg0, %c0_i32 : i32, i32
  }
  func.func @transform_5(%arg0: i32) -> (i32, i32) {
    %c0_i32 = arith.constant 0 : i32
    %c0_i32_0 = arith.constant 0 : i32
    %c0_i32_1 = arith.constant 0 : i32
    return %c0_i32, %c0_i32_0 : i32, i32
  }
  func.func @transform_6(%arg0: i32) -> (i32, i32) {
    %c0_i32 = arith.constant 0 : i32
    %c0_i32_0 = arith.constant 0 : i32
    %c0_i32_1 = arith.constant 0 : i32
    return %c0_i32, %c0_i32_0 : i32, i32
  }
  func.func @transform_7(%arg0: i32) -> (i32, i32) {
    %c0_i32 = arith.constant 0 : i32
    %c0_i32_0 = arith.constant 0 : i32
    %c0_i32_1 = arith.constant 0 : i32
    return %c0_i32, %c0_i32_0 : i32, i32
  }
}

</mosaic_0001>

<sc_bundles>
// kernel: kernel.10.cloned.1.call-start
scs
__scs_entry_jumppad:
0x0: {  	(pc) =	sbr.rel $0x88, $3  }
0x1: {  	(tag) =	ssettag $0x0;
	lr =	simm.s32 $0x1  }
0x2: {  	[smem:$0x3F96] =	sst lr;
	_ =	strace $0xD0000000  }
0x3: {  	_ = 	snop  }
0x4: {  	_ = 	snop  }
0x5: {  	_ = 	snop  }
0x6: {  	_ = 	snop  }
0x7: {  	_ = 	snop  }
__scs_overlays_trampoline_lowered:
0x8: {  	[smem:$0x3FA5] =	sst s0  }
0x9: {  	[smem:$0x3FA6] =	sst s1  }
0xa: {  	[smem:$0x3FA7] =	sst s2  }
0xb: {  	[smem:$0x3FA8] =	sst s3  }
0xc: {  	[smem:$0x3FA9] =	sst s4  }
0xd: {  	[smem:$0x3FAA] =	sst s5  }
0xe: {  	[smem:$0x3FAB] =	sst s6  }
0xf: {  	[smem:$0x3FAC] =	sst s7  }
0x10: {  	[smem:$0x3FAD] =	sst s8  }
0x11: {  	[smem:$0x3FAE] =	sst s9;
	s0 =	simm.s32 @!p0 $0x0  }
0x12: {  	s1 =	sld [smem:$0x3F94];
	s0 =	simm.s32 @p0 $0x1  }
0x13: {  	[smem:$0x3FAF] =	sst s0;
	s0 =	simm.s32 @!p1 $0x0  }
0x14: {  	s2 =	sld [smem:$0x3F93];
	s0 =	simm.s32 @p1 $0x1  }
0x15: {  	[smem:$0x3FB0] =	sst s0;
	s0 =	simm.s32 @!p2 $0x0  }
0x16: {  	s3 =	sld [smem:$0x3FDB];
	s0 =	simm.s32 @p2 $0x1  }
0x17: {  	s4 =	simm.s32 $0x1BF5;
	[smem:$0x3FB2] =	sst s0  }
0x18: {  	s0 =	sld [smem:$0x3F95];
	_ =	swait.ge [sflag:s4], $0x0  }
0x19: {  	s7 =	sld [smem:$0x3F96]  }
0x1a: {  	s8 =	sadd.s32 $0xFFFFE003, lr  }
0x1b: {  	s9 =	sadd.s32 $0xFFFFFEF7, lr;
	s5 =	simm.s32 $0xFFFFFFFF;
	p2 =	slt.u32 s8, $0xFFFFF086  }
0x1c: {  	p1 =	slt.u32 s9, $0xF7A;
	s5 =	simm.s32 @!p2 $0x0  }
0x1d: {  	s5 =	simm.s32 @p1 $0x1;
	p0 =	seq.s32 s7, s2  }
0x1e: {  	s7 =	smul.u32 @!p0 $0xF7A, s2;
	p2 =	seq.s32 @!p0 s5, $0x0  }
0x1f: {  	s9 =	smul.u32 $0xF7A, s1;
	s8 =	simm.s32 @!p0 $0x1BF5;
	p2 =	por !p2, p0  }
0x20: {  	[sflag:s8] =	ssyncset.s32 @!p0 $0xFFFFF086;
	s6 =	sadd.s32 @!p0 s3, s7;
	s7 =	simm.s32 @!p0 $0x108  }
0x21: {  	s3 =	sadd.s32 s3, s9;
	s6 =	sadd.s32 @!p0 $0x88, s6;
	s7 =	simm.s32 @p2 $0x1082  }
0x22: {  	[simem:s7], [sflag:s8] =	dma.local @!p0 [hbm:s6], $0xF7A  }
0x23: {  	s9 =	sor.u32 $0xD0000000, s2;
	s6 =	simm.s32 $0x108;
	_ =	swait.ge @!p0 [sflag:s8], $0x0  }
0x24: {  	s3 =	sadd.s32 $0x88, s3;
	s6 =	simm.s32 @!p1 $0x1082;
	[sflag:s4] =	ssyncset.s32 $0xFFFFF086  }
0x25: {  	[simem:s6], [sflag:s4] =	dma.local [hbm:s3], $0xF7A  }
0x26: {  	[smem:$0x3F96] =	sst s1;
	(tag) =	ssettag s2;
	_ =	strace s9  }
0x27: {  	s1 =	sld [smem:$0x3FA6]  }
0x28: {  	s2 =	sld [smem:$0x3FA7]  }
0x29: {  	s4 =	sld [smem:$0x3FA9]  }
0x2a: {  	p0 =	seq.s32 s5, $0x0;
	s5 =	sld [smem:$0x3FAA]  }
0x2b: {  	s6 =	sld [smem:$0x3FAB]  }
0x2c: {  	s7 =	sld [smem:$0x3FAC]  }
0x2d: {  	s3 =	simm.s32 $0x108;
	s8 =	sld [smem:$0x3FAD]  }
0x2e: {  	s3 =	simm.s32 @!p0 $0x1082;
	s9 =	sld [smem:$0x3FAE]  }
0x2f: {  	lr =	sadd.s32 s0, s3;
	s0 =	sld [smem:$0x3FA5]  }
0x30: {  	s3 =	sld [smem:$0x3FA8]  }
0x31: {  	[smem:$0x3FB1] =	sst s10  }
0x32: {  	s10 =	sld [smem:$0x3FAF];
	_ =	sdelay $0x3  }
0x33: {  	p0 =	seq.s32 s10, $0x1;
	s10 =	sld [smem:$0x3FB1];
	_ =	sdelay $0x3  }
0x34: {  	[smem:$0x3FB1] =	sst s10  }
0x35: {  	s10 =	sld [smem:$0x3FB0];
	_ =	sdelay $0x3  }
0x36: {  	p1 =	seq.s32 s10, $0x1;
	s10 =	sld [smem:$0x3FB1];
	_ =	sdelay $0x3  }
0x37: {  	[smem:$0x3FB1] =	sst s10  }
0x38: {  	s10 =	sld [smem:$0x3FB2]  }
0x39: {  	_ = 	snop;
	(pc) =	sbr.ind lr, $3  }
0x3a: {  	_ = 	snop  }
0x3b: {  	_ = 	snop  }
0x3c: {  	p2 =	seq.s32 s10, $0x1;
	s10 =	sld [smem:$0x3FB1]  }
0x3d: {  	_ =	shalt  }
0x3e: {  	_ =	shalt  }
0x3f: {  	_ =	shalt  }
0x40: {  	_ =	shalt  }
0x41: {  	_ =	shalt  }
0x42: {  	_ =	shalt  }
0x43: {  	_ =	shalt  }
0x44: {  	_ =	shalt  }
0x45: {  	_ =	shalt  }
0x46: {  	_ =	shalt  }
0x47: {  	_ =	shalt  }
0x48: {  	_ =	shalt  }
0x49: {  	_ =	shalt  }
0x4a: {  	_ =	shalt  }
0x4b: {  	_ =	shalt  }
0x4c: {  	_ =	shalt  }
0x4d: {  	_ =	shalt  }
0x4e: {  	_ =	shalt  }
0x4f: {  	_ =	shalt  }
0x50: {  	_ =	shalt  }
0x51: {  	_ =	shalt  }
0x52: {  	_ =	shalt  }
0x53: {  	_ =	shalt  }
0x54: {  	_ =	shalt  }
0x55: {  	_ =	shalt  }
0x56: {  	_ =	shalt  }
0x57: {  	_ =	shalt  }
0x58: {  	_ =	shalt  }
0x59: {  	_ =	shalt  }
0x5a: {  	_ =	shalt  }
0x5b: {  	_ =	shalt  }
0x5c: {  	_ =	shalt  }
0x5d: {  	_ =	shalt  }
0x5e: {  	_ =	shalt  }
0x5f: {  	_ =	shalt  }
0x60: {  	_ =	shalt  }
0x61: {  	_ =	shalt  }
0x62: {  	_ =	shalt  }
0x63: {  	_ =	shalt  }
0x64: {  	_ =	shalt  }
0x65: {  	_ =	shalt  }
0x66: {  	_ =	shalt  }
0x67: {  	_ =	shalt  }
0x68: {  	_ =	shalt  }
0x69: {  	_ =	shalt  }
0x6a: {  	_ =	shalt  }
0x6b: {  	_ =	shalt  }
0x6c: {  	_ =	shalt  }
0x6d: {  	_ =	shalt  }
0x6e: {  	_ =	shalt  }
0x6f: {  	_ =	shalt  }
0x70: {  	_ =	shalt  }
0x71: {  	_ =	shalt  }
0x72: {  	_ =	shalt  }
0x73: {  	_ =	shalt  }
0x74: {  	_ =	shalt  }
0x75: {  	_ =	shalt  }
0x76: {  	_ =	shalt  }
0x77: {  	_ =	shalt  }
0x78: {  	_ =	shalt  }
0x79: {  	_ =	shalt  }
0x7a: {  	_ =	shalt  }
0x7b: {  	_ =	shalt  }
0x7c: {  	_ =	shalt  }
0x7d: {  	_ =	shalt  }
0x7e: {  	_ =	shalt  }
0x7f: {  	_ =	shalt  }
0x80: {  	_ =	shalt  }
0x81: {  	_ =	shalt  }
0x82: {  	_ =	shalt  }
0x83: {  	_ =	shalt  }
0x84: {  	_ =	shalt  }
0x85: {  	_ =	shalt  }
0x86: {  	_ =	shalt  }
0x87: {  	_ =	shalt  }
.Lfunc_end0:
.L_simem_size_0:
called_computation_lowered:
.L_overlay_start_0:
0x88: {  	s2 =	sld [smem:$0x3FD9]  }
0x89: {  	s3 =	sld [smem:$0x3FFE];
	_ =	sdelay $0x1  }
0x8a: {  	s1 =	srdreg.scid  }
0x8b: {  	s0 =	sand.u32 $0x1, s1  }
0x8c: {  	s17 =	sshll.u32 s0, $0xA;
	s2 =	sadd.s32 s3, s2  }
0x8d: {  	s2 =	sadd.s32 s2, s17  }
0x8e: {  	[smem:$0x3FBD] =	sst s2  }
0x8f: {  	_ = 	snop  }
0x90: {  	s2 =	sld [smem:$0x3FD0];
	(tm) =	ssettm $0x1  }
0x91: {  	s18 =	sld [smem:$0x3FFB];
	_ =	sdelay $0x3  }
0x92: {  	_ =	strace s18  }
0x93: {  	s3 =	sld [smem:$0x3FFC];
	_ =	sdelay $0x3  }
0x94: {  	_ =	strace s3  }
0x95: {  	s3 =	sld [smem:$0x3FFD];
	_ =	sdelay $0x3  }
0x96: {  	_ =	strace s3  }
0x97: {  	_ =	strace $0x8FFFFFFF  }
0x98: {  	s19 =	sld [smem:$0x3FDB];
	_ =	sdelay $0x1  }
0x99: {  	s4 =	simm.s32 $_scs_section_size  }
0x9a: {  	s5 =	simm.s32 $_size__tile_overlayer_lowered;
	s6 =	simm.s32 $_tile_overlayer_lowered  }
0x9b: {  	s22 =	simm.s32 $0x1BFF;
	s21 =	sshll.u32 s6, $0x1;
	s3 =	sadd.s32 s4, s19  }
0x9c: {  	s7 =	simm.s32 $0x0;
	s20 =	sshll.u32 s5, $0x1;
	s5 =	sadd.s32 s21, s3  }
0x9d: {  	[timem:s7], [sflag:s22] =	dma.local [hbm:s5], s20  }
0x9e: {  	_ =	swait.ge [sflag:s22], s20  }
0x9f: {  	s4 =	ssub.s32 $0x0, s20;
	[sflag:s22] =	ssyncset.done $0x0  }
0xa0: {  	[sflag:s22] =	ssyncadd.s32 s4;
	_ =	sdelay $0x1  }
0xa1: {  	s23 =	simm.s32 $0x1B8B  }
0xa2: {  	_ =	swait.ge [sflag:s23], $0x1  }
0xa3: {  	[sflag:s23] =	ssyncset.done $0x0  }
0xa4: {  	s25 =	simm.s32 $0x1B8E;
	s24 =	sld [smem:$0x3FFE];
	[sflag:s23] =	ssyncadd.s32 $0xFFFFFFFF  }
0xa5: {  	s26 =	simm.s32 $execute0_lowered;
	[smem:$0x3FD2] =	sst s25  }
0xa6: {  	s5 =	sshll.u32 s26, $0x1;
	_ =	strace $0x80000046;
	[dreg:$0x1] =	wrdreg $0xFFFFFFFF  }
0xa7: {  	s28 =	simm.s32 $_size_execute0_lowered;
	s3 =	sadd.s32 s3, s5;
	[dreg:$0x0] =	wrdreg $0x0  }
0xa8: {  	s5 =	sshll.u32 s28, $0x1;
	[dreg:$0x2] =	wrdreg s3  }
0xa9: {  	[dreg:$0x3] =	wrdreg s5  }
0xaa: {  	[dreg:$0x4] =	wrdreg $0xC0  }
0xab: {  	_ =	task [dreg:s7], $0x5FFFF  }
0xac: {  	[dreg:$0x1] =	wrdreg $0xFFFFFFFF  }
0xad: {  	[dreg:$0x0] =	wrdreg $0x60  }
0xae: {  	[dreg:$0x2] =	wrdreg s24  }
0xaf: {  	[dreg:$0x3] =	wrdreg s2  }
0xb0: {  	[dreg:$0x4] =	wrdreg $0x0  }
0xb1: {  	[dreg:$0x5] =	wrdreg $0x9  }
0xb2: {  	_ =	task.clear_ibuf [dreg:s7], $0x6FFFF;
	_ =	strace $0x90000046  }
0xb3: {  	s29 =	simm.s32 $0x9;
	_ =	strace $0x80000048  }
0xb4: {  	_ =	swait.ge [sflag:s29], $0x1  }
0xb5: {  	[sflag:s29] =	ssyncadd.s32 $0xFFFFFFFF  }
0xb6: {  	_ =	strace $0x90000048  }
0xb7: {  	_ =	sfence  }
0xb8: {  	s30 =	sld [smem:$0x0];
	_ =	sdelay $0x2  }
0xb9: {  	s31 =	sshll.u32 s1, $0xD;
	s1 =	sshrl.u32 s1, $0x2  }
0xba: {  	s3 =	sand.u32 $0x4000, s31;
	s1 =	sadd.s32 s1, s30  }
0xbb: {  	s0 =	sor.u32 s3, s0;
	s1 =	sshll.u32 s1, $0x11  }
0xbc: {  	s0 =	sor.u32 s1, s0  }
0xbd: {  	s0 =	sadd.s32 $0x8F2B, s0  }
0xbe: {  	[sflag:s0] =	ssyncadd.remote.s32 $0x1  }
0xbf: {  	_ =	sfence.sel $0xFFFF  }
0xc0: {  	[dreg:$0x0] =	wrdreg $0xFFFFFFFF;
	(pc) =	sbr.abs _section_cstart, $3  }
0xc1: {  	[dreg:$0x1] =	wrdreg $0xFFFFFFFF  }
0xc2: {  	_ =	task.clear_ibuf [dreg:s7], $0x2FFFF;
	_ =	strace $0x9FFFFFFF  }
0xc3: {  	(tm) =	ssettm $0x7FFFFFFF  }
tec
execute0_lowered:
.L_overlay_start_1:
0x0: {  	(tag) =	ssettag $0x1  }
0x1: {  	s1 =	srdreg.scid  }
0x2: {  	s1 =	sand.u32 $0x1, s1  }
0x3: {  	p0 =	seq.s32 s1, $0x1  }
.Ltmp0:
0x4: {  	s7 =	rddreg [dreg:$0x0];
	(pc) =	sbr.rel @p0 .LBB2_4-.Ltmp0, $4  }
0x5: {  	s3 =	rddreg [dreg:$0x1]  }
0x6: {  	s2 =	rddreg [dreg:$0x2];
	s4 =	simm.s32 $0x0  }
0x7: {  	[smem:$0x7FF] =	sst s4  }
0x8: {  	s0 =	rddreg [dreg:$0x3];
	_ =	strace $0x80000047;
	s1 =	stileid.u32  }
0x9: {  	s6 =	simm.s32 $0x2F8;
	s5 =	simm.s32 $0x5  }
0xa: {  	[tilespmem:s6], [sflag:$0x5] =	stream.linear.gather [hbm4b:s3+s4], $0x280, $0x38;
	[tilespmem:$0x6F8] =	vst v63  }
0xb: {  	s14 =	smul.u32 $0x278, s1;
	_ =	swait.ge [sflag:s5], $0x280  }
0xc: {  	[sflag:s5] =	ssyncset.done $0x0  }
0xd: {  	s3 =	sadd.s32 s14, s2;
	[sflag:s5] =	ssyncadd.s32 $0xFFFFFD80  }
0xe: {  	[spmem:s3] =	stream.linear.scatter [tilespmem:s6], [sflag:$0x4], $0x278, $0x38;
	[tilespmem:$0x6F8] =	vst v63  }
0xf: {  	s8 =	sadd.s32 $0x17200, s7;
	s9 =	smul.u32 $0x4E20, s1;
	s6 =	simm.s32 $0x278  }
0x10: {  	[tilespmem:s6], [sflag:$0x5] =	stream.linear.gather [hbm4b:s8+s4], $0x80, $0x38;
	[tilespmem:$0x6F8] =	vst v63  }
0x11: {  	s12 =	sadd.s32 $0x3800, s7;
	s26 =	sshrl.u32 s9, $0x3;
	_ =	swait.ge [sflag:s5], $0x80  }
0x12: {  	s10 =	sadd.s32 s12, s26;
	[sflag:s5] =	ssyncset.done $0x0  }
0x13: {  	s28 =	sadd.s32 $0x9C40, s10;
	s8 =	simm.s32 $0x578;
	[sflag:s5] =	ssyncadd.s32 $0xFFFFFF80  }
0x14: {  	[tilespmem:s8], [sflag:$0x1] =	stream.linear.gather [hbm4b:s28+s4], $0x80, $0x38;
	[tilespmem:$0x6F8] =	vst v63  }
0x15: {  	s9 =	simm.s32 $0x5F8;
	s11 =	sadd.s32 $0x9C50, s10  }
0x16: {  	[tilespmem:s9], [sflag:$0x2] =	stream.linear.gather [hbm4b:s11+s4], $0x80, $0x38;
	[tilespmem:$0x6F8] =	vst v63  }
0x17: {  	s29 =	simm.s32 $0x678;
	s30 =	simm.s32 $0x4;
	s10 =	sadd.s32 $0xA600, s10  }
0x18: {  	[tilespmem:s29], [sflag:$0x3] =	stream.linear.gather [hbm4b:s10+s4], $0x20, $0x38;
	[tilespmem:$0x6F8] =	vst v63  }
0x19: {  	_ =	swait.ge [sflag:s30], $0x278  }
0x1a: {  	[sflag:s30] =	ssyncset.done $0x0  }
0x1b: {  	[sflag:s30] =	ssyncadd.s32 $0xFFFFFD88  }
0x1c: {  	s10 =	simm.s32 $0x1;
	[bflag:$0x0] =	sbarrier.arrive $0xFFFF  }
0x1d: {  	_ =	swait.ge [sflag:s10], $0x80  }
0x1e: {  	[sflag:s10] =	ssyncset.done $0x0  }
0x1f: {  	s13 =	smul.u32 $0x9C4, s1;
	s11 =	simm.s32 $0x80;
	[sflag:s10] =	ssyncadd.s32 $0xFFFFFF80  }
0x20: {  	[spmem:s2] =	stream.indirect.scatter.add.f32 [tilespmem:s6], [sflag:$0x5], $0x1, s8, s11, $0xb8;
	[tilespmem:$0x6F8] =	vst v63  }
0x21: {  	s12 =	sadd.s32 s13, s12;
	_ =	swait.ge [sflag:s5], $0x80  }
0x22: {  	s15 =	sadd.s32 $0xFFFFF660, s12;
	[sflag:s5] =	ssyncset.done $0x0  }
0x23: {  	s13 =	simm.s32 $0x2;
	s16 =	sadd.s32 $0xA600, s15;
	[sflag:s5] =	ssyncadd.s32 $0xFFFFFF80  }
0x24: {  	[tilespmem:s8], [sflag:$0x1] =	stream.linear.gather [hbm4b:s16+s4], $0x80, $0x38;
	[tilespmem:$0x6F8] =	vst v63  }
0x25: {  	_ =	swait.ge [sflag:s13], $0x80  }
0x26: {  	[sflag:s13] =	ssyncset.done $0x0  }
0x27: {  	[sflag:s13] =	ssyncadd.s32 $0xFFFFFF80  }
0x28: {  	[spmem:s2] =	stream.indirect.scatter.add.f32 [tilespmem:s6], [sflag:$0x5], $0x1, s9, s11, $0xb8;
	[tilespmem:$0x6F8] =	vst v63  }
0x29: {  	s14 =	sshrl.u32 s14, $0x3;
	_ =	swait.ge [sflag:s5], $0x80  }
0x2a: {  	s31 =	sadd.s32 s14, s7;
	s14 =	simm.s32 $0xFFFFF680;
	[sflag:s5] =	ssyncset.done $0x0  }
0x2b: {  	s7 =	sadd.s32 $0x17400, s31;
	s15 =	sadd.s32 $0xA610, s15;
	[sflag:s5] =	ssyncadd.s32 $0xFFFFFF80  }
.LBB2_2:
0x2c: {  	[tilespmem:s9], [sflag:$0x2] =	stream.linear.gather [hbm4b:s15+s4], $0x80, $0x38;
	[tilespmem:$0x6F8] =	vst v63  }
0x2d: {  	s15 =	smov.u32 s14  }
0x2e: {  	p0 =	sne.s32 s14, $0xFFFFFFE0;
	s14 =	sadd.s32 $0x20, s14;
	_ =	swait.ge [sflag:s10], $0x80  }
0x2f: {  	[sflag:s10] =	ssyncset.done $0x0  }
0x30: {  	[sflag:s10] =	ssyncadd.s32 $0xFFFFFF80  }
0x31: {  	[spmem:s2] =	stream.indirect.scatter.add.f32 [tilespmem:s6], [sflag:$0x5], $0x1, s8, s11, $0xb8;
	[tilespmem:$0x6F8] =	vst v63  }
0x32: {  	_ =	swait.ge [sflag:s5], $0x80  }
0x33: {  	s15 =	sadd.s32 s15, s12;
	[sflag:s5] =	ssyncset.done $0x0  }
0x34: {  	s16 =	sadd.s32 $0xA600, s15;
	[sflag:s5] =	ssyncadd.s32 $0xFFFFFF80  }
0x35: {  	[tilespmem:s8], [sflag:$0x1] =	stream.linear.gather [hbm4b:s16+s4], $0x80, $0x38;
	[tilespmem:$0x6F8] =	vst v63  }
0x36: {  	_ =	swait.ge [sflag:s13], $0x80  }
0x37: {  	[sflag:s13] =	ssyncset.done $0x0  }
.Ltmp1:
0x38: {  	[sflag:s13] =	ssyncadd.s32 $0xFFFFFF80;
	(pc) =	sbr.rel @p0 .LBB2_2-.Ltmp1, $4  }
0x39: {  	[spmem:s2] =	stream.indirect.scatter.add.f32 [tilespmem:s6], [sflag:$0x5], $0x1, s9, s11, $0xb8;
	[tilespmem:$0x6F8] =	vst v63  }
0x3a: {  	_ =	swait.ge [sflag:s5], $0x80  }
0x3b: {  	[sflag:s5] =	ssyncset.done $0x0  }
0x3c: {  	s15 =	sadd.s32 $0xA610, s15;
	[sflag:s5] =	ssyncadd.s32 $0xFFFFFF80  }
0x3d: {  	[tilespmem:s9], [sflag:$0x2] =	stream.linear.gather [hbm4b:s15+s4], $0x80, $0x38;
	[tilespmem:$0x6F8] =	vst v63  }
0x3e: {  	s22 =	simm.s32 $0x1  }
0x3f: {  	_ =	swait.ge [sflag:s22], $0x80  }
0x40: {  	s23 =	simm.s32 $0x80;
	s5 =	simm.s32 $0x578;
	[sflag:s22] =	ssyncset.done $0x0  }
0x41: {  	s6 =	simm.s32 $0x278;
	s24 =	simm.s32 $0x5;
	[sflag:s22] =	ssyncadd.s32 $0xFFFFFF80  }
0x42: {  	[spmem:s2] =	stream.indirect.scatter.add.f32 [tilespmem:s6], [sflag:$0x5], $0x1, s5, s23, $0xb8;
	[tilespmem:$0x6F8] =	vst v63  }
0x43: {  	_ =	swait.ge [sflag:s24], $0x80  }
0x44: {  	[sflag:s24] =	ssyncset.done $0x0  }
0x45: {  	s8 =	simm.s32 $0x2;
	[sflag:s24] =	ssyncadd.s32 $0xFFFFFF80  }
0x46: {  	_ =	swait.ge [sflag:s8], $0x80  }
0x47: {  	[sflag:s8] =	ssyncset.done $0x0  }
0x48: {  	s25 =	simm.s32 $0x5F8;
	[sflag:s8] =	ssyncadd.s32 $0xFFFFFF80  }
0x49: {  	[spmem:s2] =	stream.indirect.scatter.add.f32 [tilespmem:s6], [sflag:$0x5], $0x1, s25, s23, $0xb8;
	[tilespmem:$0x6F8] =	vst v63  }
0x4a: {  	_ =	swait.ge [sflag:s24], $0x80  }
0x4b: {  	[sflag:s24] =	ssyncset.done $0x0  }
0x4c: {  	s26 =	simm.s32 $0x3;
	[sflag:s24] =	ssyncadd.s32 $0xFFFFFF80  }
0x4d: {  	_ =	swait.ge [sflag:s26], $0x20  }
0x4e: {  	[sflag:s26] =	ssyncset.done $0x0  }
0x4f: {  	s28 =	simm.s32 $0x20;
	s29 =	simm.s32 $0x678;
	[sflag:s26] =	ssyncadd.s32 $0xFFFFFFE0  }
0x50: {  	[spmem:s2] =	stream.indirect.scatter.add.f32 [tilespmem:s6], [sflag:$0x5], $0x1, s29, s28, $0xb8;
	[tilespmem:$0x6F8] =	vst v63  }
0x51: {  	_ =	swait.ge [sflag:s24], $0x20  }
0x52: {  	[sflag:s24] =	ssyncset.done $0x0  }
0x53: {  	[sflag:s24] =	ssyncadd.s32 $0xFFFFFFE0  }
0x54: {  	s30 =	simm.s32 $0x2F8;
	[bflag:$0x0] =	sbarrier.arrive $0xFFFF  }
0x55: {  	[tilespmem:s30], [sflag:$0x5] =	stream.linear.gather [spmem:s3], $0x278, $0x38;
	[tilespmem:$0x6F8] =	vst v63  }
0x56: {  	_ =	swait.ge [sflag:s24], $0x278  }
0x57: {  	[sflag:s24] =	ssyncset.done $0x0  }
0x58: {  	s31 =	simm.s32 $0x0;
	[sflag:s24] =	ssyncadd.s32 $0xFFFFFD88  }
0x59: {  	[hbm4b:s7+s31] =	stream.linear.scatter [tilespmem:s30], [sflag:$0x5], $0x278, $0x38;
	[tilespmem:$0x6F8] =	vst v63  }
0x5a: {  	_ =	swait.ge [sflag:s24], $0x278  }
0x5b: {  	[sflag:s24] =	ssyncset.done $0x0  }
0x5c: {  	[sflag:s24] =	ssyncadd.s32 $0xFFFFFD88  }
.LBB2_4:
0x5d: {  	_ =	sfence.sel $0x180000  }
0x5e: {  	[bflag:$0x0] =	sbarrier.arrive $0xFFFF  }
0x5f: {  	p0 =	sne.s32 s1, $0x0;
	_ =	strace $0x90000047  }
0x60: {  	s0 =	sadd.s32 @!p0 $0x100000, s0;
	[bflag:$0x2] =	sbarrier.arrive $0xFFFF  }
0x61: {  	[sflag:s0] =	ssyncadd.tile.s32 @!p0 $0x1;
	_ =	shalt  }
.Lfunc_end2:
_tile_overlayer_lowered:
.L_overlay_start_2:
0x62: {  	(tag) =	ssettag $0x2  }
0x63: {  	s0 =	rddreg [dreg:$0x0];
	s2 =	stileid.u32  }
0x64: {  	s1 =	rddreg [dreg:$0x1];
	p0 =	sne.s32 s2, $0x0  }
0x65: {  	s3 =	rddreg [dreg:$0x2];
	[bflag:$0x3] =	sbarrier.arrive $0xFFFF;
	s2 =	simm.s32 @!p0 $0x1C05  }
0x66: {  	[timem:s3], [sflag:s2] =	dma.local @!p0 [hbm:s0], s1  }
0x67: {  	s0 =	simm.s32 @!p0 $0x5  }
0x68: {  	_ =	swait.ge @!p0 [sflag:s0], s1  }
0x69: {  	s1 =	ssub.s32 @!p0 $0x0, s1;
	[sflag:s0] =	ssyncset.done @!p0 $0x0  }
0x6a: {  	[sflag:s0] =	ssyncadd.s32 @!p0 s1  }
0x6b: {  	[bflag:$0x3] =	sbarrier.arrive $0xFFFF  }
0x6c: {  	_ =	shalt  }

// kernel: kernel.13.cloned.1.call-start
scs
__scs_entry_jumppad:
0x0: {  	(pc) =	sbr.rel $0x88, $3  }
0x1: {  	(tag) =	ssettag $0x0;
	lr =	simm.s32 $0x1  }
0x2: {  	[smem:$0x3F96] =	sst lr;
	_ =	strace $0xD0000000  }
0x3: {  	_ = 	snop  }
0x4: {  	_ = 	snop  }
0x5: {  	_ = 	snop  }
0x6: {  	_ = 	snop  }
0x7: {  	_ = 	snop  }
__scs_overlays_trampoline_lowered:
0x8: {  	[smem:$0x3FA5] =	sst s0  }
0x9: {  	[smem:$0x3FA6] =	sst s1  }
0xa: {  	[smem:$0x3FA7] =	sst s2  }
0xb: {  	[smem:$0x3FA8] =	sst s3  }
0xc: {  	[smem:$0x3FA9] =	sst s4  }
0xd: {  	[smem:$0x3FAA] =	sst s5  }
0xe: {  	[smem:$0x3FAB] =	sst s6  }
0xf: {  	[smem:$0x3FAC] =	sst s7  }
0x10: {  	[smem:$0x3FAD] =	sst s8  }
0x11: {  	[smem:$0x3FAE] =	sst s9;
	s0 =	simm.s32 @!p0 $0x0  }
0x12: {  	s1 =	sld [smem:$0x3F94];
	s0 =	simm.s32 @p0 $0x1  }
0x13: {  	[smem:$0x3FAF] =	sst s0;
	s0 =	simm.s32 @!p1 $0x0  }
0x14: {  	s2 =	sld [smem:$0x3F93];
	s0 =	simm.s32 @p1 $0x1  }
0x15: {  	[smem:$0x3FB0] =	sst s0;
	s0 =	simm.s32 @!p2 $0x0  }
0x16: {  	s3 =	sld [smem:$0x3FDB];
	s0 =	simm.s32 @p2 $0x1  }
0x17: {  	s4 =	simm.s32 $0x1BF5;
	[smem:$0x3FB2] =	sst s0  }
0x18: {  	s0 =	sld [smem:$0x3F95];
	_ =	swait.ge [sflag:s4], $0x0  }
0x19: {  	s7 =	sld [smem:$0x3F96]  }
0x1a: {  	s8 =	sadd.s32 $0xFFFFE003, lr  }
0x1b: {  	s9 =	sadd.s32 $0xFFFFFEF7, lr;
	s5 =	simm.s32 $0xFFFFFFFF;
	p2 =	slt.u32 s8, $0xFFFFF086  }
0x1c: {  	p1 =	slt.u32 s9, $0xF7A;
	s5 =	simm.s32 @!p2 $0x0  }
0x1d: {  	s5 =	simm.s32 @p1 $0x1;
	p0 =	seq.s32 s7, s2  }
0x1e: {  	s7 =	smul.u32 @!p0 $0xF7A, s2;
	p2 =	seq.s32 @!p0 s5, $0x0  }
0x1f: {  	s9 =	smul.u32 $0xF7A, s1;
	s8 =	simm.s32 @!p0 $0x1BF5;
	p2 =	por !p2, p0  }
0x20: {  	[sflag:s8] =	ssyncset.s32 @!p0 $0xFFFFF086;
	s6 =	sadd.s32 @!p0 s3, s7;
	s7 =	simm.s32 @!p0 $0x108  }
0x21: {  	s3 =	sadd.s32 s3, s9;
	s6 =	sadd.s32 @!p0 $0x88, s6;
	s7 =	simm.s32 @p2 $0x1082  }
0x22: {  	[simem:s7], [sflag:s8] =	dma.local @!p0 [hbm:s6], $0xF7A  }
0x23: {  	s9 =	sor.u32 $0xD0000000, s2;
	s6 =	simm.s32 $0x108;
	_ =	swait.ge @!p0 [sflag:s8], $0x0  }
0x24: {  	s3 =	sadd.s32 $0x88, s3;
	s6 =	simm.s32 @!p1 $0x1082;
	[sflag:s4] =	ssyncset.s32 $0xFFFFF086  }
0x25: {  	[simem:s6], [sflag:s4] =	dma.local [hbm:s3], $0xF7A  }
0x26: {  	[smem:$0x3F96] =	sst s1;
	(tag) =	ssettag s2;
	_ =	strace s9  }
0x27: {  	s1 =	sld [smem:$0x3FA6]  }
0x28: {  	s2 =	sld [smem:$0x3FA7]  }
0x29: {  	s4 =	sld [smem:$0x3FA9]  }
0x2a: {  	p0 =	seq.s32 s5, $0x0;
	s5 =	sld [smem:$0x3FAA]  }
0x2b: {  	s6 =	sld [smem:$0x3FAB]  }
0x2c: {  	s7 =	sld [smem:$0x3FAC]  }
0x2d: {  	s3 =	simm.s32 $0x108;
	s8 =	sld [smem:$0x3FAD]  }
0x2e: {  	s3 =	simm.s32 @!p0 $0x1082;
	s9 =	sld [smem:$0x3FAE]  }
0x2f: {  	lr =	sadd.s32 s0, s3;
	s0 =	sld [smem:$0x3FA5]  }
0x30: {  	s3 =	sld [smem:$0x3FA8]  }
0x31: {  	[smem:$0x3FB1] =	sst s10  }
0x32: {  	s10 =	sld [smem:$0x3FAF];
	_ =	sdelay $0x3  }
0x33: {  	p0 =	seq.s32 s10, $0x1;
	s10 =	sld [smem:$0x3FB1];
	_ =	sdelay $0x3  }
0x34: {  	[smem:$0x3FB1] =	sst s10  }
0x35: {  	s10 =	sld [smem:$0x3FB0];
	_ =	sdelay $0x3  }
0x36: {  	p1 =	seq.s32 s10, $0x1;
	s10 =	sld [smem:$0x3FB1];
	_ =	sdelay $0x3  }
0x37: {  	[smem:$0x3FB1] =	sst s10  }
0x38: {  	s10 =	sld [smem:$0x3FB2]  }
0x39: {  	_ = 	snop;
	(pc) =	sbr.ind lr, $3  }
0x3a: {  	_ = 	snop  }
0x3b: {  	_ = 	snop  }
0x3c: {  	p2 =	seq.s32 s10, $0x1;
	s10 =	sld [smem:$0x3FB1]  }
0x3d: {  	_ =	shalt  }
0x3e: {  	_ =	shalt  }
0x3f: {  	_ =	shalt  }
0x40: {  	_ =	shalt  }
0x41: {  	_ =	shalt  }
0x42: {  	_ =	shalt  }
0x43: {  	_ =	shalt  }
0x44: {  	_ =	shalt  }
0x45: {  	_ =	shalt  }
0x46: {  	_ =	shalt  }
0x47: {  	_ =	shalt  }
0x48: {  	_ =	shalt  }
0x49: {  	_ =	shalt  }
0x4a: {  	_ =	shalt  }
0x4b: {  	_ =	shalt  }
0x4c: {  	_ =	shalt  }
0x4d: {  	_ =	shalt  }
0x4e: {  	_ =	shalt  }
0x4f: {  	_ =	shalt  }
0x50: {  	_ =	shalt  }
0x51: {  	_ =	shalt  }
0x52: {  	_ =	shalt  }
0x53: {  	_ =	shalt  }
0x54: {  	_ =	shalt  }
0x55: {  	_ =	shalt  }
0x56: {  	_ =	shalt  }
0x57: {  	_ =	shalt  }
0x58: {  	_ =	shalt  }
0x59: {  	_ =	shalt  }
0x5a: {  	_ =	shalt  }
0x5b: {  	_ =	shalt  }
0x5c: {  	_ =	shalt  }
0x5d: {  	_ =	shalt  }
0x5e: {  	_ =	shalt  }
0x5f: {  	_ =	shalt  }
0x60: {  	_ =	shalt  }
0x61: {  	_ =	shalt  }
0x62: {  	_ =	shalt  }
0x63: {  	_ =	shalt  }
0x64: {  	_ =	shalt  }
0x65: {  	_ =	shalt  }
0x66: {  	_ =	shalt  }
0x67: {  	_ =	shalt  }
0x68: {  	_ =	shalt  }
0x69: {  	_ =	shalt  }
0x6a: {  	_ =	shalt  }
0x6b: {  	_ =	shalt  }
0x6c: {  	_ =	shalt  }
0x6d: {  	_ =	shalt  }
0x6e: {  	_ =	shalt  }
0x6f: {  	_ =	shalt  }
0x70: {  	_ =	shalt  }
0x71: {  	_ =	shalt  }
0x72: {  	_ =	shalt  }
0x73: {  	_ =	shalt  }
0x74: {  	_ =	shalt  }
0x75: {  	_ =	shalt  }
0x76: {  	_ =	shalt  }
0x77: {  	_ =	shalt  }
0x78: {  	_ =	shalt  }
0x79: {  	_ =	shalt  }
0x7a: {  	_ =	shalt  }
0x7b: {  	_ =	shalt  }
0x7c: {  	_ =	shalt  }
0x7d: {  	_ =	shalt  }
0x7e: {  	_ =	shalt  }
0x7f: {  	_ =	shalt  }
0x80: {  	_ =	shalt  }
0x81: {  	_ =	shalt  }
0x82: {  	_ =	shalt  }
0x83: {  	_ =	shalt  }
0x84: {  	_ =	shalt  }
0x85: {  	_ =	shalt  }
0x86: {  	_ =	shalt  }
0x87: {  	_ =	shalt  }
.Lfunc_end0:
.L_simem_size_0:
called_computation.1_lowered:
.L_overlay_start_0:
0x88: {  	s2 =	sld [smem:$0x3FD9]  }
0x89: {  	s3 =	sld [smem:$0x3FFE];
	_ =	sdelay $0x1  }
0x8a: {  	s1 =	srdreg.scid  }
0x8b: {  	s0 =	sand.u32 $0x1, s1  }
0x8c: {  	s16 =	sshll.u32 s0, $0xA;
	s2 =	sadd.s32 s3, s2  }
0x8d: {  	s2 =	sadd.s32 s2, s16  }
0x8e: {  	[smem:$0x3FBD] =	sst s2  }
0x8f: {  	_ = 	snop  }
0x90: {  	(tm) =	ssettm $0x1  }
0x91: {  	s17 =	sld [smem:$0x3FFB];
	_ =	sdelay $0x3  }
0x92: {  	_ =	strace s17  }
0x93: {  	s2 =	sld [smem:$0x3FFC];
	_ =	sdelay $0x3  }
0x94: {  	_ =	strace s2  }
0x95: {  	s2 =	sld [smem:$0x3FFD];
	_ =	sdelay $0x3  }
0x96: {  	_ =	strace s2  }
0x97: {  	_ =	strace $0x8FFFFFFF  }
0x98: {  	s18 =	sld [smem:$0x3FDB];
	_ =	sdelay $0x1  }
0x99: {  	s19 =	simm.s32 $_scs_section_size  }
0x9a: {  	s4 =	simm.s32 $_size__tile_overlayer_lowered;
	s5 =	simm.s32 $_tile_overlayer_lowered  }
0x9b: {  	s22 =	simm.s32 $0x1BFF;
	s21 =	sshll.u32 s5, $0x1;
	s2 =	sadd.s32 s19, s18  }
0x9c: {  	s6 =	simm.s32 $0x0;
	s20 =	sshll.u32 s4, $0x1;
	s4 =	sadd.s32 s21, s2  }
0x9d: {  	[timem:s6], [sflag:s22] =	dma.local [hbm:s4], s20  }
0x9e: {  	_ =	swait.ge [sflag:s22], s20  }
0x9f: {  	s3 =	ssub.s32 $0x0, s20;
	[sflag:s22] =	ssyncset.done $0x0  }
0xa0: {  	[sflag:s22] =	ssyncadd.s32 s3;
	_ =	sdelay $0x1  }
0xa1: {  	s23 =	simm.s32 $0x1B8B  }
0xa2: {  	_ =	swait.ge [sflag:s23], $0x1  }
0xa3: {  	[sflag:s23] =	ssyncset.done $0x0  }
0xa4: {  	s25 =	simm.s32 $0x1B8E;
	s24 =	sld [smem:$0x3FFE];
	[sflag:s23] =	ssyncadd.s32 $0xFFFFFFFF  }
0xa5: {  	s26 =	simm.s32 $execute0_lowered;
	[smem:$0x3FD2] =	sst s25  }
0xa6: {  	s4 =	sshll.u32 s26, $0x1;
	_ =	strace $0x80000049;
	[dreg:$0x1] =	wrdreg $0xFFFFFFFF  }
0xa7: {  	s28 =	simm.s32 $_size_execute0_lowered;
	s2 =	sadd.s32 s2, s4;
	[dreg:$0x0] =	wrdreg $0x0  }
0xa8: {  	s4 =	sshll.u32 s28, $0x1;
	[dreg:$0x2] =	wrdreg s2  }
0xa9: {  	[dreg:$0x3] =	wrdreg s4  }
0xaa: {  	[dreg:$0x4] =	wrdreg $0xC0  }
0xab: {  	_ =	task [dreg:s6], $0x5FFFF  }
0xac: {  	[dreg:$0x1] =	wrdreg $0xFFFFFFFF  }
0xad: {  	[dreg:$0x0] =	wrdreg $0x60  }
0xae: {  	[dreg:$0x2] =	wrdreg s24  }
0xaf: {  	[dreg:$0x3] =	wrdreg $0x0  }
0xb0: {  	[dreg:$0x4] =	wrdreg $0x9  }
0xb1: {  	_ =	task.clear_ibuf [dreg:s6], $0x5FFFF;
	_ =	strace $0x90000049  }
0xb2: {  	s29 =	simm.s32 $0x9;
	_ =	strace $0x8000004B  }
0xb3: {  	_ =	swait.ge [sflag:s29], $0x1  }
0xb4: {  	[sflag:s29] =	ssyncadd.s32 $0xFFFFFFFF  }
0xb5: {  	_ =	strace $0x9000004B  }
0xb6: {  	_ =	sfence  }
0xb7: {  	s30 =	sld [smem:$0x0];
	_ =	sdelay $0x2  }
0xb8: {  	s31 =	sshll.u32 s1, $0xD;
	s1 =	sshrl.u32 s1, $0x2  }
0xb9: {  	s3 =	sand.u32 $0x4000, s31;
	s1 =	sadd.s32 s1, s30  }
0xba: {  	s0 =	sor.u32 s3, s0;
	s1 =	sshll.u32 s1, $0x11  }
0xbb: {  	s0 =	sor.u32 s1, s0  }
0xbc: {  	s0 =	sadd.s32 $0x8F2B, s0  }
0xbd: {  	[sflag:s0] =	ssyncadd.remote.s32 $0x1  }
0xbe: {  	_ =	sfence.sel $0xFFFF  }
0xbf: {  	[dreg:$0x0] =	wrdreg $0xFFFFFFFF;
	(pc) =	sbr.abs _section_cstart, $3  }
0xc0: {  	[dreg:$0x1] =	wrdreg $0xFFFFFFFF  }
0xc1: {  	_ =	task.clear_ibuf [dreg:s6], $0x2FFFF;
	_ =	strace $0x9FFFFFFF  }
0xc2: {  	(tm) =	ssettm $0x7FFFFFFF  }
0xc3: {  	_ =	shalt  }
tec
execute0_lowered:
.L_overlay_start_1:
0x0: {  	(tag) =	ssettag $0x1  }
0x1: {  	s0 =	rddreg [dreg:$0x0]  }
0x2: {  	s1 =	rddreg [dreg:$0x1]  }
0x3: {  	s2 =	srdreg.scid;
	s3 =	simm.s32 $0x0;
	s10 =	stileid.u32  }
0x4: {  	s28 =	simm.s32 $0x16400;
	s29 =	simm.s32 $0x16480;
	s30 =	simm.s32 $0x7  }
0x5: {  	s31 =	simm.s32 $0x1;
	s2 =	sand.u32 $0x1, s2;
	s6 =	smul.u32 $0x13C00, s10  }
0x6: {  	[smem:$0x7FF] =	sst s3;
	s4 =	sadd.s32 $0x17200, s0;
	s9 =	smul.u32 $0x4F000, s10  }
0x7: {  	s7 =	sadd.s32 $0x3800, s0;
	s16 =	sadd.s32 $0x3EA00, s0;
	s20 =	smul.u32 $0x2710, s10  }
0x8: {  	s11 =	sshll.u32 s10, $0x6;
	s5 =	smul.u32 $0x13C000, s2;
	_ =	strace $0x8000004A  }
0x9: {  	[dreg:$0x3] =	wrdreg s16;
	s17 =	sshll.u32 s2, $0x4;
	s8 =	ssub.s32 $0x2, s2  }
0xa: {  	s2 =	smul.u32 $0x27100, s2;
	[dreg:$0x4] =	wrdreg s11;
	s22 =	sor.u32 $0x1C07, s11  }
0xb: {  	s18 =	sshrl.u32 s8, $0x1;
	s19 =	sshrl.u32 s9, $0x2;
	[dreg:$0x5] =	wrdreg s22  }
0xc: {  	s22 =	simm.s32 $0x1A500;
	s5 =	sadd.s32 s6, s5;
	s6 =	sor.u32 s10, s17  }
0xd: {  	s21 =	sadd.s32 s19, s1;
	s2 =	sadd.s32 s20, s2;
	s17 =	simm.s32 $0x13C00  }
0xe: {  	s19 =	simm.s32 $0x80;
	s20 =	simm.s32 $0x16500;
	s5 =	sshrl.u32 s5, $0x3  }
0xf: {  	s6 =	smul.u32 $0x2710, s6;
	s25 =	sadd.s32 $0x4E300, s2;
	s2 =	sadd.s32 $0x4E380, s2  }
0x10: {  	s16 =	sshrl.u32 s21, $0x3;
	s21 =	simm.s32 $0x5;
	s0 =	sadd.s32 s5, s0  }
0x11: {  	s5 =	ssub.s32 s8, s18;
	s26 =	sshrl.u32 s25, $0x3;
	s2 =	sshrl.u32 s2, $0x3  }
0x12: {  	s18 =	simm.s32 $0x8;
	s25 =	simm.s32 $0x1E500;
	s6 =	sshrl.u32 s6, $0x3  }
0x13: {  	s12 =	sadd.s32 $0x41200, s0;
	s13 =	smax.u32 s5, $0x1;
	s14 =	sadd.s32 s26, s7  }
0x14: {  	s15 =	sadd.s32 s2, s7;
	s26 =	simm.s32 $0x16380;
	s8 =	sadd.s32 s7, s6  }
0x15: {  	s0 =	simm.s32 $0x4;
	s2 =	simm.s32 $0x2;
	s6 =	sadd.s32 $0x9C40, s8  }
0x16: {  	s5 =	simm.s32 $0x6;
	s23 =	sadd.s32 $0x9C50, s8;
	[dreg:$0x6] =	wrdreg s6  }
0x17: {  	s7 =	simm.s32 $0x0;
	s24 =	sadd.s32 $0xA120, s8;
	[dreg:$0x7] =	wrdreg s23  }
0x18: {  	[dreg:$0x8] =	wrdreg s24;
	s23 =	simm.s32 $0x10;
	s24 =	simm.s32 $0x3  }
.LBB2_1:
0x19: {  	s6 =	rddreg [dreg:$0x3]  }
0x1a: {  	s9 =	rddreg [dreg:$0x5]  }
0x1b: {  	[spmem:s16], [sflag:s9] =	dma.local [hbm:s6], $0x2780  }
0x1c: {  	[tilespmem:s17], [sflag:$0x8] =	stream.linear.gather [hbm4b:s8+s3], $0x2710, $0x38;
	[tilespmem:$0x1ED00] =	vst v63  }
0x1d: {  	_ =	swait.ge [sflag:s18], $0x2710  }
0x1e: {  	[sflag:s18] =	ssyncset.done $0x0  }
0x1f: {  	[sflag:s18] =	ssyncadd.s32 $0xFFFFD8F0  }
0x20: {  	[tilespmem:s20], [sflag:$0x1] =	stream.indirect.gather [hbm4b:s4+s19], $0x80, s17, s19, $0xb8;
	[tilespmem:$0x1ED00] =	vst v63  }
0x21: {  	s10 =	simm.s32 $0x13C80  }
0x22: {  	[tilespmem:s22], [sflag:$0x2] =	stream.indirect.gather [hbm4b:s4+s19], $0x80, s10, s19, $0xb8;
	[tilespmem:$0x1ED00] =	vst v63  }
0x23: {  	s11 =	simm.s32 $0x16300  }
0x24: {  	[tilespmem:s25], [sflag:$0x3] =	stream.indirect.gather [hbm4b:s4+s23], $0x80, s11, s23, $0xb8;
	[tilespmem:$0x1ED00] =	vst v63  }
0x25: {  	s9 =	rddreg [dreg:$0x6]  }
0x26: {  	[tilespmem:s26], [sflag:$0x4] =	stream.linear.gather [hbm4b:s9+s3], $0x80, $0x38;
	[tilespmem:$0x1ED00] =	vst v63  }
0x27: {  	s10 =	rddreg [dreg:$0x7]  }
0x28: {  	[tilespmem:s28], [sflag:$0x5] =	stream.linear.gather [hbm4b:s10+s3], $0x80, $0x38;
	[tilespmem:$0x1ED00] =	vst v63  }
0x29: {  	s11 =	rddreg [dreg:$0x8]  }
0x2a: {  	[tilespmem:s29], [sflag:$0x6] =	stream.linear.gather [hbm4b:s11+s3], $0x10, $0x38;
	[tilespmem:$0x1ED00] =	vst v63  }
0x2b: {  	_ =	swait.ge [sflag:s30], $0x2780  }
0x2c: {  	[sflag:s30] =	ssyncset.done $0x0  }
0x2d: {  	[sflag:s30] =	ssyncadd.s32 $0xFFFFD880  }
0x2e: {  	[bflag:$0x0] =	sbarrier.arrive $0xFFFF  }
0x2f: {  	_ =	swait.ge [sflag:s31], $0x4000  }
0x30: {  	[sflag:s31] =	ssyncset.done $0x0  }
0x31: {  	[sflag:s31] =	ssyncadd.s32 $0xFFFFC000  }
0x32: {  	_ =	swait.ge [sflag:s0], $0x80  }
0x33: {  	[sflag:s0] =	ssyncset.done $0x0  }
0x34: {  	[sflag:s0] =	ssyncadd.s32 $0xFFFFFF80  }
0x35: {  	[spmem:s1] =	stream.indirect.scatter.add.f32 [tilespmem:s20], [sflag:$0x8], $0x80, s26, s19, $0xb8;
	[tilespmem:$0x1ED00] =	vst v63  }
0x36: {  	_ =	swait.ge [sflag:s18], $0x4000  }
0x37: {  	[sflag:s18] =	ssyncset.done $0x0  }
0x38: {  	s9 =	simm.s32 $0x13D00;
	[sflag:s18] =	ssyncadd.s32 $0xFFFFC000  }
0x39: {  	[tilespmem:s20], [sflag:$0x1] =	stream.indirect.gather [hbm4b:s4+s19], $0x80, s9, s19, $0xb8;
	[tilespmem:$0x1ED00] =	vst v63  }
0x3a: {  	s10 =	sadd.s32 $0x0, s14  }
0x3b: {  	[tilespmem:s26], [sflag:$0x4] =	stream.linear.gather [hbm4b:s10+s3], $0x80, $0x38;
	[tilespmem:$0x1ED00] =	vst v63  }
0x3c: {  	_ =	swait.ge [sflag:s2], $0x4000  }
0x3d: {  	[sflag:s2] =	ssyncset.done $0x0  }
0x3e: {  	[sflag:s2] =	ssyncadd.s32 $0xFFFFC000  }
0x3f: {  	_ =	swait.ge [sflag:s21], $0x80  }
0x40: {  	[sflag:s21] =	ssyncset.done $0x0  }
0x41: {  	[sflag:s21] =	ssyncadd.s32 $0xFFFFFF80  }
0x42: {  	[spmem:s1] =	stream.indirect.scatter.add.f32 [tilespmem:s22], [sflag:$0x8], $0x80, s28, s19, $0xb8;
	[tilespmem:$0x1ED00] =	vst v63  }
0x43: {  	_ =	swait.ge [sflag:s18], $0x4000  }
0x44: {  	s6 =	simm.s32 $0x13E00;
	s11 =	simm.s32 $0x13D80;
	[sflag:s18] =	ssyncset.done $0x0  }
0x45: {  	s9 =	simm.s32 $0x20;
	s10 =	sadd.s32 $0x0, s15;
	[sflag:s18] =	ssyncadd.s32 $0xFFFFC000  }
0x46: {  	[tilespmem:s22], [sflag:$0x2] =	stream.indirect.gather [hbm4b:s4+s19], $0x80, s11, s19, $0xb8;
	[tilespmem:$0x1ED00] =	vst v63  }
.LBB2_2:
0x47: {  	[tilespmem:s28], [sflag:$0x5] =	stream.linear.gather [hbm4b:s10+s3], $0x80, $0x38;
	[tilespmem:$0x1ED00] =	vst v63  }
0x48: {  	s10 =	smov.u32 s9  }
0x49: {  	p0 =	sne.s32 s9, $0x4A0;
	s9 =	sadd.s32 $0x20, s9;
	_ =	swait.ge [sflag:s31], $0x4000  }
0x4a: {  	[sflag:s31] =	ssyncset.done $0x0  }
0x4b: {  	[sflag:s31] =	ssyncadd.s32 $0xFFFFC000  }
0x4c: {  	_ =	swait.ge [sflag:s0], $0x80  }
0x4d: {  	[sflag:s0] =	ssyncset.done $0x0  }
0x4e: {  	[sflag:s0] =	ssyncadd.s32 $0xFFFFFF80  }
0x4f: {  	[spmem:s1] =	stream.indirect.scatter.add.f32 [tilespmem:s20], [sflag:$0x8], $0x80, s26, s19, $0xb8;
	[tilespmem:$0x1ED00] =	vst v63  }
0x50: {  	_ =	swait.ge [sflag:s18], $0x4000  }
0x51: {  	[sflag:s18] =	ssyncset.done $0x0  }
0x52: {  	[sflag:s18] =	ssyncadd.s32 $0xFFFFC000  }
0x53: {  	[tilespmem:s20], [sflag:$0x1] =	stream.indirect.gather [hbm4b:s4+s19], $0x80, s6, s19, $0xb8;
	[tilespmem:$0x1ED00] =	vst v63  }
0x54: {  	s11 =	sadd.s32 s10, s14  }
0x55: {  	[tilespmem:s26], [sflag:$0x4] =	stream.linear.gather [hbm4b:s11+s3], $0x80, $0x38;
	[tilespmem:$0x1ED00] =	vst v63  }
0x56: {  	_ =	swait.ge [sflag:s2], $0x4000  }
0x57: {  	[sflag:s2] =	ssyncset.done $0x0  }
0x58: {  	[sflag:s2] =	ssyncadd.s32 $0xFFFFC000  }
0x59: {  	_ =	swait.ge [sflag:s21], $0x80  }
0x5a: {  	[sflag:s21] =	ssyncset.done $0x0  }
0x5b: {  	[sflag:s21] =	ssyncadd.s32 $0xFFFFFF80  }
0x5c: {  	[spmem:s1] =	stream.indirect.scatter.add.f32 [tilespmem:s22], [sflag:$0x8], $0x80, s28, s19, $0xb8;
	[tilespmem:$0x1ED00] =	vst v63  }
.Ltmp0:
0x5d: {  	_ =	swait.ge [sflag:s18], $0x4000;
	(pc) =	sbr.rel @p0 .LBB2_2-.Ltmp0, $4  }
0x5e: {  	[sflag:s18] =	ssyncset.done $0x0  }
0x5f: {  	s11 =	sadd.s32 $0x80, s6;
	[sflag:s18] =	ssyncadd.s32 $0xFFFFC000  }
0x60: {  	[tilespmem:s22], [sflag:$0x2] =	stream.indirect.gather [hbm4b:s4+s19], $0x80, s11, s19, $0xb8;
	[tilespmem:$0x1ED00] =	vst v63  }
0x61: {  	s10 =	sadd.s32 s10, s15;
	s6 =	sadd.s32 $0x100, s6  }
0x62: {  	[tilespmem:s28], [sflag:$0x5] =	stream.linear.gather [hbm4b:s10+s3], $0x80, $0x38;
	[tilespmem:$0x1ED00] =	vst v63  }
0x63: {  	_ =	swait.ge [sflag:s31], $0x4000  }
0x64: {  	[sflag:s31] =	ssyncset.done $0x0  }
0x65: {  	[sflag:s31] =	ssyncadd.s32 $0xFFFFC000  }
0x66: {  	_ =	swait.ge [sflag:s0], $0x80  }
0x67: {  	[sflag:s0] =	ssyncset.done $0x0  }
0x68: {  	[sflag:s0] =	ssyncadd.s32 $0xFFFFFF80  }
0x69: {  	[spmem:s1] =	stream.indirect.scatter.add.f32 [tilespmem:s20], [sflag:$0x8], $0x80, s26, s19, $0xb8;
	[tilespmem:$0x1ED00] =	vst v63  }
0x6a: {  	_ =	swait.ge [sflag:s18], $0x4000  }
0x6b: {  	[sflag:s18] =	ssyncset.done $0x0  }
0x6c: {  	[sflag:s18] =	ssyncadd.s32 $0xFFFFC000  }
0x6d: {  	_ =	swait.ge [sflag:s2], $0x4000  }
0x6e: {  	[sflag:s2] =	ssyncset.done $0x0  }
0x6f: {  	[sflag:s2] =	ssyncadd.s32 $0xFFFFC000  }
0x70: {  	_ =	swait.ge [sflag:s21], $0x80  }
0x71: {  	[sflag:s21] =	ssyncset.done $0x0  }
0x72: {  	[sflag:s21] =	ssyncadd.s32 $0xFFFFFF80  }
0x73: {  	[spmem:s1] =	stream.indirect.scatter.add.f32 [tilespmem:s22], [sflag:$0x8], $0x80, s28, s19, $0xb8;
	[tilespmem:$0x1ED00] =	vst v63  }
0x74: {  	_ =	swait.ge [sflag:s18], $0x4000  }
0x75: {  	[sflag:s18] =	ssyncset.done $0x0  }
0x76: {  	[sflag:s18] =	ssyncadd.s32 $0xFFFFC000  }
0x77: {  	_ =	swait.ge [sflag:s24], $0x800  }
0x78: {  	[sflag:s24] =	ssyncset.done $0x0  }
0x79: {  	[sflag:s24] =	ssyncadd.s32 $0xFFFFF800  }
0x7a: {  	_ =	swait.ge [sflag:s5], $0x10  }
0x7b: {  	[sflag:s5] =	ssyncset.done $0x0  }
0x7c: {  	[sflag:s5] =	ssyncadd.s32 $0xFFFFFFF0  }
0x7d: {  	[spmem:s1] =	stream.indirect.scatter.add.f32 [tilespmem:s25], [sflag:$0x8], $0x80, s29, s23, $0xb8;
	[tilespmem:$0x1ED00] =	vst v63  }
0x7e: {  	_ =	swait.ge [sflag:s18], $0x800  }
0x7f: {  	[sflag:s18] =	ssyncset.done $0x0  }
0x80: {  	[sflag:s18] =	ssyncadd.s32 $0xFFFFF800  }
0x81: {  	s7 =	sadd.s32 $0x1, s7;
	[bflag:$0x0] =	sbarrier.arrive $0xFFFF  }
0x82: {  	p0 =	sne.s32 s7, s13;
	s6 =	rddreg [dreg:$0x4]  }
.Ltmp1:
0x83: {  	s6 =	sor.u32 $0x1C08, s6;
	(pc) =	sbr.rel @p0 .LBB2_1-.Ltmp1, $4  }
0x84: {  	[hbm:s12], [sflag:s6] =	dma.local [spmem:s16], $0x2780  }
0x85: {  	_ =	swait.ge [sflag:s18], $0x2780  }
0x86: {  	[sflag:s18] =	ssyncset.done $0x0  }
0x87: {  	[sflag:s18] =	ssyncadd.s32 $0xFFFFD880  }
0x88: {  	_ =	sfence.sel $0x180000  }
0x89: {  	[bflag:$0x0] =	sbarrier.arrive $0xFFFF  }
0x8a: {  	_ =	strace $0x9000004A  }
0x8b: {  	s0 =	stileid.u32;
	[bflag:$0x2] =	sbarrier.arrive $0xFFFF  }
0x8c: {  	p0 =	sne.s32 s0, $0x0;
	s0 =	rddreg [dreg:$0x2]  }
0x8d: {  	s0 =	sadd.s32 @!p0 $0x100000, s0  }
0x8e: {  	[sflag:s0] =	ssyncadd.tile.s32 @!p0 $0x1;
	_ =	shalt  }
.Lfunc_end2:
_tile_overlayer_lowered:
.L_overlay_start_2:
0x8f: {  	(tag) =	ssettag $0x2  }
0x90: {  	s0 =	rddreg [dreg:$0x0];
	s2 =	stileid.u32  }
0x91: {  	s1 =	rddreg [dreg:$0x1];
	p0 =	sne.s32 s2, $0x0  }
0x92: {  	s3 =	rddreg [dreg:$0x2];
	[bflag:$0x3] =	sbarrier.arrive $0xFFFF;
	s2 =	simm.s32 @!p0 $0x1C08  }
0x93: {  	[timem:s3], [sflag:s2] =	dma.local @!p0 [hbm:s0], s1  }
0x94: {  	s0 =	simm.s32 @!p0 $0x8  }
0x95: {  	_ =	swait.ge @!p0 [sflag:s0], s1  }
0x96: {  	s1 =	ssub.s32 @!p0 $0x0, s1;
	[sflag:s0] =	ssyncset.done @!p0 $0x0  }
0x97: {  	[sflag:s0] =	ssyncadd.s32 @!p0 s1  }
0x98: {  	[bflag:$0x3] =	sbarrier.arrive $0xFFFF  }
0x99: {  	_ =	shalt  }

// kernel: kernel.16.cloned.1.call-start
scs
__scs_entry_jumppad:
0x0: {  	(pc) =	sbr.rel $0x88, $3  }
0x1: {  	(tag) =	ssettag $0x0;
	lr =	simm.s32 $0x1  }
0x2: {  	[smem:$0x3F96] =	sst lr;
	_ =	strace $0xD0000000  }
0x3: {  	_ = 	snop  }
0x4: {  	_ = 	snop  }
0x5: {  	_ = 	snop  }
0x6: {  	_ = 	snop  }
0x7: {  	_ = 	snop  }
__scs_overlays_trampoline_lowered:
0x8: {  	[smem:$0x3FA5] =	sst s0  }
0x9: {  	[smem:$0x3FA6] =	sst s1  }
0xa: {  	[smem:$0x3FA7] =	sst s2  }
0xb: {  	[smem:$0x3FA8] =	sst s3  }
0xc: {  	[smem:$0x3FA9] =	sst s4  }
0xd: {  	[smem:$0x3FAA] =	sst s5  }
0xe: {  	[smem:$0x3FAB] =	sst s6  }
0xf: {  	[smem:$0x3FAC] =	sst s7  }
0x10: {  	[smem:$0x3FAD] =	sst s8  }
0x11: {  	[smem:$0x3FAE] =	sst s9;
	s0 =	simm.s32 @!p0 $0x0  }
0x12: {  	s1 =	sld [smem:$0x3F94];
	s0 =	simm.s32 @p0 $0x1  }
0x13: {  	[smem:$0x3FAF] =	sst s0;
	s0 =	simm.s32 @!p1 $0x0  }
0x14: {  	s2 =	sld [smem:$0x3F93];
	s0 =	simm.s32 @p1 $0x1  }
0x15: {  	[smem:$0x3FB0] =	sst s0;
	s0 =	simm.s32 @!p2 $0x0  }
0x16: {  	s3 =	sld [smem:$0x3FDB];
	s0 =	simm.s32 @p2 $0x1  }
0x17: {  	s4 =	simm.s32 $0x1BF5;
	[smem:$0x3FB2] =	sst s0  }
0x18: {  	s0 =	sld [smem:$0x3F95];
	_ =	swait.ge [sflag:s4], $0x0  }
0x19: {  	s7 =	sld [smem:$0x3F96]  }
0x1a: {  	s8 =	sadd.s32 $0xFFFFE003, lr  }
0x1b: {  	s9 =	sadd.s32 $0xFFFFFEF7, lr;
	s5 =	simm.s32 $0xFFFFFFFF;
	p2 =	slt.u32 s8, $0xFFFFF086  }
0x1c: {  	p1 =	slt.u32 s9, $0xF7A;
	s5 =	simm.s32 @!p2 $0x0  }
0x1d: {  	s5 =	simm.s32 @p1 $0x1;
	p0 =	seq.s32 s7, s2  }
0x1e: {  	s7 =	smul.u32 @!p0 $0xF7A, s2;
	p2 =	seq.s32 @!p0 s5, $0x0  }
0x1f: {  	s9 =	smul.u32 $0xF7A, s1;
	s8 =	simm.s32 @!p0 $0x1BF5;
	p2 =	por !p2, p0  }
0x20: {  	[sflag:s8] =	ssyncset.s32 @!p0 $0xFFFFF086;
	s6 =	sadd.s32 @!p0 s3, s7;
	s7 =	simm.s32 @!p0 $0x108  }
0x21: {  	s3 =	sadd.s32 s3, s9;
	s6 =	sadd.s32 @!p0 $0x88, s6;
	s7 =	simm.s32 @p2 $0x1082  }
0x22: {  	[simem:s7], [sflag:s8] =	dma.local @!p0 [hbm:s6], $0xF7A  }
0x23: {  	s9 =	sor.u32 $0xD0000000, s2;
	s6 =	simm.s32 $0x108;
	_ =	swait.ge @!p0 [sflag:s8], $0x0  }
0x24: {  	s3 =	sadd.s32 $0x88, s3;
	s6 =	simm.s32 @!p1 $0x1082;
	[sflag:s4] =	ssyncset.s32 $0xFFFFF086  }
0x25: {  	[simem:s6], [sflag:s4] =	dma.local [hbm:s3], $0xF7A  }
0x26: {  	[smem:$0x3F96] =	sst s1;
	(tag) =	ssettag s2;
	_ =	strace s9  }
0x27: {  	s1 =	sld [smem:$0x3FA6]  }
0x28: {  	s2 =	sld [smem:$0x3FA7]  }
0x29: {  	s4 =	sld [smem:$0x3FA9]  }
0x2a: {  	p0 =	seq.s32 s5, $0x0;
	s5 =	sld [smem:$0x3FAA]  }
0x2b: {  	s6 =	sld [smem:$0x3FAB]  }
0x2c: {  	s7 =	sld [smem:$0x3FAC]  }
0x2d: {  	s3 =	simm.s32 $0x108;
	s8 =	sld [smem:$0x3FAD]  }
0x2e: {  	s3 =	simm.s32 @!p0 $0x1082;
	s9 =	sld [smem:$0x3FAE]  }
0x2f: {  	lr =	sadd.s32 s0, s3;
	s0 =	sld [smem:$0x3FA5]  }
0x30: {  	s3 =	sld [smem:$0x3FA8]  }
0x31: {  	[smem:$0x3FB1] =	sst s10  }
0x32: {  	s10 =	sld [smem:$0x3FAF];
	_ =	sdelay $0x3  }
0x33: {  	p0 =	seq.s32 s10, $0x1;
	s10 =	sld [smem:$0x3FB1];
	_ =	sdelay $0x3  }
0x34: {  	[smem:$0x3FB1] =	sst s10  }
0x35: {  	s10 =	sld [smem:$0x3FB0];
	_ =	sdelay $0x3  }
0x36: {  	p1 =	seq.s32 s10, $0x1;
	s10 =	sld [smem:$0x3FB1];
	_ =	sdelay $0x3  }
0x37: {  	[smem:$0x3FB1] =	sst s10  }
0x38: {  	s10 =	sld [smem:$0x3FB2]  }
0x39: {  	_ = 	snop;
	(pc) =	sbr.ind lr, $3  }
0x3a: {  	_ = 	snop  }
0x3b: {  	_ = 	snop  }
0x3c: {  	p2 =	seq.s32 s10, $0x1;
	s10 =	sld [smem:$0x3FB1]  }
0x3d: {  	_ =	shalt  }
0x3e: {  	_ =	shalt  }
0x3f: {  	_ =	shalt  }
0x40: {  	_ =	shalt  }
0x41: {  	_ =	shalt  }
0x42: {  	_ =	shalt  }
0x43: {  	_ =	shalt  }
0x44: {  	_ =	shalt  }
0x45: {  	_ =	shalt  }
0x46: {  	_ =	shalt  }
0x47: {  	_ =	shalt  }
0x48: {  	_ =	shalt  }
0x49: {  	_ =	shalt  }
0x4a: {  	_ =	shalt  }
0x4b: {  	_ =	shalt  }
0x4c: {  	_ =	shalt  }
0x4d: {  	_ =	shalt  }
0x4e: {  	_ =	shalt  }
0x4f: {  	_ =	shalt  }
0x50: {  	_ =	shalt  }
0x51: {  	_ =	shalt  }
0x52: {  	_ =	shalt  }
0x53: {  	_ =	shalt  }
0x54: {  	_ =	shalt  }
0x55: {  	_ =	shalt  }
0x56: {  	_ =	shalt  }
0x57: {  	_ =	shalt  }
0x58: {  	_ =	shalt  }
0x59: {  	_ =	shalt  }
0x5a: {  	_ =	shalt  }
0x5b: {  	_ =	shalt  }
0x5c: {  	_ =	shalt  }
0x5d: {  	_ =	shalt  }
0x5e: {  	_ =	shalt  }
0x5f: {  	_ =	shalt  }
0x60: {  	_ =	shalt  }
0x61: {  	_ =	shalt  }
0x62: {  	_ =	shalt  }
0x63: {  	_ =	shalt  }
0x64: {  	_ =	shalt  }
0x65: {  	_ =	shalt  }
0x66: {  	_ =	shalt  }
0x67: {  	_ =	shalt  }
0x68: {  	_ =	shalt  }
0x69: {  	_ =	shalt  }
0x6a: {  	_ =	shalt  }
0x6b: {  	_ =	shalt  }
0x6c: {  	_ =	shalt  }
0x6d: {  	_ =	shalt  }
0x6e: {  	_ =	shalt  }
0x6f: {  	_ =	shalt  }
0x70: {  	_ =	shalt  }
0x71: {  	_ =	shalt  }
0x72: {  	_ =	shalt  }
0x73: {  	_ =	shalt  }
0x74: {  	_ =	shalt  }
0x75: {  	_ =	shalt  }
0x76: {  	_ =	shalt  }
0x77: {  	_ =	shalt  }
0x78: {  	_ =	shalt  }
0x79: {  	_ =	shalt  }
0x7a: {  	_ =	shalt  }
0x7b: {  	_ =	shalt  }
0x7c: {  	_ =	shalt  }
0x7d: {  	_ =	shalt  }
0x7e: {  	_ =	shalt  }
0x7f: {  	_ =	shalt  }
0x80: {  	_ =	shalt  }
0x81: {  	_ =	shalt  }
0x82: {  	_ =	shalt  }
0x83: {  	_ =	shalt  }
0x84: {  	_ =	shalt  }
0x85: {  	_ =	shalt  }
0x86: {  	_ =	shalt  }
0x87: {  	_ =	shalt  }
.Lfunc_end0:
.L_simem_size_0:
called_computation.2_lowered:
.L_overlay_start_0:
0x88: {  	s2 =	sld [smem:$0x3FD9]  }
0x89: {  	s3 =	sld [smem:$0x3FFE];
	_ =	sdelay $0x1  }
0x8a: {  	s1 =	srdreg.scid  }
0x8b: {  	s0 =	sand.u32 $0x1, s1  }
0x8c: {  	s16 =	sshll.u32 s0, $0xA;
	s2 =	sadd.s32 s3, s2  }
0x8d: {  	s2 =	sadd.s32 s2, s16  }
0x8e: {  	[smem:$0x3FBD] =	sst s2  }
0x8f: {  	_ = 	snop  }
0x90: {  	(tm) =	ssettm $0x1  }
0x91: {  	s17 =	sld [smem:$0x3FFB];
	_ =	sdelay $0x3  }
0x92: {  	_ =	strace s17  }
0x93: {  	s2 =	sld [smem:$0x3FFC];
	_ =	sdelay $0x3  }
0x94: {  	_ =	strace s2  }
0x95: {  	s2 =	sld [smem:$0x3FFD];
	_ =	sdelay $0x3  }
0x96: {  	_ =	strace s2  }
0x97: {  	_ =	strace $0x8FFFFFFF  }
0x98: {  	s18 =	sld [smem:$0x3FDB];
	_ =	sdelay $0x1  }
0x99: {  	s19 =	simm.s32 $_scs_section_size  }
0x9a: {  	s4 =	simm.s32 $_size__tile_overlayer_lowered;
	s5 =	simm.s32 $_tile_overlayer_lowered  }
0x9b: {  	s22 =	simm.s32 $0x1BFF;
	s21 =	sshll.u32 s5, $0x1;
	s2 =	sadd.s32 s19, s18  }
0x9c: {  	s6 =	simm.s32 $0x0;
	s20 =	sshll.u32 s4, $0x1;
	s4 =	sadd.s32 s21, s2  }
0x9d: {  	[timem:s6], [sflag:s22] =	dma.local [hbm:s4], s20  }
0x9e: {  	_ =	swait.ge [sflag:s22], s20  }
0x9f: {  	s3 =	ssub.s32 $0x0, s20;
	[sflag:s22] =	ssyncset.done $0x0  }
0xa0: {  	[sflag:s22] =	ssyncadd.s32 s3;
	_ =	sdelay $0x1  }
0xa1: {  	s23 =	simm.s32 $0x1B8B  }
0xa2: {  	_ =	swait.ge [sflag:s23], $0x1  }
0xa3: {  	[sflag:s23] =	ssyncset.done $0x0  }
0xa4: {  	s25 =	simm.s32 $0x1B8E;
	s24 =	sld [smem:$0x3FFE];
	[sflag:s23] =	ssyncadd.s32 $0xFFFFFFFF  }
0xa5: {  	s26 =	simm.s32 $execute0_lowered;
	[smem:$0x3FD2] =	sst s25  }
0xa6: {  	s4 =	sshll.u32 s26, $0x1;
	_ =	strace $0x8000004C;
	[dreg:$0x1] =	wrdreg $0xFFFFFFFF  }
0xa7: {  	s28 =	simm.s32 $_size_execute0_lowered;
	s2 =	sadd.s32 s2, s4;
	[dreg:$0x0] =	wrdreg $0x0  }
0xa8: {  	s4 =	sshll.u32 s28, $0x1;
	[dreg:$0x2] =	wrdreg s2  }
0xa9: {  	[dreg:$0x3] =	wrdreg s4  }
0xaa: {  	[dreg:$0x4] =	wrdreg $0xC0  }
0xab: {  	_ =	task [dreg:s6], $0x5FFFF  }
0xac: {  	[dreg:$0x1] =	wrdreg $0xFFFFFFFF  }
0xad: {  	[dreg:$0x0] =	wrdreg $0x60  }
0xae: {  	[dreg:$0x2] =	wrdreg s24  }
0xaf: {  	[dreg:$0x3] =	wrdreg $0x0  }
0xb0: {  	[dreg:$0x4] =	wrdreg $0x9  }
0xb1: {  	_ =	task.clear_ibuf [dreg:s6], $0x5FFFF;
	_ =	strace $0x9000004C  }
0xb2: {  	s29 =	simm.s32 $0x9;
	_ =	strace $0x8000004E  }
0xb3: {  	_ =	swait.ge [sflag:s29], $0x1  }
0xb4: {  	[sflag:s29] =	ssyncadd.s32 $0xFFFFFFFF  }
0xb5: {  	_ =	strace $0x9000004E  }
0xb6: {  	_ =	sfence  }
0xb7: {  	s30 =	sld [smem:$0x0];
	_ =	sdelay $0x2  }
0xb8: {  	s31 =	sshll.u32 s1, $0xD;
	s1 =	sshrl.u32 s1, $0x2  }
0xb9: {  	s3 =	sand.u32 $0x4000, s31;
	s1 =	sadd.s32 s1, s30  }
0xba: {  	s0 =	sor.u32 s3, s0;
	s1 =	sshll.u32 s1, $0x11  }
0xbb: {  	s0 =	sor.u32 s1, s0  }
0xbc: {  	s0 =	sadd.s32 $0x8F2B, s0  }
0xbd: {  	[sflag:s0] =	ssyncadd.remote.s32 $0x1  }
0xbe: {  	_ =	sfence.sel $0xFFFF  }
0xbf: {  	[dreg:$0x0] =	wrdreg $0xFFFFFFFF;
	(pc) =	sbr.abs _section_cstart, $3  }
0xc0: {  	[dreg:$0x1] =	wrdreg $0xFFFFFFFF  }
0xc1: {  	_ =	task.clear_ibuf [dreg:s6], $0x2FFFF;
	_ =	strace $0x9FFFFFFF  }
0xc2: {  	(tm) =	ssettm $0x7FFFFFFF  }
0xc3: {  	_ =	shalt  }
tec
execute0_lowered:
.L_overlay_start_1:
0x0: {  	(tag) =	ssettag $0x1  }
0x1: {  	s0 =	rddreg [dreg:$0x0]  }
0x2: {  	s1 =	rddreg [dreg:$0x1]  }
0x3: {  	s2 =	srdreg.scid;
	s3 =	simm.s32 $0x0;
	s10 =	stileid.u32  }
0x4: {  	s28 =	simm.s32 $0x16400;
	s29 =	simm.s32 $0x16480;
	s30 =	simm.s32 $0x7  }
0x5: {  	s31 =	simm.s32 $0x1;
	s2 =	sand.u32 $0x1, s2;
	s6 =	smul.u32 $0x13C00, s10  }
0x6: {  	[smem:$0x7FF] =	sst s3;
	s4 =	sadd.s32 $0x17200, s0;
	s9 =	smul.u32 $0x4F000, s10  }
0x7: {  	s7 =	sadd.s32 $0x3800, s0;
	s16 =	sadd.s32 $0x3EA00, s0;
	s20 =	smul.u32 $0x2710, s10  }
0x8: {  	s11 =	sshll.u32 s10, $0x6;
	s5 =	smul.u32 $0x13C000, s2;
	_ =	strace $0x8000004D  }
0x9: {  	[dreg:$0x3] =	wrdreg s16;
	s17 =	sshll.u32 s2, $0x4;
	s8 =	ssub.s32 $0x2, s2  }
0xa: {  	s2 =	smul.u32 $0x27100, s2;
	[dreg:$0x4] =	wrdreg s11;
	s22 =	sor.u32 $0x1C07, s11  }
0xb: {  	s18 =	sshrl.u32 s8, $0x1;
	s19 =	sshrl.u32 s9, $0x2;
	[dreg:$0x5] =	wrdreg s22  }
0xc: {  	s22 =	simm.s32 $0x1A500;
	s5 =	sadd.s32 s6, s5;
	s6 =	sor.u32 s10, s17  }
0xd: {  	s21 =	sadd.s32 s19, s1;
	s2 =	sadd.s32 s20, s2;
	s17 =	simm.s32 $0x13C00  }
0xe: {  	s19 =	simm.s32 $0x80;
	s20 =	simm.s32 $0x16500;
	s5 =	sshrl.u32 s5, $0x3  }
0xf: {  	s6 =	smul.u32 $0x2710, s6;
	s25 =	sadd.s32 $0x4E300, s2;
	s2 =	sadd.s32 $0x4E380, s2  }
0x10: {  	s16 =	sshrl.u32 s21, $0x3;
	s21 =	simm.s32 $0x5;
	s0 =	sadd.s32 s5, s0  }
0x11: {  	s5 =	ssub.s32 s8, s18;
	s26 =	sshrl.u32 s25, $0x3;
	s2 =	sshrl.u32 s2, $0x3  }
0x12: {  	s18 =	simm.s32 $0x8;
	s25 =	simm.s32 $0x1E500;
	s6 =	sshrl.u32 s6, $0x3  }
0x13: {  	s12 =	sadd.s32 $0x41200, s0;
	s13 =	smax.u32 s5, $0x1;
	s14 =	sadd.s32 s26, s7  }
0x14: {  	s15 =	sadd.s32 s2, s7;
	s26 =	simm.s32 $0x16380;
	s8 =	sadd.s32 s7, s6  }
0x15: {  	s0 =	simm.s32 $0x4;
	s2 =	simm.s32 $0x2;
	s6 =	sadd.s32 $0x9C40, s8  }
0x16: {  	s5 =	simm.s32 $0x6;
	s23 =	sadd.s32 $0x9C50, s8;
	[dreg:$0x6] =	wrdreg s6  }
0x17: {  	s7 =	simm.s32 $0x0;
	s24 =	sadd.s32 $0xA120, s8;
	[dreg:$0x7] =	wrdreg s23  }
0x18: {  	[dreg:$0x8] =	wrdreg s24;
	s23 =	simm.s32 $0x10;
	s24 =	simm.s32 $0x3  }
.LBB2_1:
0x19: {  	s6 =	rddreg [dreg:$0x3]  }
0x1a: {  	s9 =	rddreg [dreg:$0x5]  }
0x1b: {  	[spmem:s16], [sflag:s9] =	dma.local [hbm:s6], $0x2780  }
0x1c: {  	[tilespmem:s17], [sflag:$0x8] =	stream.linear.gather [hbm4b:s8+s3], $0x2710, $0x38;
	[tilespmem:$0x1ED00] =	vst v63  }
0x1d: {  	_ =	swait.ge [sflag:s18], $0x2710  }
0x1e: {  	[sflag:s18] =	ssyncset.done $0x0  }
0x1f: {  	[sflag:s18] =	ssyncadd.s32 $0xFFFFD8F0  }
0x20: {  	[tilespmem:s20], [sflag:$0x1] =	stream.indirect.gather [hbm4b:s4+s19], $0x80, s17, s19, $0xb8;
	[tilespmem:$0x1ED00] =	vst v63  }
0x21: {  	s10 =	simm.s32 $0x13C80  }
0x22: {  	[tilespmem:s22], [sflag:$0x2] =	stream.indirect.gather [hbm4b:s4+s19], $0x80, s10, s19, $0xb8;
	[tilespmem:$0x1ED00] =	vst v63  }
0x23: {  	s11 =	simm.s32 $0x16300  }
0x24: {  	[tilespmem:s25], [sflag:$0x3] =	stream.indirect.gather [hbm4b:s4+s23], $0x80, s11, s23, $0xb8;
	[tilespmem:$0x1ED00] =	vst v63  }
0x25: {  	s9 =	rddreg [dreg:$0x6]  }
0x26: {  	[tilespmem:s26], [sflag:$0x4] =	stream.linear.gather [hbm4b:s9+s3], $0x80, $0x38;
	[tilespmem:$0x1ED00] =	vst v63  }
0x27: {  	s10 =	rddreg [dreg:$0x7]  }
0x28: {  	[tilespmem:s28], [sflag:$0x5] =	stream.linear.gather [hbm4b:s10+s3], $0x80, $0x38;
	[tilespmem:$0x1ED00] =	vst v63  }
0x29: {  	s11 =	rddreg [dreg:$0x8]  }
0x2a: {  	[tilespmem:s29], [sflag:$0x6] =	stream.linear.gather [hbm4b:s11+s3], $0x10, $0x38;
	[tilespmem:$0x1ED00] =	vst v63  }
0x2b: {  	_ =	swait.ge [sflag:s30], $0x2780  }
0x2c: {  	[sflag:s30] =	ssyncset.done $0x0  }
0x2d: {  	[sflag:s30] =	ssyncadd.s32 $0xFFFFD880  }
0x2e: {  	[bflag:$0x0] =	sbarrier.arrive $0xFFFF  }
0x2f: {  	_ =	swait.ge [sflag:s31], $0x4000  }
0x30: {  	[sflag:s31] =	ssyncset.done $0x0  }
0x31: {  	[sflag:s31] =	ssyncadd.s32 $0xFFFFC000  }
0x32: {  	_ =	swait.ge [sflag:s0], $0x80  }
0x33: {  	[sflag:s0] =	ssyncset.done $0x0  }
0x34: {  	[sflag:s0] =	ssyncadd.s32 $0xFFFFFF80  }
0x35: {  	[spmem:s1] =	stream.indirect.scatter.add.f32 [tilespmem:s20], [sflag:$0x8], $0x80, s26, s19, $0xb8;
	[tilespmem:$0x1ED00] =	vst v63  }
0x36: {  	_ =	swait.ge [sflag:s18], $0x4000  }
0x37: {  	[sflag:s18] =	ssyncset.done $0x0  }
0x38: {  	s9 =	simm.s32 $0x13D00;
	[sflag:s18] =	ssyncadd.s32 $0xFFFFC000  }
0x39: {  	[tilespmem:s20], [sflag:$0x1] =	stream.indirect.gather [hbm4b:s4+s19], $0x80, s9, s19, $0xb8;
	[tilespmem:$0x1ED00] =	vst v63  }
0x3a: {  	s10 =	sadd.s32 $0x0, s14  }
0x3b: {  	[tilespmem:s26], [sflag:$0x4] =	stream.linear.gather [hbm4b:s10+s3], $0x80, $0x38;
	[tilespmem:$0x1ED00] =	vst v63  }
0x3c: {  	_ =	swait.ge [sflag:s2], $0x4000  }
0x3d: {  	[sflag:s2] =	ssyncset.done $0x0  }
0x3e: {  	[sflag:s2] =	ssyncadd.s32 $0xFFFFC000  }
0x3f: {  	_ =	swait.ge [sflag:s21], $0x80  }
0x40: {  	[sflag:s21] =	ssyncset.done $0x0  }
0x41: {  	[sflag:s21] =	ssyncadd.s32 $0xFFFFFF80  }
0x42: {  	[spmem:s1] =	stream.indirect.scatter.add.f32 [tilespmem:s22], [sflag:$0x8], $0x80, s28, s19, $0xb8;
	[tilespmem:$0x1ED00] =	vst v63  }
0x43: {  	_ =	swait.ge [sflag:s18], $0x4000  }
0x44: {  	s6 =	simm.s32 $0x13E00;
	s11 =	simm.s32 $0x13D80;
	[sflag:s18] =	ssyncset.done $0x0  }
0x45: {  	s9 =	simm.s32 $0x20;
	s10 =	sadd.s32 $0x0, s15;
	[sflag:s18] =	ssyncadd.s32 $0xFFFFC000  }
0x46: {  	[tilespmem:s22], [sflag:$0x2] =	stream.indirect.gather [hbm4b:s4+s19], $0x80, s11, s19, $0xb8;
	[tilespmem:$0x1ED00] =	vst v63  }
.LBB2_2:
0x47: {  	[tilespmem:s28], [sflag:$0x5] =	stream.linear.gather [hbm4b:s10+s3], $0x80, $0x38;
	[tilespmem:$0x1ED00] =	vst v63  }
0x48: {  	s10 =	smov.u32 s9  }
0x49: {  	p0 =	sne.s32 s9, $0x4A0;
	s9 =	sadd.s32 $0x20, s9;
	_ =	swait.ge [sflag:s31], $0x4000  }
0x4a: {  	[sflag:s31] =	ssyncset.done $0x0  }
0x4b: {  	[sflag:s31] =	ssyncadd.s32 $0xFFFFC000  }
0x4c: {  	_ =	swait.ge [sflag:s0], $0x80  }
0x4d: {  	[sflag:s0] =	ssyncset.done $0x0  }
0x4e: {  	[sflag:s0] =	ssyncadd.s32 $0xFFFFFF80  }
0x4f: {  	[spmem:s1] =	stream.indirect.scatter.add.f32 [tilespmem:s20], [sflag:$0x8], $0x80, s26, s19, $0xb8;
	[tilespmem:$0x1ED00] =	vst v63  }
0x50: {  	_ =	swait.ge [sflag:s18], $0x4000  }
0x51: {  	[sflag:s18] =	ssyncset.done $0x0  }
0x52: {  	[sflag:s18] =	ssyncadd.s32 $0xFFFFC000  }
0x53: {  	[tilespmem:s20], [sflag:$0x1] =	stream.indirect.gather [hbm4b:s4+s19], $0x80, s6, s19, $0xb8;
	[tilespmem:$0x1ED00] =	vst v63  }
0x54: {  	s11 =	sadd.s32 s10, s14  }
0x55: {  	[tilespmem:s26], [sflag:$0x4] =	stream.linear.gather [hbm4b:s11+s3], $0x80, $0x38;
	[tilespmem:$0x1ED00] =	vst v63  }
0x56: {  	_ =	swait.ge [sflag:s2], $0x4000  }
0x57: {  	[sflag:s2] =	ssyncset.done $0x0  }
0x58: {  	[sflag:s2] =	ssyncadd.s32 $0xFFFFC000  }
0x59: {  	_ =	swait.ge [sflag:s21], $0x80  }
0x5a: {  	[sflag:s21] =	ssyncset.done $0x0  }
0x5b: {  	[sflag:s21] =	ssyncadd.s32 $0xFFFFFF80  }
0x5c: {  	[spmem:s1] =	stream.indirect.scatter.add.f32 [tilespmem:s22], [sflag:$0x8], $0x80, s28, s19, $0xb8;
	[tilespmem:$0x1ED00] =	vst v63  }
.Ltmp0:
0x5d: {  	_ =	swait.ge [sflag:s18], $0x4000;
	(pc) =	sbr.rel @p0 .LBB2_2-.Ltmp0, $4  }
0x5e: {  	[sflag:s18] =	ssyncset.done $0x0  }
0x5f: {  	s11 =	sadd.s32 $0x80, s6;
	[sflag:s18] =	ssyncadd.s32 $0xFFFFC000  }
0x60: {  	[tilespmem:s22], [sflag:$0x2] =	stream.indirect.gather [hbm4b:s4+s19], $0x80, s11, s19, $0xb8;
	[tilespmem:$0x1ED00] =	vst v63  }
0x61: {  	s10 =	sadd.s32 s10, s15;
	s6 =	sadd.s32 $0x100, s6  }
0x62: {  	[tilespmem:s28], [sflag:$0x5] =	stream.linear.gather [hbm4b:s10+s3], $0x80, $0x38;
	[tilespmem:$0x1ED00] =	vst v63  }
0x63: {  	_ =	swait.ge [sflag:s31], $0x4000  }
0x64: {  	[sflag:s31] =	ssyncset.done $0x0  }
0x65: {  	[sflag:s31] =	ssyncadd.s32 $0xFFFFC000  }
0x66: {  	_ =	swait.ge [sflag:s0], $0x80  }
0x67: {  	[sflag:s0] =	ssyncset.done $0x0  }
0x68: {  	[sflag:s0] =	ssyncadd.s32 $0xFFFFFF80  }
0x69: {  	[spmem:s1] =	stream.indirect.scatter.add.f32 [tilespmem:s20], [sflag:$0x8], $0x80, s26, s19, $0xb8;
	[tilespmem:$0x1ED00] =	vst v63  }
0x6a: {  	_ =	swait.ge [sflag:s18], $0x4000  }
0x6b: {  	[sflag:s18] =	ssyncset.done $0x0  }
0x6c: {  	[sflag:s18] =	ssyncadd.s32 $0xFFFFC000  }
0x6d: {  	_ =	swait.ge [sflag:s2], $0x4000  }
0x6e: {  	[sflag:s2] =	ssyncset.done $0x0  }
0x6f: {  	[sflag:s2] =	ssyncadd.s32 $0xFFFFC000  }
0x70: {  	_ =	swait.ge [sflag:s21], $0x80  }
0x71: {  	[sflag:s21] =	ssyncset.done $0x0  }
0x72: {  	[sflag:s21] =	ssyncadd.s32 $0xFFFFFF80  }
0x73: {  	[spmem:s1] =	stream.indirect.scatter.add.f32 [tilespmem:s22], [sflag:$0x8], $0x80, s28, s19, $0xb8;
	[tilespmem:$0x1ED00] =	vst v63  }
0x74: {  	_ =	swait.ge [sflag:s18], $0x4000  }
0x75: {  	[sflag:s18] =	ssyncset.done $0x0  }
0x76: {  	[sflag:s18] =	ssyncadd.s32 $0xFFFFC000  }
0x77: {  	_ =	swait.ge [sflag:s24], $0x800  }
0x78: {  	[sflag:s24] =	ssyncset.done $0x0  }
0x79: {  	[sflag:s24] =	ssyncadd.s32 $0xFFFFF800  }
0x7a: {  	_ =	swait.ge [sflag:s5], $0x10  }
0x7b: {  	[sflag:s5] =	ssyncset.done $0x0  }
0x7c: {  	[sflag:s5] =	ssyncadd.s32 $0xFFFFFFF0  }
0x7d: {  	[spmem:s1] =	stream.indirect.scatter.add.f32 [tilespmem:s25], [sflag:$0x8], $0x80, s29, s23, $0xb8;
	[tilespmem:$0x1ED00] =	vst v63  }
0x7e: {  	_ =	swait.ge [sflag:s18], $0x800  }
0x7f: {  	[sflag:s18] =	ssyncset.done $0x0  }
0x80: {  	[sflag:s18] =	ssyncadd.s32 $0xFFFFF800  }
0x81: {  	s7 =	sadd.s32 $0x1, s7;
	[bflag:$0x0] =	sbarrier.arrive $0xFFFF  }
0x82: {  	p0 =	sne.s32 s7, s13;
	s6 =	rddreg [dreg:$0x4]  }
.Ltmp1:
0x83: {  	s6 =	sor.u32 $0x1C08, s6;
	(pc) =	sbr.rel @p0 .LBB2_1-.Ltmp1, $4  }
0x84: {  	[hbm:s12], [sflag:s6] =	dma.local [spmem:s16], $0x2780  }
0x85: {  	_ =	swait.ge [sflag:s18], $0x2780  }
0x86: {  	[sflag:s18] =	ssyncset.done $0x0  }
0x87: {  	[sflag:s18] =	ssyncadd.s32 $0xFFFFD880  }
0x88: {  	_ =	sfence.sel $0x180000  }
0x89: {  	[bflag:$0x0] =	sbarrier.arrive $0xFFFF  }
0x8a: {  	_ =	strace $0x9000004D  }
0x8b: {  	s0 =	stileid.u32;
	[bflag:$0x2] =	sbarrier.arrive $0xFFFF  }
0x8c: {  	p0 =	sne.s32 s0, $0x0;
	s0 =	rddreg [dreg:$0x2]  }
0x8d: {  	s0 =	sadd.s32 @!p0 $0x100000, s0  }
0x8e: {  	[sflag:s0] =	ssyncadd.tile.s32 @!p0 $0x1;
	_ =	shalt  }
.Lfunc_end2:
_tile_overlayer_lowered:
.L_overlay_start_2:
0x8f: {  	(tag) =	ssettag $0x2  }
0x90: {  	s0 =	rddreg [dreg:$0x0];
	s2 =	stileid.u32  }
0x91: {  	s1 =	rddreg [dreg:$0x1];
	p0 =	sne.s32 s2, $0x0  }
0x92: {  	s3 =	rddreg [dreg:$0x2];
	[bflag:$0x3] =	sbarrier.arrive $0xFFFF;
	s2 =	simm.s32 @!p0 $0x1C08  }
0x93: {  	[timem:s3], [sflag:s2] =	dma.local @!p0 [hbm:s0], s1  }
0x94: {  	s0 =	simm.s32 @!p0 $0x8  }
0x95: {  	_ =	swait.ge @!p0 [sflag:s0], s1  }
0x96: {  	s1 =	ssub.s32 @!p0 $0x0, s1;
	[sflag:s0] =	ssyncset.done @!p0 $0x0  }
0x97: {  	[sflag:s0] =	ssyncadd.s32 @!p0 s1  }
0x98: {  	[bflag:$0x3] =	sbarrier.arrive $0xFFFF  }
0x99: {  	_ =	shalt  }

// kernel: kernel.19.cloned.1.call-start
scs
__scs_entry_jumppad:
0x0: {  	(pc) =	sbr.rel $0x88, $3  }
0x1: {  	(tag) =	ssettag $0x0;
	lr =	simm.s32 $0x1  }
0x2: {  	[smem:$0x3F96] =	sst lr;
	_ =	strace $0xD0000000  }
0x3: {  	_ = 	snop  }
0x4: {  	_ = 	snop  }
0x5: {  	_ = 	snop  }
0x6: {  	_ = 	snop  }
0x7: {  	_ = 	snop  }
__scs_overlays_trampoline_lowered:
0x8: {  	[smem:$0x3FA5] =	sst s0  }
0x9: {  	[smem:$0x3FA6] =	sst s1  }
0xa: {  	[smem:$0x3FA7] =	sst s2  }
0xb: {  	[smem:$0x3FA8] =	sst s3  }
0xc: {  	[smem:$0x3FA9] =	sst s4  }
0xd: {  	[smem:$0x3FAA] =	sst s5  }
0xe: {  	[smem:$0x3FAB] =	sst s6  }
0xf: {  	[smem:$0x3FAC] =	sst s7  }
0x10: {  	[smem:$0x3FAD] =	sst s8  }
0x11: {  	[smem:$0x3FAE] =	sst s9;
	s0 =	simm.s32 @!p0 $0x0  }
0x12: {  	s1 =	sld [smem:$0x3F94];
	s0 =	simm.s32 @p0 $0x1  }
0x13: {  	[smem:$0x3FAF] =	sst s0;
	s0 =	simm.s32 @!p1 $0x0  }
0x14: {  	s2 =	sld [smem:$0x3F93];
	s0 =	simm.s32 @p1 $0x1  }
0x15: {  	[smem:$0x3FB0] =	sst s0;
	s0 =	simm.s32 @!p2 $0x0  }
0x16: {  	s3 =	sld [smem:$0x3FDB];
	s0 =	simm.s32 @p2 $0x1  }
0x17: {  	s4 =	simm.s32 $0x1BF5;
	[smem:$0x3FB2] =	sst s0  }
0x18: {  	s0 =	sld [smem:$0x3F95];
	_ =	swait.ge [sflag:s4], $0x0  }
0x19: {  	s7 =	sld [smem:$0x3F96]  }
0x1a: {  	s8 =	sadd.s32 $0xFFFFE003, lr  }
0x1b: {  	s9 =	sadd.s32 $0xFFFFFEF7, lr;
	s5 =	simm.s32 $0xFFFFFFFF;
	p2 =	slt.u32 s8, $0xFFFFF086  }
0x1c: {  	p1 =	slt.u32 s9, $0xF7A;
	s5 =	simm.s32 @!p2 $0x0  }
0x1d: {  	s5 =	simm.s32 @p1 $0x1;
	p0 =	seq.s32 s7, s2  }
0x1e: {  	s7 =	smul.u32 @!p0 $0xF7A, s2;
	p2 =	seq.s32 @!p0 s5, $0x0  }
0x1f: {  	s9 =	smul.u32 $0xF7A, s1;
	s8 =	simm.s32 @!p0 $0x1BF5;
	p2 =	por !p2, p0  }
0x20: {  	[sflag:s8] =	ssyncset.s32 @!p0 $0xFFFFF086;
	s6 =	sadd.s32 @!p0 s3, s7;
	s7 =	simm.s32 @!p0 $0x108  }
0x21: {  	s3 =	sadd.s32 s3, s9;
	s6 =	sadd.s32 @!p0 $0x88, s6;
	s7 =	simm.s32 @p2 $0x1082  }
0x22: {  	[simem:s7], [sflag:s8] =	dma.local @!p0 [hbm:s6], $0xF7A  }
0x23: {  	s9 =	sor.u32 $0xD0000000, s2;
	s6 =	simm.s32 $0x108;
	_ =	swait.ge @!p0 [sflag:s8], $0x0  }
0x24: {  	s3 =	sadd.s32 $0x88, s3;
	s6 =	simm.s32 @!p1 $0x1082;
	[sflag:s4] =	ssyncset.s32 $0xFFFFF086  }
0x25: {  	[simem:s6], [sflag:s4] =	dma.local [hbm:s3], $0xF7A  }
0x26: {  	[smem:$0x3F96] =	sst s1;
	(tag) =	ssettag s2;
	_ =	strace s9  }
0x27: {  	s1 =	sld [smem:$0x3FA6]  }
0x28: {  	s2 =	sld [smem:$0x3FA7]  }
0x29: {  	s4 =	sld [smem:$0x3FA9]  }
0x2a: {  	p0 =	seq.s32 s5, $0x0;
	s5 =	sld [smem:$0x3FAA]  }
0x2b: {  	s6 =	sld [smem:$0x3FAB]  }
0x2c: {  	s7 =	sld [smem:$0x3FAC]  }
0x2d: {  	s3 =	simm.s32 $0x108;
	s8 =	sld [smem:$0x3FAD]  }
0x2e: {  	s3 =	simm.s32 @!p0 $0x1082;
	s9 =	sld [smem:$0x3FAE]  }
0x2f: {  	lr =	sadd.s32 s0, s3;
	s0 =	sld [smem:$0x3FA5]  }
0x30: {  	s3 =	sld [smem:$0x3FA8]  }
0x31: {  	[smem:$0x3FB1] =	sst s10  }
0x32: {  	s10 =	sld [smem:$0x3FAF];
	_ =	sdelay $0x3  }
0x33: {  	p0 =	seq.s32 s10, $0x1;
	s10 =	sld [smem:$0x3FB1];
	_ =	sdelay $0x3  }
0x34: {  	[smem:$0x3FB1] =	sst s10  }
0x35: {  	s10 =	sld [smem:$0x3FB0];
	_ =	sdelay $0x3  }
0x36: {  	p1 =	seq.s32 s10, $0x1;
	s10 =	sld [smem:$0x3FB1];
	_ =	sdelay $0x3  }
0x37: {  	[smem:$0x3FB1] =	sst s10  }
0x38: {  	s10 =	sld [smem:$0x3FB2]  }
0x39: {  	_ = 	snop;
	(pc) =	sbr.ind lr, $3  }
0x3a: {  	_ = 	snop  }
0x3b: {  	_ = 	snop  }
0x3c: {  	p2 =	seq.s32 s10, $0x1;
	s10 =	sld [smem:$0x3FB1]  }
0x3d: {  	_ =	shalt  }
0x3e: {  	_ =	shalt  }
0x3f: {  	_ =	shalt  }
0x40: {  	_ =	shalt  }
0x41: {  	_ =	shalt  }
0x42: {  	_ =	shalt  }
0x43: {  	_ =	shalt  }
0x44: {  	_ =	shalt  }
0x45: {  	_ =	shalt  }
0x46: {  	_ =	shalt  }
0x47: {  	_ =	shalt  }
0x48: {  	_ =	shalt  }
0x49: {  	_ =	shalt  }
0x4a: {  	_ =	shalt  }
0x4b: {  	_ =	shalt  }
0x4c: {  	_ =	shalt  }
0x4d: {  	_ =	shalt  }
0x4e: {  	_ =	shalt  }
0x4f: {  	_ =	shalt  }
0x50: {  	_ =	shalt  }
0x51: {  	_ =	shalt  }
0x52: {  	_ =	shalt  }
0x53: {  	_ =	shalt  }
0x54: {  	_ =	shalt  }
0x55: {  	_ =	shalt  }
0x56: {  	_ =	shalt  }
0x57: {  	_ =	shalt  }
0x58: {  	_ =	shalt  }
0x59: {  	_ =	shalt  }
0x5a: {  	_ =	shalt  }
0x5b: {  	_ =	shalt  }
0x5c: {  	_ =	shalt  }
0x5d: {  	_ =	shalt  }
0x5e: {  	_ =	shalt  }
0x5f: {  	_ =	shalt  }
0x60: {  	_ =	shalt  }
0x61: {  	_ =	shalt  }
0x62: {  	_ =	shalt  }
0x63: {  	_ =	shalt  }
0x64: {  	_ =	shalt  }
0x65: {  	_ =	shalt  }
0x66: {  	_ =	shalt  }
0x67: {  	_ =	shalt  }
0x68: {  	_ =	shalt  }
0x69: {  	_ =	shalt  }
0x6a: {  	_ =	shalt  }
0x6b: {  	_ =	shalt  }
0x6c: {  	_ =	shalt  }
0x6d: {  	_ =	shalt  }
0x6e: {  	_ =	shalt  }
0x6f: {  	_ =	shalt  }
0x70: {  	_ =	shalt  }
0x71: {  	_ =	shalt  }
0x72: {  	_ =	shalt  }
0x73: {  	_ =	shalt  }
0x74: {  	_ =	shalt  }
0x75: {  	_ =	shalt  }
0x76: {  	_ =	shalt  }
0x77: {  	_ =	shalt  }
0x78: {  	_ =	shalt  }
0x79: {  	_ =	shalt  }
0x7a: {  	_ =	shalt  }
0x7b: {  	_ =	shalt  }
0x7c: {  	_ =	shalt  }
0x7d: {  	_ =	shalt  }
0x7e: {  	_ =	shalt  }
0x7f: {  	_ =	shalt  }
0x80: {  	_ =	shalt  }
0x81: {  	_ =	shalt  }
0x82: {  	_ =	shalt  }
0x83: {  	_ =	shalt  }
0x84: {  	_ =	shalt  }
0x85: {  	_ =	shalt  }
0x86: {  	_ =	shalt  }
0x87: {  	_ =	shalt  }
.Lfunc_end0:
.L_simem_size_0:
called_computation.3_lowered:
.L_overlay_start_0:
0x88: {  	s2 =	sld [smem:$0x3FD9]  }
0x89: {  	s3 =	sld [smem:$0x3FFE];
	_ =	sdelay $0x1  }
0x8a: {  	s1 =	srdreg.scid  }
0x8b: {  	s0 =	sand.u32 $0x1, s1  }
0x8c: {  	s16 =	sshll.u32 s0, $0xA;
	s2 =	sadd.s32 s3, s2  }
0x8d: {  	s2 =	sadd.s32 s2, s16  }
0x8e: {  	[smem:$0x3FBD] =	sst s2  }
0x8f: {  	_ = 	snop  }
0x90: {  	(tm) =	ssettm $0x1  }
0x91: {  	s17 =	sld [smem:$0x3FFB];
	_ =	sdelay $0x3  }
0x92: {  	_ =	strace s17  }
0x93: {  	s2 =	sld [smem:$0x3FFC];
	_ =	sdelay $0x3  }
0x94: {  	_ =	strace s2  }
0x95: {  	s2 =	sld [smem:$0x3FFD];
	_ =	sdelay $0x3  }
0x96: {  	_ =	strace s2  }
0x97: {  	_ =	strace $0x8FFFFFFF  }
0x98: {  	s18 =	sld [smem:$0x3FDB];
	_ =	sdelay $0x1  }
0x99: {  	s19 =	simm.s32 $_scs_section_size  }
0x9a: {  	s4 =	simm.s32 $_size__tile_overlayer_lowered;
	s5 =	simm.s32 $_tile_overlayer_lowered  }
0x9b: {  	s22 =	simm.s32 $0x1BFF;
	s21 =	sshll.u32 s5, $0x1;
	s2 =	sadd.s32 s19, s18  }
0x9c: {  	s6 =	simm.s32 $0x0;
	s20 =	sshll.u32 s4, $0x1;
	s4 =	sadd.s32 s21, s2  }
0x9d: {  	[timem:s6], [sflag:s22] =	dma.local [hbm:s4], s20  }
0x9e: {  	_ =	swait.ge [sflag:s22], s20  }
0x9f: {  	s3 =	ssub.s32 $0x0, s20;
	[sflag:s22] =	ssyncset.done $0x0  }
0xa0: {  	[sflag:s22] =	ssyncadd.s32 s3;
	_ =	sdelay $0x1  }
0xa1: {  	s23 =	simm.s32 $0x1B8B  }
0xa2: {  	_ =	swait.ge [sflag:s23], $0x1  }
0xa3: {  	[sflag:s23] =	ssyncset.done $0x0  }
0xa4: {  	s25 =	simm.s32 $0x1B8E;
	s24 =	sld [smem:$0x3FFE];
	[sflag:s23] =	ssyncadd.s32 $0xFFFFFFFF  }
0xa5: {  	s26 =	simm.s32 $execute0_lowered;
	[smem:$0x3FD2] =	sst s25  }
0xa6: {  	s4 =	sshll.u32 s26, $0x1;
	_ =	strace $0x8000004F;
	[dreg:$0x1] =	wrdreg $0xFFFFFFFF  }
0xa7: {  	s28 =	simm.s32 $_size_execute0_lowered;
	s2 =	sadd.s32 s2, s4;
	[dreg:$0x0] =	wrdreg $0x0  }
0xa8: {  	s4 =	sshll.u32 s28, $0x1;
	[dreg:$0x2] =	wrdreg s2  }
0xa9: {  	[dreg:$0x3] =	wrdreg s4  }
0xaa: {  	[dreg:$0x4] =	wrdreg $0xC0  }
0xab: {  	_ =	task [dreg:s6], $0x5FFFF  }
0xac: {  	[dreg:$0x1] =	wrdreg $0xFFFFFFFF  }
0xad: {  	[dreg:$0x0] =	wrdreg $0x60  }
0xae: {  	[dreg:$0x2] =	wrdreg s24  }
0xaf: {  	[dreg:$0x3] =	wrdreg $0x0  }
0xb0: {  	[dreg:$0x4] =	wrdreg $0x9  }
0xb1: {  	_ =	task.clear_ibuf [dreg:s6], $0x5FFFF;
	_ =	strace $0x9000004F  }
0xb2: {  	s29 =	simm.s32 $0x9;
	_ =	strace $0x80000051  }
0xb3: {  	_ =	swait.ge [sflag:s29], $0x1  }
0xb4: {  	[sflag:s29] =	ssyncadd.s32 $0xFFFFFFFF  }
0xb5: {  	_ =	strace $0x90000051  }
0xb6: {  	_ =	sfence  }
0xb7: {  	s30 =	sld [smem:$0x0];
	_ =	sdelay $0x2  }
0xb8: {  	s31 =	sshll.u32 s1, $0xD;
	s1 =	sshrl.u32 s1, $0x2  }
0xb9: {  	s3 =	sand.u32 $0x4000, s31;
	s1 =	sadd.s32 s1, s30  }
0xba: {  	s0 =	sor.u32 s3, s0;
	s1 =	sshll.u32 s1, $0x11  }
0xbb: {  	s0 =	sor.u32 s1, s0  }
0xbc: {  	s0 =	sadd.s32 $0x8F2B, s0  }
0xbd: {  	[sflag:s0] =	ssyncadd.remote.s32 $0x1  }
0xbe: {  	_ =	sfence.sel $0xFFFF  }
0xbf: {  	[dreg:$0x0] =	wrdreg $0xFFFFFFFF;
	(pc) =	sbr.abs _section_cstart, $3  }
0xc0: {  	[dreg:$0x1] =	wrdreg $0xFFFFFFFF  }
0xc1: {  	_ =	task.clear_ibuf [dreg:s6], $0x2FFFF;
	_ =	strace $0x9FFFFFFF  }
0xc2: {  	(tm) =	ssettm $0x7FFFFFFF  }
0xc3: {  	_ =	shalt  }
tec
execute0_lowered:
.L_overlay_start_1:
0x0: {  	(tag) =	ssettag $0x1  }
0x1: {  	s0 =	rddreg [dreg:$0x0]  }
0x2: {  	s1 =	rddreg [dreg:$0x1]  }
0x3: {  	s2 =	srdreg.scid;
	s3 =	simm.s32 $0x0;
	s10 =	stileid.u32  }
0x4: {  	s28 =	simm.s32 $0x16400;
	s29 =	simm.s32 $0x16480;
	s30 =	simm.s32 $0x7  }
0x5: {  	s31 =	simm.s32 $0x1;
	s2 =	sand.u32 $0x1, s2;
	s6 =	smul.u32 $0x13C00, s10  }
0x6: {  	[smem:$0x7FF] =	sst s3;
	s4 =	sadd.s32 $0x17200, s0;
	s9 =	smul.u32 $0x4F000, s10  }
0x7: {  	s7 =	sadd.s32 $0x3800, s0;
	s16 =	sadd.s32 $0x3EA00, s0;
	s20 =	smul.u32 $0x2710, s10  }
0x8: {  	s11 =	sshll.u32 s10, $0x6;
	s5 =	smul.u32 $0x13C000, s2;
	_ =	strace $0x80000050  }
0x9: {  	[dreg:$0x3] =	wrdreg s16;
	s17 =	sshll.u32 s2, $0x4;
	s8 =	ssub.s32 $0x2, s2  }
0xa: {  	s2 =	smul.u32 $0x27100, s2;
	[dreg:$0x4] =	wrdreg s11;
	s22 =	sor.u32 $0x1C07, s11  }
0xb: {  	s18 =	sshrl.u32 s8, $0x1;
	s19 =	sshrl.u32 s9, $0x2;
	[dreg:$0x5] =	wrdreg s22  }
0xc: {  	s22 =	simm.s32 $0x1A500;
	s5 =	sadd.s32 s6, s5;
	s6 =	sor.u32 s10, s17  }
0xd: {  	s21 =	sadd.s32 s19, s1;
	s2 =	sadd.s32 s20, s2;
	s17 =	simm.s32 $0x13C00  }
0xe: {  	s19 =	simm.s32 $0x80;
	s20 =	simm.s32 $0x16500;
	s5 =	sshrl.u32 s5, $0x3  }
0xf: {  	s6 =	smul.u32 $0x2710, s6;
	s25 =	sadd.s32 $0x4E300, s2;
	s2 =	sadd.s32 $0x4E380, s2  }
0x10: {  	s16 =	sshrl.u32 s21, $0x3;
	s21 =	simm.s32 $0x5;
	s0 =	sadd.s32 s5, s0  }
0x11: {  	s5 =	ssub.s32 s8, s18;
	s26 =	sshrl.u32 s25, $0x3;
	s2 =	sshrl.u32 s2, $0x3  }
0x12: {  	s18 =	simm.s32 $0x8;
	s25 =	simm.s32 $0x1E500;
	s6 =	sshrl.u32 s6, $0x3  }
0x13: {  	s12 =	sadd.s32 $0x41200, s0;
	s13 =	smax.u32 s5, $0x1;
	s14 =	sadd.s32 s26, s7  }
0x14: {  	s15 =	sadd.s32 s2, s7;
	s26 =	simm.s32 $0x16380;
	s8 =	sadd.s32 s7, s6  }
0x15: {  	s0 =	simm.s32 $0x4;
	s2 =	simm.s32 $0x2;
	s6 =	sadd.s32 $0x9C40, s8  }
0x16: {  	s5 =	simm.s32 $0x6;
	s23 =	sadd.s32 $0x9C50, s8;
	[dreg:$0x6] =	wrdreg s6  }
0x17: {  	s7 =	simm.s32 $0x0;
	s24 =	sadd.s32 $0xA120, s8;
	[dreg:$0x7] =	wrdreg s23  }
0x18: {  	[dreg:$0x8] =	wrdreg s24;
	s23 =	simm.s32 $0x10;
	s24 =	simm.s32 $0x3  }
.LBB2_1:
0x19: {  	s6 =	rddreg [dreg:$0x3]  }
0x1a: {  	s9 =	rddreg [dreg:$0x5]  }
0x1b: {  	[spmem:s16], [sflag:s9] =	dma.local [hbm:s6], $0x2780  }
0x1c: {  	[tilespmem:s17], [sflag:$0x8] =	stream.linear.gather [hbm4b:s8+s3], $0x2710, $0x38;
	[tilespmem:$0x1ED00] =	vst v63  }
0x1d: {  	_ =	swait.ge [sflag:s18], $0x2710  }
0x1e: {  	[sflag:s18] =	ssyncset.done $0x0  }
0x1f: {  	[sflag:s18] =	ssyncadd.s32 $0xFFFFD8F0  }
0x20: {  	[tilespmem:s20], [sflag:$0x1] =	stream.indirect.gather [hbm4b:s4+s19], $0x80, s17, s19, $0xb8;
	[tilespmem:$0x1ED00] =	vst v63  }
0x21: {  	s10 =	simm.s32 $0x13C80  }
0x22: {  	[tilespmem:s22], [sflag:$0x2] =	stream.indirect.gather [hbm4b:s4+s19], $0x80, s10, s19, $0xb8;
	[tilespmem:$0x1ED00] =	vst v63  }
0x23: {  	s11 =	simm.s32 $0x16300  }
0x24: {  	[tilespmem:s25], [sflag:$0x3] =	stream.indirect.gather [hbm4b:s4+s23], $0x80, s11, s23, $0xb8;
	[tilespmem:$0x1ED00] =	vst v63  }
0x25: {  	s9 =	rddreg [dreg:$0x6]  }
0x26: {  	[tilespmem:s26], [sflag:$0x4] =	stream.linear.gather [hbm4b:s9+s3], $0x80, $0x38;
	[tilespmem:$0x1ED00] =	vst v63  }
0x27: {  	s10 =	rddreg [dreg:$0x7]  }
0x28: {  	[tilespmem:s28], [sflag:$0x5] =	stream.linear.gather [hbm4b:s10+s3], $0x80, $0x38;
	[tilespmem:$0x1ED00] =	vst v63  }
0x29: {  	s11 =	rddreg [dreg:$0x8]  }
0x2a: {  	[tilespmem:s29], [sflag:$0x6] =	stream.linear.gather [hbm4b:s11+s3], $0x10, $0x38;
	[tilespmem:$0x1ED00] =	vst v63  }
0x2b: {  	_ =	swait.ge [sflag:s30], $0x2780  }
0x2c: {  	[sflag:s30] =	ssyncset.done $0x0  }
0x2d: {  	[sflag:s30] =	ssyncadd.s32 $0xFFFFD880  }
0x2e: {  	[bflag:$0x0] =	sbarrier.arrive $0xFFFF  }
0x2f: {  	_ =	swait.ge [sflag:s31], $0x4000  }
0x30: {  	[sflag:s31] =	ssyncset.done $0x0  }
0x31: {  	[sflag:s31] =	ssyncadd.s32 $0xFFFFC000  }
0x32: {  	_ =	swait.ge [sflag:s0], $0x80  }
0x33: {  	[sflag:s0] =	ssyncset.done $0x0  }
0x34: {  	[sflag:s0] =	ssyncadd.s32 $0xFFFFFF80  }
0x35: {  	[spmem:s1] =	stream.indirect.scatter.add.f32 [tilespmem:s20], [sflag:$0x8], $0x80, s26, s19, $0xb8;
	[tilespmem:$0x1ED00] =	vst v63  }
0x36: {  	_ =	swait.ge [sflag:s18], $0x4000  }
0x37: {  	[sflag:s18] =	ssyncset.done $0x0  }
0x38: {  	s9 =	simm.s32 $0x13D00;
	[sflag:s18] =	ssyncadd.s32 $0xFFFFC000  }
0x39: {  	[tilespmem:s20], [sflag:$0x1] =	stream.indirect.gather [hbm4b:s4+s19], $0x80, s9, s19, $0xb8;
	[tilespmem:$0x1ED00] =	vst v63  }
0x3a: {  	s10 =	sadd.s32 $0x0, s14  }
0x3b: {  	[tilespmem:s26], [sflag:$0x4] =	stream.linear.gather [hbm4b:s10+s3], $0x80, $0x38;
	[tilespmem:$0x1ED00] =	vst v63  }
0x3c: {  	_ =	swait.ge [sflag:s2], $0x4000  }
0x3d: {  	[sflag:s2] =	ssyncset.done $0x0  }
0x3e: {  	[sflag:s2] =	ssyncadd.s32 $0xFFFFC000  }
0x3f: {  	_ =	swait.ge [sflag:s21], $0x80  }
0x40: {  	[sflag:s21] =	ssyncset.done $0x0  }
0x41: {  	[sflag:s21] =	ssyncadd.s32 $0xFFFFFF80  }
0x42: {  	[spmem:s1] =	stream.indirect.scatter.add.f32 [tilespmem:s22], [sflag:$0x8], $0x80, s28, s19, $0xb8;
	[tilespmem:$0x1ED00] =	vst v63  }
0x43: {  	_ =	swait.ge [sflag:s18], $0x4000  }
0x44: {  	s6 =	simm.s32 $0x13E00;
	s11 =	simm.s32 $0x13D80;
	[sflag:s18] =	ssyncset.done $0x0  }
0x45: {  	s9 =	simm.s32 $0x20;
	s10 =	sadd.s32 $0x0, s15;
	[sflag:s18] =	ssyncadd.s32 $0xFFFFC000  }
0x46: {  	[tilespmem:s22], [sflag:$0x2] =	stream.indirect.gather [hbm4b:s4+s19], $0x80, s11, s19, $0xb8;
	[tilespmem:$0x1ED00] =	vst v63  }
.LBB2_2:
0x47: {  	[tilespmem:s28], [sflag:$0x5] =	stream.linear.gather [hbm4b:s10+s3], $0x80, $0x38;
	[tilespmem:$0x1ED00] =	vst v63  }
0x48: {  	s10 =	smov.u32 s9  }
0x49: {  	p0 =	sne.s32 s9, $0x4A0;
	s9 =	sadd.s32 $0x20, s9;
	_ =	swait.ge [sflag:s31], $0x4000  }
0x4a: {  	[sflag:s31] =	ssyncset.done $0x0  }
0x4b: {  	[sflag:s31] =	ssyncadd.s32 $0xFFFFC000  }
0x4c: {  	_ =	swait.ge [sflag:s0], $0x80  }
0x4d: {  	[sflag:s0] =	ssyncset.done $0x0  }
0x4e: {  	[sflag:s0] =	ssyncadd.s32 $0xFFFFFF80  }
0x4f: {  	[spmem:s1] =	stream.indirect.scatter.add.f32 [tilespmem:s20], [sflag:$0x8], $0x80, s26, s19, $0xb8;
	[tilespmem:$0x1ED00] =	vst v63  }
0x50: {  	_ =	swait.ge [sflag:s18], $0x4000  }
0x51: {  	[sflag:s18] =	ssyncset.done $0x0  }
0x52: {  	[sflag:s18] =	ssyncadd.s32 $0xFFFFC000  }
0x53: {  	[tilespmem:s20], [sflag:$0x1] =	stream.indirect.gather [hbm4b:s4+s19], $0x80, s6, s19, $0xb8;
	[tilespmem:$0x1ED00] =	vst v63  }
0x54: {  	s11 =	sadd.s32 s10, s14  }
0x55: {  	[tilespmem:s26], [sflag:$0x4] =	stream.linear.gather [hbm4b:s11+s3], $0x80, $0x38;
	[tilespmem:$0x1ED00] =	vst v63  }
0x56: {  	_ =	swait.ge [sflag:s2], $0x4000  }
0x57: {  	[sflag:s2] =	ssyncset.done $0x0  }
0x58: {  	[sflag:s2] =	ssyncadd.s32 $0xFFFFC000  }
0x59: {  	_ =	swait.ge [sflag:s21], $0x80  }
0x5a: {  	[sflag:s21] =	ssyncset.done $0x0  }
0x5b: {  	[sflag:s21] =	ssyncadd.s32 $0xFFFFFF80  }
0x5c: {  	[spmem:s1] =	stream.indirect.scatter.add.f32 [tilespmem:s22], [sflag:$0x8], $0x80, s28, s19, $0xb8;
	[tilespmem:$0x1ED00] =	vst v63  }
.Ltmp0:
0x5d: {  	_ =	swait.ge [sflag:s18], $0x4000;
	(pc) =	sbr.rel @p0 .LBB2_2-.Ltmp0, $4  }
0x5e: {  	[sflag:s18] =	ssyncset.done $0x0  }
0x5f: {  	s11 =	sadd.s32 $0x80, s6;
	[sflag:s18] =	ssyncadd.s32 $0xFFFFC000  }
0x60: {  	[tilespmem:s22], [sflag:$0x2] =	stream.indirect.gather [hbm4b:s4+s19], $0x80, s11, s19, $0xb8;
	[tilespmem:$0x1ED00] =	vst v63  }
0x61: {  	s10 =	sadd.s32 s10, s15;
	s6 =	sadd.s32 $0x100, s6  }
0x62: {  	[tilespmem:s28], [sflag:$0x5] =	stream.linear.gather [hbm4b:s10+s3], $0x80, $0x38;
	[tilespmem:$0x1ED00] =	vst v63  }
0x63: {  	_ =	swait.ge [sflag:s31], $0x4000  }
0x64: {  	[sflag:s31] =	ssyncset.done $0x0  }
0x65: {  	[sflag:s31] =	ssyncadd.s32 $0xFFFFC000  }
0x66: {  	_ =	swait.ge [sflag:s0], $0x80  }
0x67: {  	[sflag:s0] =	ssyncset.done $0x0  }
0x68: {  	[sflag:s0] =	ssyncadd.s32 $0xFFFFFF80  }
0x69: {  	[spmem:s1] =	stream.indirect.scatter.add.f32 [tilespmem:s20], [sflag:$0x8], $0x80, s26, s19, $0xb8;
	[tilespmem:$0x1ED00] =	vst v63  }
0x6a: {  	_ =	swait.ge [sflag:s18], $0x4000  }
0x6b: {  	[sflag:s18] =	ssyncset.done $0x0  }
0x6c: {  	[sflag:s18] =	ssyncadd.s32 $0xFFFFC000  }
0x6d: {  	_ =	swait.ge [sflag:s2], $0x4000  }
0x6e: {  	[sflag:s2] =	ssyncset.done $0x0  }
0x6f: {  	[sflag:s2] =	ssyncadd.s32 $0xFFFFC000  }
0x70: {  	_ =	swait.ge [sflag:s21], $0x80  }
0x71: {  	[sflag:s21] =	ssyncset.done $0x0  }
0x72: {  	[sflag:s21] =	ssyncadd.s32 $0xFFFFFF80  }
0x73: {  	[spmem:s1] =	stream.indirect.scatter.add.f32 [tilespmem:s22], [sflag:$0x8], $0x80, s28, s19, $0xb8;
	[tilespmem:$0x1ED00] =	vst v63  }
0x74: {  	_ =	swait.ge [sflag:s18], $0x4000  }
0x75: {  	[sflag:s18] =	ssyncset.done $0x0  }
0x76: {  	[sflag:s18] =	ssyncadd.s32 $0xFFFFC000  }
0x77: {  	_ =	swait.ge [sflag:s24], $0x800  }
0x78: {  	[sflag:s24] =	ssyncset.done $0x0  }
0x79: {  	[sflag:s24] =	ssyncadd.s32 $0xFFFFF800  }
0x7a: {  	_ =	swait.ge [sflag:s5], $0x10  }
0x7b: {  	[sflag:s5] =	ssyncset.done $0x0  }
0x7c: {  	[sflag:s5] =	ssyncadd.s32 $0xFFFFFFF0  }
0x7d: {  	[spmem:s1] =	stream.indirect.scatter.add.f32 [tilespmem:s25], [sflag:$0x8], $0x80, s29, s23, $0xb8;
	[tilespmem:$0x1ED00] =	vst v63  }
0x7e: {  	_ =	swait.ge [sflag:s18], $0x800  }
0x7f: {  	[sflag:s18] =	ssyncset.done $0x0  }
0x80: {  	[sflag:s18] =	ssyncadd.s32 $0xFFFFF800  }
0x81: {  	s7 =	sadd.s32 $0x1, s7;
	[bflag:$0x0] =	sbarrier.arrive $0xFFFF  }
0x82: {  	p0 =	sne.s32 s7, s13;
	s6 =	rddreg [dreg:$0x4]  }
.Ltmp1:
0x83: {  	s6 =	sor.u32 $0x1C08, s6;
	(pc) =	sbr.rel @p0 .LBB2_1-.Ltmp1, $4  }
0x84: {  	[hbm:s12], [sflag:s6] =	dma.local [spmem:s16], $0x2780  }
0x85: {  	_ =	swait.ge [sflag:s18], $0x2780  }
0x86: {  	[sflag:s18] =	ssyncset.done $0x0  }
0x87: {  	[sflag:s18] =	ssyncadd.s32 $0xFFFFD880  }
0x88: {  	_ =	sfence.sel $0x180000  }
0x89: {  	[bflag:$0x0] =	sbarrier.arrive $0xFFFF  }
0x8a: {  	_ =	strace $0x90000050  }
0x8b: {  	s0 =	stileid.u32;
	[bflag:$0x2] =	sbarrier.arrive $0xFFFF  }
0x8c: {  	p0 =	sne.s32 s0, $0x0;
	s0 =	rddreg [dreg:$0x2]  }
0x8d: {  	s0 =	sadd.s32 @!p0 $0x100000, s0  }
0x8e: {  	[sflag:s0] =	ssyncadd.tile.s32 @!p0 $0x1;
	_ =	shalt  }
.Lfunc_end2:
_tile_overlayer_lowered:
.L_overlay_start_2:
0x8f: {  	(tag) =	ssettag $0x2  }
0x90: {  	s0 =	rddreg [dreg:$0x0];
	s2 =	stileid.u32  }
0x91: {  	s1 =	rddreg [dreg:$0x1];
	p0 =	sne.s32 s2, $0x0  }
0x92: {  	s3 =	rddreg [dreg:$0x2];
	[bflag:$0x3] =	sbarrier.arrive $0xFFFF;
	s2 =	simm.s32 @!p0 $0x1C08  }
0x93: {  	[timem:s3], [sflag:s2] =	dma.local @!p0 [hbm:s0], s1  }
0x94: {  	s0 =	simm.s32 @!p0 $0x8  }
0x95: {  	_ =	swait.ge @!p0 [sflag:s0], s1  }
0x96: {  	s1 =	ssub.s32 @!p0 $0x0, s1;
	[sflag:s0] =	ssyncset.done @!p0 $0x0  }
0x97: {  	[sflag:s0] =	ssyncadd.s32 @!p0 s1  }
0x98: {  	[bflag:$0x3] =	sbarrier.arrive $0xFFFF  }
0x99: {  	_ =	shalt  }

</sc_bundles>
